<compile_context>
chip_gen: v7x
topology: tpu7x:2x2x1
jax: 0.10.2.dev20260603
libtpu: 0.0.44.dev20260713+nightly
codegen_flags: <defaults>
</compile_context>

<pallas_src>
import functools

import numpy as np
import jax
import jax.numpy as jnp
from jax import lax
from jax.experimental import pallas as pl
from jax.experimental.pallas import tpu as pltpu
from jax.experimental.pallas import tpu_sc as plsc

_B, _T = 8, 8192
_WIN, _HOP, _NFFT = 400, 160, 512
_NMELS = 80
_NFRAMES = 1 + (_T - _WIN) // _HOP
_NBINS = _NFFT // 2 + 1
_KP = 384
_TDEC = _T - 2000
_TOUT = _TDEC - 160
_NQ = 256


def _make_consts():
    w = np.hanning(_WIN)
    n = np.arange(_WIN)
    k = np.arange(_NBINS)
    ang = 2.0 * np.pi * np.outer(n, k) / _NFFT
    cs = np.zeros((480, 2 * _KP), np.float32)
    cs[:_WIN, :_NBINS] = (w[:, None] * np.cos(ang)).astype(np.float32)
    cs[:_WIN, _KP:_KP + _NBINS] = (w[:, None] * np.sin(ang)).astype(np.float32)
    c0t = np.ascontiguousarray(cs[0:160].T)
    c1t = np.ascontiguousarray(cs[160:320].T)
    c2t = np.ascontiguousarray(cs[320:480].T)

    sr, nmels = 16000, _NMELS
    hz2mel = lambda f: 2595.0 * np.log10(1.0 + f / 700.0)
    mel2hz = lambda m: 700.0 * (10.0 ** (m / 2595.0) - 1.0)
    mel_pts = np.linspace(hz2mel(0.0), hz2mel(sr / 2.0), nmels + 2)
    bins = np.floor((_NFFT + 1) * mel2hz(mel_pts) / sr).astype(np.int64)
    fb = np.zeros((nmels, _KP), dtype=np.float32)
    for i in range(nmels):
        l, c, r = int(bins[i]), int(bins[i + 1]), int(bins[i + 2])
        for kk in range(l, c):
            fb[i, kk] = (kk - l) / max(c - l, 1)
        for kk in range(c, min(r, _NBINS)):
            fb[i, kk] = (r - kk) / max(r - c, 1)
    return c0t, c1t, c2t, fb


_C0T, _C1T, _C2T, _FB = _make_consts()
_INV_LOG1P_MU = 1.0 / np.log1p(255.0)


def _dot(a, b):
    return jax.lax.dot_general(
        a, b, (((1,), (0,)), ((), ())),
        precision=jax.lax.Precision.DEFAULT,
        preferred_element_type=jnp.float32)


def _prep_kernel(wav_ref, wavt_ref, c0_ref, c1_ref, c2_ref, fb_ref,
                 mel_ref, ids_ref, comp_ref):
    x = wav_ref[0]
    xd = x[:, 1000:1000 + _TDEC]
    mu = 255.0
    amp = jnp.sign(xd) * jnp.log1p(mu * jnp.abs(xd)) * _INV_LOG1P_MU
    quant = (amp + 1.0) * 0.5 * mu + 0.5
    ids = jnp.round(quant).astype(jnp.int32)
    comp_ref[0] = ids[:, 160:]
    ids_ref[0] = jnp.clip(ids, 0, _NQ - 1)

    wt = wavt_ref[0]
    a0 = wt[:, 0:_NFRAMES]
    a1 = wt[:, 1:1 + _NFRAMES]
    a2 = wt[:, 2:2 + _NFRAMES]
    m = (_dot(c0_ref[...], a0) + _dot(c1_ref[...], a1)
         + _dot(c2_ref[...], a2))
    p = m[:_KP, :] ** 2 + m[_KP:, :] ** 2
    mel = _dot(fb_ref[...], p)
    mel_ref[0] = jnp.log(mel + 1e-6)



_NW = 32
_VL = 16
_QROWS = 8
_BLK_PER_W = 64 // _QROWS
_NITER = _TDEC // _VL


def _sc_onehot(ids_hbm, oh_hbm, buf0, buf1, idb, sem0, sem1):
    wid = lax.axis_index("s") * 2 + lax.axis_index("c")
    b = wid // 4
    qbase = (wid % 4) * 64
    pltpu.sync_copy(ids_hbm.at[pl.ds(b * _TDEC, _TDEC)], idb)
    bufs = (buf0, buf1)
    sems = (sem0, sem1)
    one_v = jnp.full((_VL,), 1.0, jnp.float32)
    zero_v = jnp.zeros((_VL,), jnp.float32)
    for m in range(_BLK_PER_W):
        slot = m % 2
        buf, sem = bufs[slot], sems[slot]
        q0 = qbase + _QROWS * m
        if m >= 2:
            pltpu.make_async_copy(
                buf, oh_hbm.at[pl.ds(0, 1), pl.ds(0, _QROWS)], sem).wait()

        @plsc.parallel_loop(0, _NITER, 1, unroll=3)
        def _(i, q0=q0, buf=buf):
            ids_v = idb[pl.ds(i * _VL, _VL)]
            for r in range(_QROWS):
                buf[0, r, pl.ds(i * _VL, _VL)] = jnp.where(
                    ids_v == q0 + r, one_v, zero_v)
        pltpu.async_copy(
            buf, oh_hbm.at[pl.ds(b, 1), pl.ds(q0, _QROWS)], sem)
    for slot in (0, 1):
        pltpu.make_async_copy(
            bufs[slot], oh_hbm.at[pl.ds(0, 1), pl.ds(0, _QROWS)],
            sems[slot]).wait()


@functools.partial(
    pl.kernel,
    mesh=plsc.VectorSubcoreMesh(core_axis_name="c", subcore_axis_name="s"),
    out_type=jax.ShapeDtypeStruct((_B, _NQ, _TDEC), jnp.float32),
    scratch_types=[
        pltpu.VMEM((1, _QROWS, _TDEC), jnp.float32),
        pltpu.VMEM((1, _QROWS, _TDEC), jnp.float32),
        pltpu.VMEM((_TDEC,), jnp.int32),
        pltpu.SemaphoreType.DMA,
        pltpu.SemaphoreType.DMA,
    ],
)
def _sc_onehot_call(ids_hbm, oh_hbm, buf0, buf1, idb, sem0, sem1):
    _sc_onehot(ids_hbm, oh_hbm, buf0, buf1, idb, sem0, sem1)


def kernel(inds_np, wav_np, quant_onehot):
    wav3 = wav_np.reshape(_B, 1, _T)
    wav_pad = jnp.pad(wav_np, ((0, 0), (0, 52 * _HOP - _T)))
    wavt = jnp.transpose(wav_pad.reshape(_B, 52, _HOP), (0, 2, 1))

    mels, ids, comp = pl.pallas_call(
        _prep_kernel,
        grid=(_B,),
        in_specs=[
            pl.BlockSpec((1, 1, _T), lambda b: (b, 0, 0)),
            pl.BlockSpec((1, _HOP, 52), lambda b: (b, 0, 0)),
            pl.BlockSpec(_C0T.shape, lambda b: (0, 0)),
            pl.BlockSpec(_C1T.shape, lambda b: (0, 0)),
            pl.BlockSpec(_C2T.shape, lambda b: (0, 0)),
            pl.BlockSpec(_FB.shape, lambda b: (0, 0)),
        ],
        out_specs=[
            pl.BlockSpec((1, _NMELS, _NFRAMES), lambda b: (b, 0, 0)),
            pl.BlockSpec((1, 1, _TDEC), lambda b: (b, 0, 0)),
            pl.BlockSpec((1, 1, _TOUT), lambda b: (b, 0, 0)),
        ],
        out_shape=[
            jax.ShapeDtypeStruct((_B, _NMELS, _NFRAMES), jnp.float32),
            jax.ShapeDtypeStruct((_B, 1, _TDEC), jnp.int32),
            jax.ShapeDtypeStruct((_B, 1, _TOUT), jnp.int32),
        ],
    )(wav3, wavt, _C0T, _C1T, _C2T, _FB)

    oh = _sc_onehot_call(ids.reshape(_B * _TDEC))
    return (inds_np, mels, oh,
            comp.reshape(_B, _TOUT))

# --- scband reference (transcript-rebuilt; emitter-appended) ---
"""Pipeline reference for scband-pre-process-39831526703433 (READ-ONLY COPY).

The authoritative reference and input builder live on the scoring server;
editing this copy changes nothing except your own understanding.
"""

import jax, jax.numpy as jnp
import numpy as np

N_QUANT = 256
SR = 16000
WIN = 400
HOP = 160
NFFT = 512
N_MELS = 80
L_DEC, R_DEC = 1000, -1000
L_PRED, R_PRED = 160, 0
B, T = 8, 8192


def _hz_to_mel(f):
    return 2595.0 * np.log10(1.0 + f / 700.0)


def _mel_to_hz(m):
    return 700.0 * (10.0 ** (m / 2595.0) - 1.0)


def _make_mel_fb():
    n_freqs = NFFT // 2 + 1
    mel_pts = np.linspace(_hz_to_mel(0.0), _hz_to_mel(SR / 2.0), N_MELS + 2)
    hz_pts = _mel_to_hz(mel_pts)
    bins = np.floor((NFFT + 1) * hz_pts / SR).astype(np.int64)
    fb = np.zeros((N_MELS, n_freqs), dtype=np.float32)
    for i in range(N_MELS):
        l, c, r = int(bins[i]), int(bins[i + 1]), int(bins[i + 2])
        for k in range(l, c):
            fb[i, k] = (k - l) / max(c - l, 1)
        for k in range(c, min(r, n_freqs)):
            fb[i, k] = (r - k) / max(r - c, 1)
    return jnp.asarray(fb)


_MEL_FB = _make_mel_fb()
_WINDOW = jnp.asarray(np.hanning(WIN).astype(np.float32))


def _log_mel(wav):
    # jax translation of np.apply_along_axis(self.mfcc.func, 1, wav): per-row log-mel spectrogram
    n_frames = 1 + (wav.shape[1] - WIN) // HOP
    idx = np.arange(WIN)[None, :] + HOP * np.arange(n_frames)[:, None]
    frames = wav[:, idx] * _WINDOW  # (B, F, WIN)
    spec = jnp.fft.rfft(frames, n=NFFT, axis=-1)
    power = jnp.abs(spec) ** 2
    mel = jnp.einsum('bfk,mk->bmf', power, _MEL_FB)
    return jnp.log(mel + 1e-6)  # (B, n_mels, n_frames)


def _mu_encode(x, n_quanta):
    # util.mu_encode_torch
    mu = n_quanta - 1
    amp = jnp.sign(x) * jnp.log1p(mu * jnp.abs(x)) / np.log1p(mu)
    quant = (amp + 1.0) * 0.5 * mu + 0.5
    return jnp.round(quant).astype(jnp.int32)


def setup_inputs(seed: int = 0):
    key = jax.random.key(seed)
    k1, k2 = jax.random.split(key)
    inds_np = jax.random.randint(k1, (B,), 0, 100)
    wav_np = jax.random.uniform(k2, (B, T), dtype=jnp.float32)
    quant_onehot = jnp.eye(N_QUANT, dtype=jnp.float32)  # registered buffer
    return {"inds_np": inds_np, "wav_np": wav_np, "quant_onehot": quant_onehot}


def reference(inds_np, wav_np, quant_onehot):
    mels = _log_mel(wav_np)
    wav_dec = wav_np[:, L_DEC:(R_DEC or None)]
    wav_compand_dec = _mu_encode(wav_dec, N_QUANT)
    wav_compand_out = wav_compand_dec[:, L_PRED:(R_PRED or None)]
    # one_hot: gather rows of eye(Q) by quantized sample ids, then (B,T,Q)->(B,Q,T)
    wav_onehot_dec = jnp.transpose(jnp.take(quant_onehot, wav_compand_dec, axis=0), (0, 2, 1))
    return (inds_np, mels, wav_onehot_dec, wav_compand_out)

if __name__ == "__main__":
    import jax
    _d = setup_inputs()
    print(jax.jit(kernel)(*tuple(_d.values())))

</pallas_src>

<mosaic_0001>
#map = affine_map<(d0, d1) -> (0)>
#map1 = affine_map<(d0, d1) -> (0, 0, 0)>
module attributes {stable_mosaic.version = 14 : i64} {
  func.func @_sc_onehot_call(%arg0: i32, %arg1: i32, %arg2: memref<49536xi32, #tpu.memory_space<hbm>>, %arg3: memref<8x256x6192xf32, #tpu.memory_space<hbm>>, %arg4: memref<1x8x6192xf32, #tpu.memory_space<vmem>>, %arg5: memref<1x8x6192xf32, #tpu.memory_space<vmem>>, %arg6: memref<6192xi32, #tpu.memory_space<vmem>>, %arg7: memref<!tpu.dma_semaphore, #tpu.memory_space<semaphore_mem>>, %arg8: memref<!tpu.dma_semaphore, #tpu.memory_space<semaphore_mem>>) attributes {dimension_semantics = [#tpu.dimension_semantics<core_parallel>, #tpu.dimension_semantics<subcore_parallel>], iteration_bounds = array<i64: 2, 16>, scalar_prefetch = 0 : i64, scratch_operands = 5 : i64, tpu.core_type = #tpu.core_type<sc_vector_subcore>, window_params = [{transform_indices = #map}, {transform_indices = #map1}]} {
    %mul3A = arith.constant 2 : i32
    %mul3A_0 = arith.muli %arg1, %mul3A : i32
    %add3A = arith.addi %mul3A_0, %arg0 : i32
    %jit3A = arith.constant 4 : i32
    %div3A = arith.divsi %add3A, %jit3A : i32
    %sign3A = arith.constant 0 : i32
    %sign3A_1 = arith.cmpi sgt, %add3A, %sign3A : i32
    %sign3A_2 = arith.extui %sign3A_1 : i1 to i32
    %sign3A_3 = arith.constant 0 : i32
    %sign3A_4 = arith.cmpi slt, %add3A, %sign3A_3 : i32
    %sign3A_5 = arith.extui %sign3A_4 : i1 to i32
    %sign3A_6 = arith.subi %sign3A_2, %sign3A_5 : i32
    %sign3A_7 = arith.constant 0 : i32
    %sign3A_8 = arith.cmpi sgt, %jit3A, %sign3A_7 : i32
    %sign3A_9 = arith.extui %sign3A_8 : i1 to i32
    %sign3A_10 = arith.constant 0 : i32
    %sign3A_11 = arith.cmpi slt, %jit3A, %sign3A_10 : i32
    %sign3A_12 = arith.extui %sign3A_11 : i1 to i32
    %sign3A_13 = arith.subi %sign3A_9, %sign3A_12 : i32
    %ne3A = arith.cmpi ne, %sign3A_6, %sign3A_13 : i32
    %rem3A = arith.remsi %add3A, %jit3A : i32
    %ne3A_14 = arith.constant 0 : i32
    %ne3A_15 = arith.cmpi ne, %rem3A, %ne3A_14 : i32
    %and3A = arith.andi %ne3A, %ne3A_15 : i1
    %sub3A = arith.constant 1 : i32
    %sub3A_16 = arith.subi %div3A, %sub3A : i32
    %select_n3A = arith.select %and3A, %sub3A_16, %div3A : i32
    %jit3A_17 = arith.constant 4 : i32
    %eq3A = arith.constant 0 : i32
    %eq3A_18 = arith.cmpi eq, %jit3A_17, %eq3A : i32
    %jit3A_19 = arith.constant 1 : i32
    %select_n3A_20 = arith.select %eq3A_18, %jit3A_19, %jit3A_17 : i32
    %rem3A_21 = arith.remsi %add3A, %select_n3A_20 : i32
    %ne3A_22 = arith.constant 0 : i32
    %ne3A_23 = arith.cmpi ne, %rem3A_21, %ne3A_22 : i32
    %lt3A = arith.constant 0 : i32
    %lt3A_24 = arith.cmpi slt, %rem3A_21, %lt3A : i32
    %lt3A_25 = arith.constant 0 : i32
    %lt3A_26 = arith.cmpi slt, %select_n3A_20, %lt3A_25 : i32
    %ne3A_27 = arith.xori %lt3A_24, %lt3A_26 : i1
    %and3A_28 = arith.andi %ne3A_27, %ne3A_23 : i1
    %add3A_29 = arith.addi %rem3A_21, %select_n3A_20 : i32
    %select_n3A_30 = arith.select %and3A_28, %add3A_29, %rem3A_21 : i32
    %mul3A_31 = arith.constant 64 : i32
    %mul3A_32 = arith.muli %select_n3A_30, %mul3A_31 : i32
    %mul3A_33 = arith.constant 6192 : i32
    %mul3A_34 = arith.muli %select_n3A, %mul3A_33 : i32
    "tpu.region"() ({
      %run_scoped3A = tpu.sem_alloc : memref<!tpu.dma_semaphore, #tpu.memory_space<semaphore_mem>>
      %dma_start3A_171 = tpu.memref_slice %arg2[%mul3A_34] : memref<49536xi32, #tpu.memory_space<hbm>> -> memref<6192xi32, #tpu.memory_space<hbm>>
      %dma_start3A_172 = tpu.memref_slice %arg2[%mul3A_34] : memref<49536xi32, #tpu.memory_space<hbm>> -> memref<6192xi32, #tpu.memory_space<hbm>>
      tpu.enqueue_dma source(%dma_start3A_172 : memref<6192xi32, #tpu.memory_space<hbm>>) target(%arg6 : memref<6192xi32, #tpu.memory_space<vmem>>) target_semaphore(%run_scoped3A : memref<!tpu.dma_semaphore, #tpu.memory_space<semaphore_mem>>)
      %dma_wait3A_173 = tpu.memref_slice %arg2[%mul3A_34] : memref<49536xi32, #tpu.memory_space<hbm>> -> memref<6192xi32, #tpu.memory_space<hbm>>
      %dma_wait3A_174 = tpu.memref_slice %arg2[%mul3A_34] : memref<49536xi32, #tpu.memory_space<hbm>> -> memref<6192xi32, #tpu.memory_space<hbm>>
      tpu.wait_dma2 semaphore(%run_scoped3A : memref<!tpu.dma_semaphore, #tpu.memory_space<semaphore_mem>>) src(%dma_wait3A_174 : memref<6192xi32, #tpu.memory_space<hbm>>) dst(%arg6 : memref<6192xi32, #tpu.memory_space<vmem>>)
      tpu.yield
    }) : () -> ()
    %broadcast_in_dim3A = arith.constant 1.000000e+00 : f32
    %broadcast_in_dim3A_35 = vector.broadcast %broadcast_in_dim3A : f32 to vector<16xf32>
    %broadcast_in_dim3A_36 = arith.constant 0.000000e+00 : f32
    %broadcast_in_dim3A_37 = vector.broadcast %broadcast_in_dim3A_36 : f32 to vector<16xf32>
    %add3A_38 = arith.constant 0 : i32
    %add3A_39 = arith.addi %mul3A_32, %add3A_38 : i32
    %parallel_loop3A = arith.constant 0 : i32
    %parallel_loop3A_40 = arith.constant 387 : i32
    %parallel_loop3A_41 = arith.constant 1 : i32
    scf.for %parallel_loop3A_171 = %parallel_loop3A to %parallel_loop3A_40 step %parallel_loop3A_41  : i32 {
      %parallel_loop3A_172 = arith.constant 16 : i32
      %parallel_loop3A_173 = arith.muli %parallel_loop3A_171, %parallel_loop3A_172 : i32
      %parallel_loop3A_174 = arith.index_cast %parallel_loop3A_173 : i32 to index
      %parallel_loop3A_175 = tpu.vector_load %arg6[%parallel_loop3A_174] {strides = array<i32>} : memref<6192xi32, #tpu.memory_space<vmem>>, vector<16xi32>,
      %parallel_loop3A_176 = vector.shape_cast %parallel_loop3A_175 : vector<16xi32> to vector<16xi32>
      %parallel_loop3A_177 = arith.constant 0 : i32
      %parallel_loop3A_178 = arith.addi %add3A_39, %parallel_loop3A_177 : i32
      %parallel_loop3A_179 = vector.broadcast %parallel_loop3A_178 : i32 to vector<16xi32>
      %parallel_loop3A_180 = arith.cmpi eq, %parallel_loop3A_176, %parallel_loop3A_179 : vector<16xi32>
      %parallel_loop3A_181 = arith.select %parallel_loop3A_180, %broadcast_in_dim3A_35, %broadcast_in_dim3A_37 : vector<16xi1>, vector<16xf32>
      %parallel_loop3A_182 = arith.constant 16 : i32
      %parallel_loop3A_183 = arith.muli %parallel_loop3A_171, %parallel_loop3A_182 : i32
      %parallel_loop3A_184 = arith.constant 0 : i32
      %parallel_loop3A_185 = arith.constant 0 : i32
      %parallel_loop3A_186 = arith.index_cast %parallel_loop3A_184 : i32 to index
      %parallel_loop3A_187 = arith.index_cast %parallel_loop3A_185 : i32 to index
      %parallel_loop3A_188 = arith.index_cast %parallel_loop3A_183 : i32 to index
      %parallel_loop3A_189 = tpu.vector_load %arg4[%parallel_loop3A_186, %parallel_loop3A_187, %parallel_loop3A_188] {strides = array<i32>} : memref<1x8x6192xf32, #tpu.memory_space<vmem>>, vector<1x1x16xf32>,
      %parallel_loop3A_190 = vector.shape_cast %parallel_loop3A_189 : vector<1x1x16xf32> to vector<16xf32>
      %parallel_loop3A_191 = vector.shape_cast %parallel_loop3A_181 : vector<16xf32> to vector<1x1x16xf32>
      tpu.vector_store %arg4[%parallel_loop3A_186, %parallel_loop3A_187, %parallel_loop3A_188], %parallel_loop3A_191 {strides = array<i32>} : memref<1x8x6192xf32, #tpu.memory_space<vmem>>, vector<1x1x16xf32>,
      %parallel_loop3A_192 = arith.constant 1 : i32
      %parallel_loop3A_193 = arith.addi %add3A_39, %parallel_loop3A_192 : i32
      %parallel_loop3A_194 = vector.broadcast %parallel_loop3A_193 : i32 to vector<16xi32>
      %parallel_loop3A_195 = arith.cmpi eq, %parallel_loop3A_176, %parallel_loop3A_194 : vector<16xi32>
      %parallel_loop3A_196 = arith.select %parallel_loop3A_195, %broadcast_in_dim3A_35, %broadcast_in_dim3A_37 : vector<16xi1>, vector<16xf32>
      %parallel_loop3A_197 = arith.constant 16 : i32
      %parallel_loop3A_198 = arith.muli %parallel_loop3A_171, %parallel_loop3A_197 : i32
      %parallel_loop3A_199 = arith.constant 0 : i32
      %parallel_loop3A_200 = arith.constant 1 : i32
      %parallel_loop3A_201 = arith.index_cast %parallel_loop3A_199 : i32 to index
      %parallel_loop3A_202 = arith.index_cast %parallel_loop3A_200 : i32 to index
      %parallel_loop3A_203 = arith.index_cast %parallel_loop3A_198 : i32 to index
      %parallel_loop3A_204 = tpu.vector_load %arg4[%parallel_loop3A_201, %parallel_loop3A_202, %parallel_loop3A_203] {strides = array<i32>} : memref<1x8x6192xf32, #tpu.memory_space<vmem>>, vector<1x1x16xf32>,
      %parallel_loop3A_205 = vector.shape_cast %parallel_loop3A_204 : vector<1x1x16xf32> to vector<16xf32>
      %parallel_loop3A_206 = vector.shape_cast %parallel_loop3A_196 : vector<16xf32> to vector<1x1x16xf32>
      tpu.vector_store %arg4[%parallel_loop3A_201, %parallel_loop3A_202, %parallel_loop3A_203], %parallel_loop3A_206 {strides = array<i32>} : memref<1x8x6192xf32, #tpu.memory_space<vmem>>, vector<1x1x16xf32>,
      %parallel_loop3A_207 = arith.constant 2 : i32
      %parallel_loop3A_208 = arith.addi %add3A_39, %parallel_loop3A_207 : i32
      %parallel_loop3A_209 = vector.broadcast %parallel_loop3A_208 : i32 to vector<16xi32>
      %parallel_loop3A_210 = arith.cmpi eq, %parallel_loop3A_176, %parallel_loop3A_209 : vector<16xi32>
      %parallel_loop3A_211 = arith.select %parallel_loop3A_210, %broadcast_in_dim3A_35, %broadcast_in_dim3A_37 : vector<16xi1>, vector<16xf32>
      %parallel_loop3A_212 = arith.constant 16 : i32
      %parallel_loop3A_213 = arith.muli %parallel_loop3A_171, %parallel_loop3A_212 : i32
      %parallel_loop3A_214 = arith.constant 0 : i32
      %parallel_loop3A_215 = arith.constant 2 : i32
      %parallel_loop3A_216 = arith.index_cast %parallel_loop3A_214 : i32 to index
      %parallel_loop3A_217 = arith.index_cast %parallel_loop3A_215 : i32 to index
      %parallel_loop3A_218 = arith.index_cast %parallel_loop3A_213 : i32 to index
      %parallel_loop3A_219 = tpu.vector_load %arg4[%parallel_loop3A_216, %parallel_loop3A_217, %parallel_loop3A_218] {strides = array<i32>} : memref<1x8x6192xf32, #tpu.memory_space<vmem>>, vector<1x1x16xf32>,
      %parallel_loop3A_220 = vector.shape_cast %parallel_loop3A_219 : vector<1x1x16xf32> to vector<16xf32>
      %parallel_loop3A_221 = vector.shape_cast %parallel_loop3A_211 : vector<16xf32> to vector<1x1x16xf32>
      tpu.vector_store %arg4[%parallel_loop3A_216, %parallel_loop3A_217, %parallel_loop3A_218], %parallel_loop3A_221 {strides = array<i32>} : memref<1x8x6192xf32, #tpu.memory_space<vmem>>, vector<1x1x16xf32>,
      %parallel_loop3A_222 = arith.constant 3 : i32
      %parallel_loop3A_223 = arith.addi %add3A_39, %parallel_loop3A_222 : i32
      %parallel_loop3A_224 = vector.broadcast %parallel_loop3A_223 : i32 to vector<16xi32>
      %parallel_loop3A_225 = arith.cmpi eq, %parallel_loop3A_176, %parallel_loop3A_224 : vector<16xi32>
      %parallel_loop3A_226 = arith.select %parallel_loop3A_225, %broadcast_in_dim3A_35, %broadcast_in_dim3A_37 : vector<16xi1>, vector<16xf32>
      %parallel_loop3A_227 = arith.constant 16 : i32
      %parallel_loop3A_228 = arith.muli %parallel_loop3A_171, %parallel_loop3A_227 : i32
      %parallel_loop3A_229 = arith.constant 0 : i32
      %parallel_loop3A_230 = arith.constant 3 : i32
      %parallel_loop3A_231 = arith.index_cast %parallel_loop3A_229 : i32 to index
      %parallel_loop3A_232 = arith.index_cast %parallel_loop3A_230 : i32 to index
      %parallel_loop3A_233 = arith.index_cast %parallel_loop3A_228 : i32 to index
      %parallel_loop3A_234 = tpu.vector_load %arg4[%parallel_loop3A_231, %parallel_loop3A_232, %parallel_loop3A_233] {strides = array<i32>} : memref<1x8x6192xf32, #tpu.memory_space<vmem>>, vector<1x1x16xf32>,
      %parallel_loop3A_235 = vector.shape_cast %parallel_loop3A_234 : vector<1x1x16xf32> to vector<16xf32>
      %parallel_loop3A_236 = vector.shape_cast %parallel_loop3A_226 : vector<16xf32> to vector<1x1x16xf32>
      tpu.vector_store %arg4[%parallel_loop3A_231, %parallel_loop3A_232, %parallel_loop3A_233], %parallel_loop3A_236 {strides = array<i32>} : memref<1x8x6192xf32, #tpu.memory_space<vmem>>, vector<1x1x16xf32>,
      %parallel_loop3A_237 = arith.constant 4 : i32
      %parallel_loop3A_238 = arith.addi %add3A_39, %parallel_loop3A_237 : i32
      %parallel_loop3A_239 = vector.broadcast %parallel_loop3A_238 : i32 to vector<16xi32>
      %parallel_loop3A_240 = arith.cmpi eq, %parallel_loop3A_176, %parallel_loop3A_239 : vector<16xi32>
      %parallel_loop3A_241 = arith.select %parallel_loop3A_240, %broadcast_in_dim3A_35, %broadcast_in_dim3A_37 : vector<16xi1>, vector<16xf32>
      %parallel_loop3A_242 = arith.constant 16 : i32
      %parallel_loop3A_243 = arith.muli %parallel_loop3A_171, %parallel_loop3A_242 : i32
      %parallel_loop3A_244 = arith.constant 0 : i32
      %parallel_loop3A_245 = arith.constant 4 : i32
      %parallel_loop3A_246 = arith.index_cast %parallel_loop3A_244 : i32 to index
      %parallel_loop3A_247 = arith.index_cast %parallel_loop3A_245 : i32 to index
      %parallel_loop3A_248 = arith.index_cast %parallel_loop3A_243 : i32 to index
      %parallel_loop3A_249 = tpu.vector_load %arg4[%parallel_loop3A_246, %parallel_loop3A_247, %parallel_loop3A_248] {strides = array<i32>} : memref<1x8x6192xf32, #tpu.memory_space<vmem>>, vector<1x1x16xf32>,
      %parallel_loop3A_250 = vector.shape_cast %parallel_loop3A_249 : vector<1x1x16xf32> to vector<16xf32>
      %parallel_loop3A_251 = vector.shape_cast %parallel_loop3A_241 : vector<16xf32> to vector<1x1x16xf32>
      tpu.vector_store %arg4[%parallel_loop3A_246, %parallel_loop3A_247, %parallel_loop3A_248], %parallel_loop3A_251 {strides = array<i32>} : memref<1x8x6192xf32, #tpu.memory_space<vmem>>, vector<1x1x16xf32>,
      %parallel_loop3A_252 = arith.constant 5 : i32
      %parallel_loop3A_253 = arith.addi %add3A_39, %parallel_loop3A_252 : i32
      %parallel_loop3A_254 = vector.broadcast %parallel_loop3A_253 : i32 to vector<16xi32>
      %parallel_loop3A_255 = arith.cmpi eq, %parallel_loop3A_176, %parallel_loop3A_254 : vector<16xi32>
      %parallel_loop3A_256 = arith.select %parallel_loop3A_255, %broadcast_in_dim3A_35, %broadcast_in_dim3A_37 : vector<16xi1>, vector<16xf32>
      %parallel_loop3A_257 = arith.constant 16 : i32
      %parallel_loop3A_258 = arith.muli %parallel_loop3A_171, %parallel_loop3A_257 : i32
      %parallel_loop3A_259 = arith.constant 0 : i32
      %parallel_loop3A_260 = arith.constant 5 : i32
      %parallel_loop3A_261 = arith.index_cast %parallel_loop3A_259 : i32 to index
      %parallel_loop3A_262 = arith.index_cast %parallel_loop3A_260 : i32 to index
      %parallel_loop3A_263 = arith.index_cast %parallel_loop3A_258 : i32 to index
      %parallel_loop3A_264 = tpu.vector_load %arg4[%parallel_loop3A_261, %parallel_loop3A_262, %parallel_loop3A_263] {strides = array<i32>} : memref<1x8x6192xf32, #tpu.memory_space<vmem>>, vector<1x1x16xf32>,
      %parallel_loop3A_265 = vector.shape_cast %parallel_loop3A_264 : vector<1x1x16xf32> to vector<16xf32>
      %parallel_loop3A_266 = vector.shape_cast %parallel_loop3A_256 : vector<16xf32> to vector<1x1x16xf32>
      tpu.vector_store %arg4[%parallel_loop3A_261, %parallel_loop3A_262, %parallel_loop3A_263], %parallel_loop3A_266 {strides = array<i32>} : memref<1x8x6192xf32, #tpu.memory_space<vmem>>, vector<1x1x16xf32>,
      %parallel_loop3A_267 = arith.constant 6 : i32
      %parallel_loop3A_268 = arith.addi %add3A_39, %parallel_loop3A_267 : i32
      %parallel_loop3A_269 = vector.broadcast %parallel_loop3A_268 : i32 to vector<16xi32>
      %parallel_loop3A_270 = arith.cmpi eq, %parallel_loop3A_176, %parallel_loop3A_269 : vector<16xi32>
      %parallel_loop3A_271 = arith.select %parallel_loop3A_270, %broadcast_in_dim3A_35, %broadcast_in_dim3A_37 : vector<16xi1>, vector<16xf32>
      %parallel_loop3A_272 = arith.constant 16 : i32
      %parallel_loop3A_273 = arith.muli %parallel_loop3A_171, %parallel_loop3A_272 : i32
      %parallel_loop3A_274 = arith.constant 0 : i32
      %parallel_loop3A_275 = arith.constant 6 : i32
      %parallel_loop3A_276 = arith.index_cast %parallel_loop3A_274 : i32 to index
      %parallel_loop3A_277 = arith.index_cast %parallel_loop3A_275 : i32 to index
      %parallel_loop3A_278 = arith.index_cast %parallel_loop3A_273 : i32 to index
      %parallel_loop3A_279 = tpu.vector_load %arg4[%parallel_loop3A_276, %parallel_loop3A_277, %parallel_loop3A_278] {strides = array<i32>} : memref<1x8x6192xf32, #tpu.memory_space<vmem>>, vector<1x1x16xf32>,
      %parallel_loop3A_280 = vector.shape_cast %parallel_loop3A_279 : vector<1x1x16xf32> to vector<16xf32>
      %parallel_loop3A_281 = vector.shape_cast %parallel_loop3A_271 : vector<16xf32> to vector<1x1x16xf32>
      tpu.vector_store %arg4[%parallel_loop3A_276, %parallel_loop3A_277, %parallel_loop3A_278], %parallel_loop3A_281 {strides = array<i32>} : memref<1x8x6192xf32, #tpu.memory_space<vmem>>, vector<1x1x16xf32>,
      %parallel_loop3A_282 = arith.constant 7 : i32
      %parallel_loop3A_283 = arith.addi %add3A_39, %parallel_loop3A_282 : i32
      %parallel_loop3A_284 = vector.broadcast %parallel_loop3A_283 : i32 to vector<16xi32>
      %parallel_loop3A_285 = arith.cmpi eq, %parallel_loop3A_176, %parallel_loop3A_284 : vector<16xi32>
      %parallel_loop3A_286 = arith.select %parallel_loop3A_285, %broadcast_in_dim3A_35, %broadcast_in_dim3A_37 : vector<16xi1>, vector<16xf32>
      %parallel_loop3A_287 = arith.constant 16 : i32
      %parallel_loop3A_288 = arith.muli %parallel_loop3A_171, %parallel_loop3A_287 : i32
      %parallel_loop3A_289 = arith.constant 0 : i32
      %parallel_loop3A_290 = arith.constant 7 : i32
      %parallel_loop3A_291 = arith.index_cast %parallel_loop3A_289 : i32 to index
      %parallel_loop3A_292 = arith.index_cast %parallel_loop3A_290 : i32 to index
      %parallel_loop3A_293 = arith.index_cast %parallel_loop3A_288 : i32 to index
      %parallel_loop3A_294 = tpu.vector_load %arg4[%parallel_loop3A_291, %parallel_loop3A_292, %parallel_loop3A_293] {strides = array<i32>} : memref<1x8x6192xf32, #tpu.memory_space<vmem>>, vector<1x1x16xf32>,
      %parallel_loop3A_295 = vector.shape_cast %parallel_loop3A_294 : vector<1x1x16xf32> to vector<16xf32>
      %parallel_loop3A_296 = vector.shape_cast %parallel_loop3A_286 : vector<16xf32> to vector<1x1x16xf32>
      tpu.vector_store %arg4[%parallel_loop3A_291, %parallel_loop3A_292, %parallel_loop3A_293], %parallel_loop3A_296 {strides = array<i32>} : memref<1x8x6192xf32, #tpu.memory_space<vmem>>, vector<1x1x16xf32>,
    } {sc.loop_unroll_factor = 3 : i64, sc.parallel_access}
    %dma_start3A = arith.constant 0 : i32
    %dma_start3A_42 = tpu.memref_slice %arg3[%select_n3A, %add3A_39, %dma_start3A] : memref<8x256x6192xf32, #tpu.memory_space<hbm>> -> memref<1x8x6192xf32, #tpu.memory_space<hbm>>
    %dma_start3A_43 = arith.constant 0 : i32
    %dma_start3A_44 = tpu.memref_slice %arg3[%select_n3A, %add3A_39, %dma_start3A_43] : memref<8x256x6192xf32, #tpu.memory_space<hbm>> -> memref<1x8x6192xf32, #tpu.memory_space<hbm>>
    tpu.enqueue_dma source(%arg4 : memref<1x8x6192xf32, #tpu.memory_space<vmem>>) target(%dma_start3A_44 : memref<1x8x6192xf32, #tpu.memory_space<hbm>>) target_semaphore(%arg7 : memref<!tpu.dma_semaphore, #tpu.memory_space<semaphore_mem>>)
    %add3A_45 = arith.constant 8 : i32
    %add3A_46 = arith.addi %mul3A_32, %add3A_45 : i32
    %parallel_loop3A_47 = arith.constant 0 : i32
    %parallel_loop3A_48 = arith.constant 387 : i32
    %parallel_loop3A_49 = arith.constant 1 : i32
    scf.for %parallel_loop3A_171 = %parallel_loop3A_47 to %parallel_loop3A_48 step %parallel_loop3A_49  : i32 {
      %parallel_loop3A_172 = arith.constant 16 : i32
      %parallel_loop3A_173 = arith.muli %parallel_loop3A_171, %parallel_loop3A_172 : i32
      %parallel_loop3A_174 = arith.index_cast %parallel_loop3A_173 : i32 to index
      %parallel_loop3A_175 = tpu.vector_load %arg6[%parallel_loop3A_174] {strides = array<i32>} : memref<6192xi32, #tpu.memory_space<vmem>>, vector<16xi32>,
      %parallel_loop3A_176 = vector.shape_cast %parallel_loop3A_175 : vector<16xi32> to vector<16xi32>
      %parallel_loop3A_177 = arith.constant 0 : i32
      %parallel_loop3A_178 = arith.addi %add3A_46, %parallel_loop3A_177 : i32
      %parallel_loop3A_179 = vector.broadcast %parallel_loop3A_178 : i32 to vector<16xi32>
      %parallel_loop3A_180 = arith.cmpi eq, %parallel_loop3A_176, %parallel_loop3A_179 : vector<16xi32>
      %parallel_loop3A_181 = arith.select %parallel_loop3A_180, %broadcast_in_dim3A_35, %broadcast_in_dim3A_37 : vector<16xi1>, vector<16xf32>
      %parallel_loop3A_182 = arith.constant 16 : i32
      %parallel_loop3A_183 = arith.muli %parallel_loop3A_171, %parallel_loop3A_182 : i32
      %parallel_loop3A_184 = arith.constant 0 : i32
      %parallel_loop3A_185 = arith.constant 0 : i32
      %parallel_loop3A_186 = arith.index_cast %parallel_loop3A_184 : i32 to index
      %parallel_loop3A_187 = arith.index_cast %parallel_loop3A_185 : i32 to index
      %parallel_loop3A_188 = arith.index_cast %parallel_loop3A_183 : i32 to index
      %parallel_loop3A_189 = tpu.vector_load %arg5[%parallel_loop3A_186, %parallel_loop3A_187, %parallel_loop3A_188] {strides = array<i32>} : memref<1x8x6192xf32, #tpu.memory_space<vmem>>, vector<1x1x16xf32>,
      %parallel_loop3A_190 = vector.shape_cast %parallel_loop3A_189 : vector<1x1x16xf32> to vector<16xf32>
      %parallel_loop3A_191 = vector.shape_cast %parallel_loop3A_181 : vector<16xf32> to vector<1x1x16xf32>
      tpu.vector_store %arg5[%parallel_loop3A_186, %parallel_loop3A_187, %parallel_loop3A_188], %parallel_loop3A_191 {strides = array<i32>} : memref<1x8x6192xf32, #tpu.memory_space<vmem>>, vector<1x1x16xf32>,
      %parallel_loop3A_192 = arith.constant 1 : i32
      %parallel_loop3A_193 = arith.addi %add3A_46, %parallel_loop3A_192 : i32
      %parallel_loop3A_194 = vector.broadcast %parallel_loop3A_193 : i32 to vector<16xi32>
      %parallel_loop3A_195 = arith.cmpi eq, %parallel_loop3A_176, %parallel_loop3A_194 : vector<16xi32>
      %parallel_loop3A_196 = arith.select %parallel_loop3A_195, %broadcast_in_dim3A_35, %broadcast_in_dim3A_37 : vector<16xi1>, vector<16xf32>
      %parallel_loop3A_197 = arith.constant 16 : i32
      %parallel_loop3A_198 = arith.muli %parallel_loop3A_171, %parallel_loop3A_197 : i32
      %parallel_loop3A_199 = arith.constant 0 : i32
      %parallel_loop3A_200 = arith.constant 1 : i32
      %parallel_loop3A_201 = arith.index_cast %parallel_loop3A_199 : i32 to index
      %parallel_loop3A_202 = arith.index_cast %parallel_loop3A_200 : i32 to index
      %parallel_loop3A_203 = arith.index_cast %parallel_loop3A_198 : i32 to index
      %parallel_loop3A_204 = tpu.vector_load %arg5[%parallel_loop3A_201, %parallel_loop3A_202, %parallel_loop3A_203] {strides = array<i32>} : memref<1x8x6192xf32, #tpu.memory_space<vmem>>, vector<1x1x16xf32>,
      %parallel_loop3A_205 = vector.shape_cast %parallel_loop3A_204 : vector<1x1x16xf32> to vector<16xf32>
      %parallel_loop3A_206 = vector.shape_cast %parallel_loop3A_196 : vector<16xf32> to vector<1x1x16xf32>
      tpu.vector_store %arg5[%parallel_loop3A_201, %parallel_loop3A_202, %parallel_loop3A_203], %parallel_loop3A_206 {strides = array<i32>} : memref<1x8x6192xf32, #tpu.memory_space<vmem>>, vector<1x1x16xf32>,
      %parallel_loop3A_207 = arith.constant 2 : i32
      %parallel_loop3A_208 = arith.addi %add3A_46, %parallel_loop3A_207 : i32
      %parallel_loop3A_209 = vector.broadcast %parallel_loop3A_208 : i32 to vector<16xi32>
      %parallel_loop3A_210 = arith.cmpi eq, %parallel_loop3A_176, %parallel_loop3A_209 : vector<16xi32>
      %parallel_loop3A_211 = arith.select %parallel_loop3A_210, %broadcast_in_dim3A_35, %broadcast_in_dim3A_37 : vector<16xi1>, vector<16xf32>
      %parallel_loop3A_212 = arith.constant 16 : i32
      %parallel_loop3A_213 = arith.muli %parallel_loop3A_171, %parallel_loop3A_212 : i32
      %parallel_loop3A_214 = arith.constant 0 : i32
      %parallel_loop3A_215 = arith.constant 2 : i32
      %parallel_loop3A_216 = arith.index_cast %parallel_loop3A_214 : i32 to index
      %parallel_loop3A_217 = arith.index_cast %parallel_loop3A_215 : i32 to index
      %parallel_loop3A_218 = arith.index_cast %parallel_loop3A_213 : i32 to index
      %parallel_loop3A_219 = tpu.vector_load %arg5[%parallel_loop3A_216, %parallel_loop3A_217, %parallel_loop3A_218] {strides = array<i32>} : memref<1x8x6192xf32, #tpu.memory_space<vmem>>, vector<1x1x16xf32>,
      %parallel_loop3A_220 = vector.shape_cast %parallel_loop3A_219 : vector<1x1x16xf32> to vector<16xf32>
      %parallel_loop3A_221 = vector.shape_cast %parallel_loop3A_211 : vector<16xf32> to vector<1x1x16xf32>
      tpu.vector_store %arg5[%parallel_loop3A_216, %parallel_loop3A_217, %parallel_loop3A_218], %parallel_loop3A_221 {strides = array<i32>} : memref<1x8x6192xf32, #tpu.memory_space<vmem>>, vector<1x1x16xf32>,
      %parallel_loop3A_222 = arith.constant 3 : i32
      %parallel_loop3A_223 = arith.addi %add3A_46, %parallel_loop3A_222 : i32
      %parallel_loop3A_224 = vector.broadcast %parallel_loop3A_223 : i32 to vector<16xi32>
      %parallel_loop3A_225 = arith.cmpi eq, %parallel_loop3A_176, %parallel_loop3A_224 : vector<16xi32>
      %parallel_loop3A_226 = arith.select %parallel_loop3A_225, %broadcast_in_dim3A_35, %broadcast_in_dim3A_37 : vector<16xi1>, vector<16xf32>
      %parallel_loop3A_227 = arith.constant 16 : i32
      %parallel_loop3A_228 = arith.muli %parallel_loop3A_171, %parallel_loop3A_227 : i32
      %parallel_loop3A_229 = arith.constant 0 : i32
      %parallel_loop3A_230 = arith.constant 3 : i32
      %parallel_loop3A_231 = arith.index_cast %parallel_loop3A_229 : i32 to index
      %parallel_loop3A_232 = arith.index_cast %parallel_loop3A_230 : i32 to index
      %parallel_loop3A_233 = arith.index_cast %parallel_loop3A_228 : i32 to index
      %parallel_loop3A_234 = tpu.vector_load %arg5[%parallel_loop3A_231, %parallel_loop3A_232, %parallel_loop3A_233] {strides = array<i32>} : memref<1x8x6192xf32, #tpu.memory_space<vmem>>, vector<1x1x16xf32>,
      %parallel_loop3A_235 = vector.shape_cast %parallel_loop3A_234 : vector<1x1x16xf32> to vector<16xf32>
      %parallel_loop3A_236 = vector.shape_cast %parallel_loop3A_226 : vector<16xf32> to vector<1x1x16xf32>
      tpu.vector_store %arg5[%parallel_loop3A_231, %parallel_loop3A_232, %parallel_loop3A_233], %parallel_loop3A_236 {strides = array<i32>} : memref<1x8x6192xf32, #tpu.memory_space<vmem>>, vector<1x1x16xf32>,
      %parallel_loop3A_237 = arith.constant 4 : i32
      %parallel_loop3A_238 = arith.addi %add3A_46, %parallel_loop3A_237 : i32
      %parallel_loop3A_239 = vector.broadcast %parallel_loop3A_238 : i32 to vector<16xi32>
      %parallel_loop3A_240 = arith.cmpi eq, %parallel_loop3A_176, %parallel_loop3A_239 : vector<16xi32>
      %parallel_loop3A_241 = arith.select %parallel_loop3A_240, %broadcast_in_dim3A_35, %broadcast_in_dim3A_37 : vector<16xi1>, vector<16xf32>
      %parallel_loop3A_242 = arith.constant 16 : i32
      %parallel_loop3A_243 = arith.muli %parallel_loop3A_171, %parallel_loop3A_242 : i32
      %parallel_loop3A_244 = arith.constant 0 : i32
      %parallel_loop3A_245 = arith.constant 4 : i32
      %parallel_loop3A_246 = arith.index_cast %parallel_loop3A_244 : i32 to index
      %parallel_loop3A_247 = arith.index_cast %parallel_loop3A_245 : i32 to index
      %parallel_loop3A_248 = arith.index_cast %parallel_loop3A_243 : i32 to index
      %parallel_loop3A_249 = tpu.vector_load %arg5[%parallel_loop3A_246, %parallel_loop3A_247, %parallel_loop3A_248] {strides = array<i32>} : memref<1x8x6192xf32, #tpu.memory_space<vmem>>, vector<1x1x16xf32>,
      %parallel_loop3A_250 = vector.shape_cast %parallel_loop3A_249 : vector<1x1x16xf32> to vector<16xf32>
      %parallel_loop3A_251 = vector.shape_cast %parallel_loop3A_241 : vector<16xf32> to vector<1x1x16xf32>
      tpu.vector_store %arg5[%parallel_loop3A_246, %parallel_loop3A_247, %parallel_loop3A_248], %parallel_loop3A_251 {strides = array<i32>} : memref<1x8x6192xf32, #tpu.memory_space<vmem>>, vector<1x1x16xf32>,
      %parallel_loop3A_252 = arith.constant 5 : i32
      %parallel_loop3A_253 = arith.addi %add3A_46, %parallel_loop3A_252 : i32
      %parallel_loop3A_254 = vector.broadcast %parallel_loop3A_253 : i32 to vector<16xi32>
      %parallel_loop3A_255 = arith.cmpi eq, %parallel_loop3A_176, %parallel_loop3A_254 : vector<16xi32>
      %parallel_loop3A_256 = arith.select %parallel_loop3A_255, %broadcast_in_dim3A_35, %broadcast_in_dim3A_37 : vector<16xi1>, vector<16xf32>
      %parallel_loop3A_257 = arith.constant 16 : i32
      %parallel_loop3A_258 = arith.muli %parallel_loop3A_171, %parallel_loop3A_257 : i32
      %parallel_loop3A_259 = arith.constant 0 : i32
      %parallel_loop3A_260 = arith.constant 5 : i32
      %parallel_loop3A_261 = arith.index_cast %parallel_loop3A_259 : i32 to index
      %parallel_loop3A_262 = arith.index_cast %parallel_loop3A_260 : i32 to index
      %parallel_loop3A_263 = arith.index_cast %parallel_loop3A_258 : i32 to index
      %parallel_loop3A_264 = tpu.vector_load %arg5[%parallel_loop3A_261, %parallel_loop3A_262, %parallel_loop3A_263] {strides = array<i32>} : memref<1x8x6192xf32, #tpu.memory_space<vmem>>, vector<1x1x16xf32>,
      %parallel_loop3A_265 = vector.shape_cast %parallel_loop3A_264 : vector<1x1x16xf32> to vector<16xf32>
      %parallel_loop3A_266 = vector.shape_cast %parallel_loop3A_256 : vector<16xf32> to vector<1x1x16xf32>
      tpu.vector_store %arg5[%parallel_loop3A_261, %parallel_loop3A_262, %parallel_loop3A_263], %parallel_loop3A_266 {strides = array<i32>} : memref<1x8x6192xf32, #tpu.memory_space<vmem>>, vector<1x1x16xf32>,
      %parallel_loop3A_267 = arith.constant 6 : i32
      %parallel_loop3A_268 = arith.addi %add3A_46, %parallel_loop3A_267 : i32
      %parallel_loop3A_269 = vector.broadcast %parallel_loop3A_268 : i32 to vector<16xi32>
      %parallel_loop3A_270 = arith.cmpi eq, %parallel_loop3A_176, %parallel_loop3A_269 : vector<16xi32>
      %parallel_loop3A_271 = arith.select %parallel_loop3A_270, %broadcast_in_dim3A_35, %broadcast_in_dim3A_37 : vector<16xi1>, vector<16xf32>
      %parallel_loop3A_272 = arith.constant 16 : i32
      %parallel_loop3A_273 = arith.muli %parallel_loop3A_171, %parallel_loop3A_272 : i32
      %parallel_loop3A_274 = arith.constant 0 : i32
      %parallel_loop3A_275 = arith.constant 6 : i32
      %parallel_loop3A_276 = arith.index_cast %parallel_loop3A_274 : i32 to index
      %parallel_loop3A_277 = arith.index_cast %parallel_loop3A_275 : i32 to index
      %parallel_loop3A_278 = arith.index_cast %parallel_loop3A_273 : i32 to index
      %parallel_loop3A_279 = tpu.vector_load %arg5[%parallel_loop3A_276, %parallel_loop3A_277, %parallel_loop3A_278] {strides = array<i32>} : memref<1x8x6192xf32, #tpu.memory_space<vmem>>, vector<1x1x16xf32>,
      %parallel_loop3A_280 = vector.shape_cast %parallel_loop3A_279 : vector<1x1x16xf32> to vector<16xf32>
      %parallel_loop3A_281 = vector.shape_cast %parallel_loop3A_271 : vector<16xf32> to vector<1x1x16xf32>
      tpu.vector_store %arg5[%parallel_loop3A_276, %parallel_loop3A_277, %parallel_loop3A_278], %parallel_loop3A_281 {strides = array<i32>} : memref<1x8x6192xf32, #tpu.memory_space<vmem>>, vector<1x1x16xf32>,
      %parallel_loop3A_282 = arith.constant 7 : i32
      %parallel_loop3A_283 = arith.addi %add3A_46, %parallel_loop3A_282 : i32
      %parallel_loop3A_284 = vector.broadcast %parallel_loop3A_283 : i32 to vector<16xi32>
      %parallel_loop3A_285 = arith.cmpi eq, %parallel_loop3A_176, %parallel_loop3A_284 : vector<16xi32>
      %parallel_loop3A_286 = arith.select %parallel_loop3A_285, %broadcast_in_dim3A_35, %broadcast_in_dim3A_37 : vector<16xi1>, vector<16xf32>
      %parallel_loop3A_287 = arith.constant 16 : i32
      %parallel_loop3A_288 = arith.muli %parallel_loop3A_171, %parallel_loop3A_287 : i32
      %parallel_loop3A_289 = arith.constant 0 : i32
      %parallel_loop3A_290 = arith.constant 7 : i32
      %parallel_loop3A_291 = arith.index_cast %parallel_loop3A_289 : i32 to index
      %parallel_loop3A_292 = arith.index_cast %parallel_loop3A_290 : i32 to index
      %parallel_loop3A_293 = arith.index_cast %parallel_loop3A_288 : i32 to index
      %parallel_loop3A_294 = tpu.vector_load %arg5[%parallel_loop3A_291, %parallel_loop3A_292, %parallel_loop3A_293] {strides = array<i32>} : memref<1x8x6192xf32, #tpu.memory_space<vmem>>, vector<1x1x16xf32>,
      %parallel_loop3A_295 = vector.shape_cast %parallel_loop3A_294 : vector<1x1x16xf32> to vector<16xf32>
      %parallel_loop3A_296 = vector.shape_cast %parallel_loop3A_286 : vector<16xf32> to vector<1x1x16xf32>
      tpu.vector_store %arg5[%parallel_loop3A_291, %parallel_loop3A_292, %parallel_loop3A_293], %parallel_loop3A_296 {strides = array<i32>} : memref<1x8x6192xf32, #tpu.memory_space<vmem>>, vector<1x1x16xf32>,
    } {sc.loop_unroll_factor = 3 : i64, sc.parallel_access}
    %dma_start3A_50 = arith.constant 0 : i32
    %dma_start3A_51 = tpu.memref_slice %arg3[%select_n3A, %add3A_46, %dma_start3A_50] : memref<8x256x6192xf32, #tpu.memory_space<hbm>> -> memref<1x8x6192xf32, #tpu.memory_space<hbm>>
    %dma_start3A_52 = arith.constant 0 : i32
    %dma_start3A_53 = tpu.memref_slice %arg3[%select_n3A, %add3A_46, %dma_start3A_52] : memref<8x256x6192xf32, #tpu.memory_space<hbm>> -> memref<1x8x6192xf32, #tpu.memory_space<hbm>>
    tpu.enqueue_dma source(%arg5 : memref<1x8x6192xf32, #tpu.memory_space<vmem>>) target(%dma_start3A_53 : memref<1x8x6192xf32, #tpu.memory_space<hbm>>) target_semaphore(%arg8 : memref<!tpu.dma_semaphore, #tpu.memory_space<semaphore_mem>>)
    %add3A_54 = arith.constant 16 : i32
    %add3A_55 = arith.addi %mul3A_32, %add3A_54 : i32
    %dma_wait3A = arith.constant 0 : i32
    %dma_wait3A_56 = arith.constant 0 : i32
    %dma_wait3A_57 = arith.constant 0 : i32
    %dma_wait3A_58 = tpu.memref_slice %arg3[%dma_wait3A, %dma_wait3A_56, %dma_wait3A_57] : memref<8x256x6192xf32, #tpu.memory_space<hbm>> -> memref<1x8x6192xf32, #tpu.memory_space<hbm>>
    %dma_wait3A_59 = arith.constant 0 : i32
    %dma_wait3A_60 = arith.constant 0 : i32
    %dma_wait3A_61 = arith.constant 0 : i32
    %dma_wait3A_62 = tpu.memref_slice %arg3[%dma_wait3A_59, %dma_wait3A_60, %dma_wait3A_61] : memref<8x256x6192xf32, #tpu.memory_space<hbm>> -> memref<1x8x6192xf32, #tpu.memory_space<hbm>>
    tpu.wait_dma2 semaphore(%arg7 : memref<!tpu.dma_semaphore, #tpu.memory_space<semaphore_mem>>) src(%arg4 : memref<1x8x6192xf32, #tpu.memory_space<vmem>>) dst(%dma_wait3A_62 : memref<1x8x6192xf32, #tpu.memory_space<hbm>>)
    %parallel_loop3A_63 = arith.constant 0 : i32
    %parallel_loop3A_64 = arith.constant 387 : i32
    %parallel_loop3A_65 = arith.constant 1 : i32
    scf.for %parallel_loop3A_171 = %parallel_loop3A_63 to %parallel_loop3A_64 step %parallel_loop3A_65  : i32 {
      %parallel_loop3A_172 = arith.constant 16 : i32
      %parallel_loop3A_173 = arith.muli %parallel_loop3A_171, %parallel_loop3A_172 : i32
      %parallel_loop3A_174 = arith.index_cast %parallel_loop3A_173 : i32 to index
      %parallel_loop3A_175 = tpu.vector_load %arg6[%parallel_loop3A_174] {strides = array<i32>} : memref<6192xi32, #tpu.memory_space<vmem>>, vector<16xi32>,
      %parallel_loop3A_176 = vector.shape_cast %parallel_loop3A_175 : vector<16xi32> to vector<16xi32>
      %parallel_loop3A_177 = arith.constant 0 : i32
      %parallel_loop3A_178 = arith.addi %add3A_55, %parallel_loop3A_177 : i32
      %parallel_loop3A_179 = vector.broadcast %parallel_loop3A_178 : i32 to vector<16xi32>
      %parallel_loop3A_180 = arith.cmpi eq, %parallel_loop3A_176, %parallel_loop3A_179 : vector<16xi32>
      %parallel_loop3A_181 = arith.select %parallel_loop3A_180, %broadcast_in_dim3A_35, %broadcast_in_dim3A_37 : vector<16xi1>, vector<16xf32>
      %parallel_loop3A_182 = arith.constant 16 : i32
      %parallel_loop3A_183 = arith.muli %parallel_loop3A_171, %parallel_loop3A_182 : i32
      %parallel_loop3A_184 = arith.constant 0 : i32
      %parallel_loop3A_185 = arith.constant 0 : i32
      %parallel_loop3A_186 = arith.index_cast %parallel_loop3A_184 : i32 to index
      %parallel_loop3A_187 = arith.index_cast %parallel_loop3A_185 : i32 to index
      %parallel_loop3A_188 = arith.index_cast %parallel_loop3A_183 : i32 to index
      %parallel_loop3A_189 = tpu.vector_load %arg4[%parallel_loop3A_186, %parallel_loop3A_187, %parallel_loop3A_188] {strides = array<i32>} : memref<1x8x6192xf32, #tpu.memory_space<vmem>>, vector<1x1x16xf32>,
      %parallel_loop3A_190 = vector.shape_cast %parallel_loop3A_189 : vector<1x1x16xf32> to vector<16xf32>
      %parallel_loop3A_191 = vector.shape_cast %parallel_loop3A_181 : vector<16xf32> to vector<1x1x16xf32>
      tpu.vector_store %arg4[%parallel_loop3A_186, %parallel_loop3A_187, %parallel_loop3A_188], %parallel_loop3A_191 {strides = array<i32>} : memref<1x8x6192xf32, #tpu.memory_space<vmem>>, vector<1x1x16xf32>,
      %parallel_loop3A_192 = arith.constant 1 : i32
      %parallel_loop3A_193 = arith.addi %add3A_55, %parallel_loop3A_192 : i32
      %parallel_loop3A_194 = vector.broadcast %parallel_loop3A_193 : i32 to vector<16xi32>
      %parallel_loop3A_195 = arith.cmpi eq, %parallel_loop3A_176, %parallel_loop3A_194 : vector<16xi32>
      %parallel_loop3A_196 = arith.select %parallel_loop3A_195, %broadcast_in_dim3A_35, %broadcast_in_dim3A_37 : vector<16xi1>, vector<16xf32>
      %parallel_loop3A_197 = arith.constant 16 : i32
      %parallel_loop3A_198 = arith.muli %parallel_loop3A_171, %parallel_loop3A_197 : i32
      %parallel_loop3A_199 = arith.constant 0 : i32
      %parallel_loop3A_200 = arith.constant 1 : i32
      %parallel_loop3A_201 = arith.index_cast %parallel_loop3A_199 : i32 to index
      %parallel_loop3A_202 = arith.index_cast %parallel_loop3A_200 : i32 to index
      %parallel_loop3A_203 = arith.index_cast %parallel_loop3A_198 : i32 to index
      %parallel_loop3A_204 = tpu.vector_load %arg4[%parallel_loop3A_201, %parallel_loop3A_202, %parallel_loop3A_203] {strides = array<i32>} : memref<1x8x6192xf32, #tpu.memory_space<vmem>>, vector<1x1x16xf32>,
      %parallel_loop3A_205 = vector.shape_cast %parallel_loop3A_204 : vector<1x1x16xf32> to vector<16xf32>
      %parallel_loop3A_206 = vector.shape_cast %parallel_loop3A_196 : vector<16xf32> to vector<1x1x16xf32>
      tpu.vector_store %arg4[%parallel_loop3A_201, %parallel_loop3A_202, %parallel_loop3A_203], %parallel_loop3A_206 {strides = array<i32>} : memref<1x8x6192xf32, #tpu.memory_space<vmem>>, vector<1x1x16xf32>,
      %parallel_loop3A_207 = arith.constant 2 : i32
      %parallel_loop3A_208 = arith.addi %add3A_55, %parallel_loop3A_207 : i32
      %parallel_loop3A_209 = vector.broadcast %parallel_loop3A_208 : i32 to vector<16xi32>
      %parallel_loop3A_210 = arith.cmpi eq, %parallel_loop3A_176, %parallel_loop3A_209 : vector<16xi32>
      %parallel_loop3A_211 = arith.select %parallel_loop3A_210, %broadcast_in_dim3A_35, %broadcast_in_dim3A_37 : vector<16xi1>, vector<16xf32>
      %parallel_loop3A_212 = arith.constant 16 : i32
      %parallel_loop3A_213 = arith.muli %parallel_loop3A_171, %parallel_loop3A_212 : i32
      %parallel_loop3A_214 = arith.constant 0 : i32
      %parallel_loop3A_215 = arith.constant 2 : i32
      %parallel_loop3A_216 = arith.index_cast %parallel_loop3A_214 : i32 to index
      %parallel_loop3A_217 = arith.index_cast %parallel_loop3A_215 : i32 to index
      %parallel_loop3A_218 = arith.index_cast %parallel_loop3A_213 : i32 to index
      %parallel_loop3A_219 = tpu.vector_load %arg4[%parallel_loop3A_216, %parallel_loop3A_217, %parallel_loop3A_218] {strides = array<i32>} : memref<1x8x6192xf32, #tpu.memory_space<vmem>>, vector<1x1x16xf32>,
      %parallel_loop3A_220 = vector.shape_cast %parallel_loop3A_219 : vector<1x1x16xf32> to vector<16xf32>
      %parallel_loop3A_221 = vector.shape_cast %parallel_loop3A_211 : vector<16xf32> to vector<1x1x16xf32>
      tpu.vector_store %arg4[%parallel_loop3A_216, %parallel_loop3A_217, %parallel_loop3A_218], %parallel_loop3A_221 {strides = array<i32>} : memref<1x8x6192xf32, #tpu.memory_space<vmem>>, vector<1x1x16xf32>,
      %parallel_loop3A_222 = arith.constant 3 : i32
      %parallel_loop3A_223 = arith.addi %add3A_55, %parallel_loop3A_222 : i32
      %parallel_loop3A_224 = vector.broadcast %parallel_loop3A_223 : i32 to vector<16xi32>
      %parallel_loop3A_225 = arith.cmpi eq, %parallel_loop3A_176, %parallel_loop3A_224 : vector<16xi32>
      %parallel_loop3A_226 = arith.select %parallel_loop3A_225, %broadcast_in_dim3A_35, %broadcast_in_dim3A_37 : vector<16xi1>, vector<16xf32>
      %parallel_loop3A_227 = arith.constant 16 : i32
      %parallel_loop3A_228 = arith.muli %parallel_loop3A_171, %parallel_loop3A_227 : i32
      %parallel_loop3A_229 = arith.constant 0 : i32
      %parallel_loop3A_230 = arith.constant 3 : i32
      %parallel_loop3A_231 = arith.index_cast %parallel_loop3A_229 : i32 to index
      %parallel_loop3A_232 = arith.index_cast %parallel_loop3A_230 : i32 to index
      %parallel_loop3A_233 = arith.index_cast %parallel_loop3A_228 : i32 to index
      %parallel_loop3A_234 = tpu.vector_load %arg4[%parallel_loop3A_231, %parallel_loop3A_232, %parallel_loop3A_233] {strides = array<i32>} : memref<1x8x6192xf32, #tpu.memory_space<vmem>>, vector<1x1x16xf32>,
      %parallel_loop3A_235 = vector.shape_cast %parallel_loop3A_234 : vector<1x1x16xf32> to vector<16xf32>
      %parallel_loop3A_236 = vector.shape_cast %parallel_loop3A_226 : vector<16xf32> to vector<1x1x16xf32>
      tpu.vector_store %arg4[%parallel_loop3A_231, %parallel_loop3A_232, %parallel_loop3A_233], %parallel_loop3A_236 {strides = array<i32>} : memref<1x8x6192xf32, #tpu.memory_space<vmem>>, vector<1x1x16xf32>,
      %parallel_loop3A_237 = arith.constant 4 : i32
      %parallel_loop3A_238 = arith.addi %add3A_55, %parallel_loop3A_237 : i32
      %parallel_loop3A_239 = vector.broadcast %parallel_loop3A_238 : i32 to vector<16xi32>
      %parallel_loop3A_240 = arith.cmpi eq, %parallel_loop3A_176, %parallel_loop3A_239 : vector<16xi32>
      %parallel_loop3A_241 = arith.select %parallel_loop3A_240, %broadcast_in_dim3A_35, %broadcast_in_dim3A_37 : vector<16xi1>, vector<16xf32>
      %parallel_loop3A_242 = arith.constant 16 : i32
      %parallel_loop3A_243 = arith.muli %parallel_loop3A_171, %parallel_loop3A_242 : i32
      %parallel_loop3A_244 = arith.constant 0 : i32
      %parallel_loop3A_245 = arith.constant 4 : i32
      %parallel_loop3A_246 = arith.index_cast %parallel_loop3A_244 : i32 to index
      %parallel_loop3A_247 = arith.index_cast %parallel_loop3A_245 : i32 to index
      %parallel_loop3A_248 = arith.index_cast %parallel_loop3A_243 : i32 to index
      %parallel_loop3A_249 = tpu.vector_load %arg4[%parallel_loop3A_246, %parallel_loop3A_247, %parallel_loop3A_248] {strides = array<i32>} : memref<1x8x6192xf32, #tpu.memory_space<vmem>>, vector<1x1x16xf32>,
      %parallel_loop3A_250 = vector.shape_cast %parallel_loop3A_249 : vector<1x1x16xf32> to vector<16xf32>
      %parallel_loop3A_251 = vector.shape_cast %parallel_loop3A_241 : vector<16xf32> to vector<1x1x16xf32>
      tpu.vector_store %arg4[%parallel_loop3A_246, %parallel_loop3A_247, %parallel_loop3A_248], %parallel_loop3A_251 {strides = array<i32>} : memref<1x8x6192xf32, #tpu.memory_space<vmem>>, vector<1x1x16xf32>,
      %parallel_loop3A_252 = arith.constant 5 : i32
      %parallel_loop3A_253 = arith.addi %add3A_55, %parallel_loop3A_252 : i32
      %parallel_loop3A_254 = vector.broadcast %parallel_loop3A_253 : i32 to vector<16xi32>
      %parallel_loop3A_255 = arith.cmpi eq, %parallel_loop3A_176, %parallel_loop3A_254 : vector<16xi32>
      %parallel_loop3A_256 = arith.select %parallel_loop3A_255, %broadcast_in_dim3A_35, %broadcast_in_dim3A_37 : vector<16xi1>, vector<16xf32>
      %parallel_loop3A_257 = arith.constant 16 : i32
      %parallel_loop3A_258 = arith.muli %parallel_loop3A_171, %parallel_loop3A_257 : i32
      %parallel_loop3A_259 = arith.constant 0 : i32
      %parallel_loop3A_260 = arith.constant 5 : i32
      %parallel_loop3A_261 = arith.index_cast %parallel_loop3A_259 : i32 to index
      %parallel_loop3A_262 = arith.index_cast %parallel_loop3A_260 : i32 to index
      %parallel_loop3A_263 = arith.index_cast %parallel_loop3A_258 : i32 to index
      %parallel_loop3A_264 = tpu.vector_load %arg4[%parallel_loop3A_261, %parallel_loop3A_262, %parallel_loop3A_263] {strides = array<i32>} : memref<1x8x6192xf32, #tpu.memory_space<vmem>>, vector<1x1x16xf32>,
      %parallel_loop3A_265 = vector.shape_cast %parallel_loop3A_264 : vector<1x1x16xf32> to vector<16xf32>
      %parallel_loop3A_266 = vector.shape_cast %parallel_loop3A_256 : vector<16xf32> to vector<1x1x16xf32>
      tpu.vector_store %arg4[%parallel_loop3A_261, %parallel_loop3A_262, %parallel_loop3A_263], %parallel_loop3A_266 {strides = array<i32>} : memref<1x8x6192xf32, #tpu.memory_space<vmem>>, vector<1x1x16xf32>,
      %parallel_loop3A_267 = arith.constant 6 : i32
      %parallel_loop3A_268 = arith.addi %add3A_55, %parallel_loop3A_267 : i32
      %parallel_loop3A_269 = vector.broadcast %parallel_loop3A_268 : i32 to vector<16xi32>
      %parallel_loop3A_270 = arith.cmpi eq, %parallel_loop3A_176, %parallel_loop3A_269 : vector<16xi32>
      %parallel_loop3A_271 = arith.select %parallel_loop3A_270, %broadcast_in_dim3A_35, %broadcast_in_dim3A_37 : vector<16xi1>, vector<16xf32>
      %parallel_loop3A_272 = arith.constant 16 : i32
      %parallel_loop3A_273 = arith.muli %parallel_loop3A_171, %parallel_loop3A_272 : i32
      %parallel_loop3A_274 = arith.constant 0 : i32
      %parallel_loop3A_275 = arith.constant 6 : i32
      %parallel_loop3A_276 = arith.index_cast %parallel_loop3A_274 : i32 to index
      %parallel_loop3A_277 = arith.index_cast %parallel_loop3A_275 : i32 to index
      %parallel_loop3A_278 = arith.index_cast %parallel_loop3A_273 : i32 to index
      %parallel_loop3A_279 = tpu.vector_load %arg4[%parallel_loop3A_276, %parallel_loop3A_277, %parallel_loop3A_278] {strides = array<i32>} : memref<1x8x6192xf32, #tpu.memory_space<vmem>>, vector<1x1x16xf32>,
      %parallel_loop3A_280 = vector.shape_cast %parallel_loop3A_279 : vector<1x1x16xf32> to vector<16xf32>
      %parallel_loop3A_281 = vector.shape_cast %parallel_loop3A_271 : vector<16xf32> to vector<1x1x16xf32>
      tpu.vector_store %arg4[%parallel_loop3A_276, %parallel_loop3A_277, %parallel_loop3A_278], %parallel_loop3A_281 {strides = array<i32>} : memref<1x8x6192xf32, #tpu.memory_space<vmem>>, vector<1x1x16xf32>,
      %parallel_loop3A_282 = arith.constant 7 : i32
      %parallel_loop3A_283 = arith.addi %add3A_55, %parallel_loop3A_282 : i32
      %parallel_loop3A_284 = vector.broadcast %parallel_loop3A_283 : i32 to vector<16xi32>
      %parallel_loop3A_285 = arith.cmpi eq, %parallel_loop3A_176, %parallel_loop3A_284 : vector<16xi32>
      %parallel_loop3A_286 = arith.select %parallel_loop3A_285, %broadcast_in_dim3A_35, %broadcast_in_dim3A_37 : vector<16xi1>, vector<16xf32>
      %parallel_loop3A_287 = arith.constant 16 : i32
      %parallel_loop3A_288 = arith.muli %parallel_loop3A_171, %parallel_loop3A_287 : i32
      %parallel_loop3A_289 = arith.constant 0 : i32
      %parallel_loop3A_290 = arith.constant 7 : i32
      %parallel_loop3A_291 = arith.index_cast %parallel_loop3A_289 : i32 to index
      %parallel_loop3A_292 = arith.index_cast %parallel_loop3A_290 : i32 to index
      %parallel_loop3A_293 = arith.index_cast %parallel_loop3A_288 : i32 to index
      %parallel_loop3A_294 = tpu.vector_load %arg4[%parallel_loop3A_291, %parallel_loop3A_292, %parallel_loop3A_293] {strides = array<i32>} : memref<1x8x6192xf32, #tpu.memory_space<vmem>>, vector<1x1x16xf32>,
      %parallel_loop3A_295 = vector.shape_cast %parallel_loop3A_294 : vector<1x1x16xf32> to vector<16xf32>
      %parallel_loop3A_296 = vector.shape_cast %parallel_loop3A_286 : vector<16xf32> to vector<1x1x16xf32>
      tpu.vector_store %arg4[%parallel_loop3A_291, %parallel_loop3A_292, %parallel_loop3A_293], %parallel_loop3A_296 {strides = array<i32>} : memref<1x8x6192xf32, #tpu.memory_space<vmem>>, vector<1x1x16xf32>,
    } {sc.loop_unroll_factor = 3 : i64, sc.parallel_access}
    %dma_start3A_66 = arith.constant 0 : i32
    %dma_start3A_67 = tpu.memref_slice %arg3[%select_n3A, %add3A_55, %dma_start3A_66] : memref<8x256x6192xf32, #tpu.memory_space<hbm>> -> memref<1x8x6192xf32, #tpu.memory_space<hbm>>
    %dma_start3A_68 = arith.constant 0 : i32
    %dma_start3A_69 = tpu.memref_slice %arg3[%select_n3A, %add3A_55, %dma_start3A_68] : memref<8x256x6192xf32, #tpu.memory_space<hbm>> -> memref<1x8x6192xf32, #tpu.memory_space<hbm>>
    tpu.enqueue_dma source(%arg4 : memref<1x8x6192xf32, #tpu.memory_space<vmem>>) target(%dma_start3A_69 : memref<1x8x6192xf32, #tpu.memory_space<hbm>>) target_semaphore(%arg7 : memref<!tpu.dma_semaphore, #tpu.memory_space<semaphore_mem>>)
    %add3A_70 = arith.constant 24 : i32
    %add3A_71 = arith.addi %mul3A_32, %add3A_70 : i32
    %dma_wait3A_72 = arith.constant 0 : i32
    %dma_wait3A_73 = arith.constant 0 : i32
    %dma_wait3A_74 = arith.constant 0 : i32
    %dma_wait3A_75 = tpu.memref_slice %arg3[%dma_wait3A_72, %dma_wait3A_73, %dma_wait3A_74] : memref<8x256x6192xf32, #tpu.memory_space<hbm>> -> memref<1x8x6192xf32, #tpu.memory_space<hbm>>
    %dma_wait3A_76 = arith.constant 0 : i32
    %dma_wait3A_77 = arith.constant 0 : i32
    %dma_wait3A_78 = arith.constant 0 : i32
    %dma_wait3A_79 = tpu.memref_slice %arg3[%dma_wait3A_76, %dma_wait3A_77, %dma_wait3A_78] : memref<8x256x6192xf32, #tpu.memory_space<hbm>> -> memref<1x8x6192xf32, #tpu.memory_space<hbm>>
    tpu.wait_dma2 semaphore(%arg8 : memref<!tpu.dma_semaphore, #tpu.memory_space<semaphore_mem>>) src(%arg5 : memref<1x8x6192xf32, #tpu.memory_space<vmem>>) dst(%dma_wait3A_79 : memref<1x8x6192xf32, #tpu.memory_space<hbm>>)
    %parallel_loop3A_80 = arith.constant 0 : i32
    %parallel_loop3A_81 = arith.constant 387 : i32
    %parallel_loop3A_82 = arith.constant 1 : i32
    scf.for %parallel_loop3A_171 = %parallel_loop3A_80 to %parallel_loop3A_81 step %parallel_loop3A_82  : i32 {
      %parallel_loop3A_172 = arith.constant 16 : i32
      %parallel_loop3A_173 = arith.muli %parallel_loop3A_171, %parallel_loop3A_172 : i32
      %parallel_loop3A_174 = arith.index_cast %parallel_loop3A_173 : i32 to index
      %parallel_loop3A_175 = tpu.vector_load %arg6[%parallel_loop3A_174] {strides = array<i32>} : memref<6192xi32, #tpu.memory_space<vmem>>, vector<16xi32>,
      %parallel_loop3A_176 = vector.shape_cast %parallel_loop3A_175 : vector<16xi32> to vector<16xi32>
      %parallel_loop3A_177 = arith.constant 0 : i32
      %parallel_loop3A_178 = arith.addi %add3A_71, %parallel_loop3A_177 : i32
      %parallel_loop3A_179 = vector.broadcast %parallel_loop3A_178 : i32 to vector<16xi32>
      %parallel_loop3A_180 = arith.cmpi eq, %parallel_loop3A_176, %parallel_loop3A_179 : vector<16xi32>
      %parallel_loop3A_181 = arith.select %parallel_loop3A_180, %broadcast_in_dim3A_35, %broadcast_in_dim3A_37 : vector<16xi1>, vector<16xf32>
      %parallel_loop3A_182 = arith.constant 16 : i32
      %parallel_loop3A_183 = arith.muli %parallel_loop3A_171, %parallel_loop3A_182 : i32
      %parallel_loop3A_184 = arith.constant 0 : i32
      %parallel_loop3A_185 = arith.constant 0 : i32
      %parallel_loop3A_186 = arith.index_cast %parallel_loop3A_184 : i32 to index
      %parallel_loop3A_187 = arith.index_cast %parallel_loop3A_185 : i32 to index
      %parallel_loop3A_188 = arith.index_cast %parallel_loop3A_183 : i32 to index
      %parallel_loop3A_189 = tpu.vector_load %arg5[%parallel_loop3A_186, %parallel_loop3A_187, %parallel_loop3A_188] {strides = array<i32>} : memref<1x8x6192xf32, #tpu.memory_space<vmem>>, vector<1x1x16xf32>,
      %parallel_loop3A_190 = vector.shape_cast %parallel_loop3A_189 : vector<1x1x16xf32> to vector<16xf32>
      %parallel_loop3A_191 = vector.shape_cast %parallel_loop3A_181 : vector<16xf32> to vector<1x1x16xf32>
      tpu.vector_store %arg5[%parallel_loop3A_186, %parallel_loop3A_187, %parallel_loop3A_188], %parallel_loop3A_191 {strides = array<i32>} : memref<1x8x6192xf32, #tpu.memory_space<vmem>>, vector<1x1x16xf32>,
      %parallel_loop3A_192 = arith.constant 1 : i32
      %parallel_loop3A_193 = arith.addi %add3A_71, %parallel_loop3A_192 : i32
      %parallel_loop3A_194 = vector.broadcast %parallel_loop3A_193 : i32 to vector<16xi32>
      %parallel_loop3A_195 = arith.cmpi eq, %parallel_loop3A_176, %parallel_loop3A_194 : vector<16xi32>
      %parallel_loop3A_196 = arith.select %parallel_loop3A_195, %broadcast_in_dim3A_35, %broadcast_in_dim3A_37 : vector<16xi1>, vector<16xf32>
      %parallel_loop3A_197 = arith.constant 16 : i32
      %parallel_loop3A_198 = arith.muli %parallel_loop3A_171, %parallel_loop3A_197 : i32
      %parallel_loop3A_199 = arith.constant 0 : i32
      %parallel_loop3A_200 = arith.constant 1 : i32
      %parallel_loop3A_201 = arith.index_cast %parallel_loop3A_199 : i32 to index
      %parallel_loop3A_202 = arith.index_cast %parallel_loop3A_200 : i32 to index
      %parallel_loop3A_203 = arith.index_cast %parallel_loop3A_198 : i32 to index
      %parallel_loop3A_204 = tpu.vector_load %arg5[%parallel_loop3A_201, %parallel_loop3A_202, %parallel_loop3A_203] {strides = array<i32>} : memref<1x8x6192xf32, #tpu.memory_space<vmem>>, vector<1x1x16xf32>,
      %parallel_loop3A_205 = vector.shape_cast %parallel_loop3A_204 : vector<1x1x16xf32> to vector<16xf32>
      %parallel_loop3A_206 = vector.shape_cast %parallel_loop3A_196 : vector<16xf32> to vector<1x1x16xf32>
      tpu.vector_store %arg5[%parallel_loop3A_201, %parallel_loop3A_202, %parallel_loop3A_203], %parallel_loop3A_206 {strides = array<i32>} : memref<1x8x6192xf32, #tpu.memory_space<vmem>>, vector<1x1x16xf32>,
      %parallel_loop3A_207 = arith.constant 2 : i32
      %parallel_loop3A_208 = arith.addi %add3A_71, %parallel_loop3A_207 : i32
      %parallel_loop3A_209 = vector.broadcast %parallel_loop3A_208 : i32 to vector<16xi32>
      %parallel_loop3A_210 = arith.cmpi eq, %parallel_loop3A_176, %parallel_loop3A_209 : vector<16xi32>
      %parallel_loop3A_211 = arith.select %parallel_loop3A_210, %broadcast_in_dim3A_35, %broadcast_in_dim3A_37 : vector<16xi1>, vector<16xf32>
      %parallel_loop3A_212 = arith.constant 16 : i32
      %parallel_loop3A_213 = arith.muli %parallel_loop3A_171, %parallel_loop3A_212 : i32
      %parallel_loop3A_214 = arith.constant 0 : i32
      %parallel_loop3A_215 = arith.constant 2 : i32
      %parallel_loop3A_216 = arith.index_cast %parallel_loop3A_214 : i32 to index
      %parallel_loop3A_217 = arith.index_cast %parallel_loop3A_215 : i32 to index
      %parallel_loop3A_218 = arith.index_cast %parallel_loop3A_213 : i32 to index
      %parallel_loop3A_219 = tpu.vector_load %arg5[%parallel_loop3A_216, %parallel_loop3A_217, %parallel_loop3A_218] {strides = array<i32>} : memref<1x8x6192xf32, #tpu.memory_space<vmem>>, vector<1x1x16xf32>,
      %parallel_loop3A_220 = vector.shape_cast %parallel_loop3A_219 : vector<1x1x16xf32> to vector<16xf32>
      %parallel_loop3A_221 = vector.shape_cast %parallel_loop3A_211 : vector<16xf32> to vector<1x1x16xf32>
      tpu.vector_store %arg5[%parallel_loop3A_216, %parallel_loop3A_217, %parallel_loop3A_218], %parallel_loop3A_221 {strides = array<i32>} : memref<1x8x6192xf32, #tpu.memory_space<vmem>>, vector<1x1x16xf32>,
      %parallel_loop3A_222 = arith.constant 3 : i32
      %parallel_loop3A_223 = arith.addi %add3A_71, %parallel_loop3A_222 : i32
      %parallel_loop3A_224 = vector.broadcast %parallel_loop3A_223 : i32 to vector<16xi32>
      %parallel_loop3A_225 = arith.cmpi eq, %parallel_loop3A_176, %parallel_loop3A_224 : vector<16xi32>
      %parallel_loop3A_226 = arith.select %parallel_loop3A_225, %broadcast_in_dim3A_35, %broadcast_in_dim3A_37 : vector<16xi1>, vector<16xf32>
      %parallel_loop3A_227 = arith.constant 16 : i32
      %parallel_loop3A_228 = arith.muli %parallel_loop3A_171, %parallel_loop3A_227 : i32
      %parallel_loop3A_229 = arith.constant 0 : i32
      %parallel_loop3A_230 = arith.constant 3 : i32
      %parallel_loop3A_231 = arith.index_cast %parallel_loop3A_229 : i32 to index
      %parallel_loop3A_232 = arith.index_cast %parallel_loop3A_230 : i32 to index
      %parallel_loop3A_233 = arith.index_cast %parallel_loop3A_228 : i32 to index
      %parallel_loop3A_234 = tpu.vector_load %arg5[%parallel_loop3A_231, %parallel_loop3A_232, %parallel_loop3A_233] {strides = array<i32>} : memref<1x8x6192xf32, #tpu.memory_space<vmem>>, vector<1x1x16xf32>,
      %parallel_loop3A_235 = vector.shape_cast %parallel_loop3A_234 : vector<1x1x16xf32> to vector<16xf32>
      %parallel_loop3A_236 = vector.shape_cast %parallel_loop3A_226 : vector<16xf32> to vector<1x1x16xf32>
      tpu.vector_store %arg5[%parallel_loop3A_231, %parallel_loop3A_232, %parallel_loop3A_233], %parallel_loop3A_236 {strides = array<i32>} : memref<1x8x6192xf32, #tpu.memory_space<vmem>>, vector<1x1x16xf32>,
      %parallel_loop3A_237 = arith.constant 4 : i32
      %parallel_loop3A_238 = arith.addi %add3A_71, %parallel_loop3A_237 : i32
      %parallel_loop3A_239 = vector.broadcast %parallel_loop3A_238 : i32 to vector<16xi32>
      %parallel_loop3A_240 = arith.cmpi eq, %parallel_loop3A_176, %parallel_loop3A_239 : vector<16xi32>
      %parallel_loop3A_241 = arith.select %parallel_loop3A_240, %broadcast_in_dim3A_35, %broadcast_in_dim3A_37 : vector<16xi1>, vector<16xf32>
      %parallel_loop3A_242 = arith.constant 16 : i32
      %parallel_loop3A_243 = arith.muli %parallel_loop3A_171, %parallel_loop3A_242 : i32
      %parallel_loop3A_244 = arith.constant 0 : i32
      %parallel_loop3A_245 = arith.constant 4 : i32
      %parallel_loop3A_246 = arith.index_cast %parallel_loop3A_244 : i32 to index
      %parallel_loop3A_247 = arith.index_cast %parallel_loop3A_245 : i32 to index
      %parallel_loop3A_248 = arith.index_cast %parallel_loop3A_243 : i32 to index
      %parallel_loop3A_249 = tpu.vector_load %arg5[%parallel_loop3A_246, %parallel_loop3A_247, %parallel_loop3A_248] {strides = array<i32>} : memref<1x8x6192xf32, #tpu.memory_space<vmem>>, vector<1x1x16xf32>,
      %parallel_loop3A_250 = vector.shape_cast %parallel_loop3A_249 : vector<1x1x16xf32> to vector<16xf32>
      %parallel_loop3A_251 = vector.shape_cast %parallel_loop3A_241 : vector<16xf32> to vector<1x1x16xf32>
      tpu.vector_store %arg5[%parallel_loop3A_246, %parallel_loop3A_247, %parallel_loop3A_248], %parallel_loop3A_251 {strides = array<i32>} : memref<1x8x6192xf32, #tpu.memory_space<vmem>>, vector<1x1x16xf32>,
      %parallel_loop3A_252 = arith.constant 5 : i32
      %parallel_loop3A_253 = arith.addi %add3A_71, %parallel_loop3A_252 : i32
      %parallel_loop3A_254 = vector.broadcast %parallel_loop3A_253 : i32 to vector<16xi32>
      %parallel_loop3A_255 = arith.cmpi eq, %parallel_loop3A_176, %parallel_loop3A_254 : vector<16xi32>
      %parallel_loop3A_256 = arith.select %parallel_loop3A_255, %broadcast_in_dim3A_35, %broadcast_in_dim3A_37 : vector<16xi1>, vector<16xf32>
      %parallel_loop3A_257 = arith.constant 16 : i32
      %parallel_loop3A_258 = arith.muli %parallel_loop3A_171, %parallel_loop3A_257 : i32
      %parallel_loop3A_259 = arith.constant 0 : i32
      %parallel_loop3A_260 = arith.constant 5 : i32
      %parallel_loop3A_261 = arith.index_cast %parallel_loop3A_259 : i32 to index
      %parallel_loop3A_262 = arith.index_cast %parallel_loop3A_260 : i32 to index
      %parallel_loop3A_263 = arith.index_cast %parallel_loop3A_258 : i32 to index
      %parallel_loop3A_264 = tpu.vector_load %arg5[%parallel_loop3A_261, %parallel_loop3A_262, %parallel_loop3A_263] {strides = array<i32>} : memref<1x8x6192xf32, #tpu.memory_space<vmem>>, vector<1x1x16xf32>,
      %parallel_loop3A_265 = vector.shape_cast %parallel_loop3A_264 : vector<1x1x16xf32> to vector<16xf32>
      %parallel_loop3A_266 = vector.shape_cast %parallel_loop3A_256 : vector<16xf32> to vector<1x1x16xf32>
      tpu.vector_store %arg5[%parallel_loop3A_261, %parallel_loop3A_262, %parallel_loop3A_263], %parallel_loop3A_266 {strides = array<i32>} : memref<1x8x6192xf32, #tpu.memory_space<vmem>>, vector<1x1x16xf32>,
      %parallel_loop3A_267 = arith.constant 6 : i32
      %parallel_loop3A_268 = arith.addi %add3A_71, %parallel_loop3A_267 : i32
      %parallel_loop3A_269 = vector.broadcast %parallel_loop3A_268 : i32 to vector<16xi32>
      %parallel_loop3A_270 = arith.cmpi eq, %parallel_loop3A_176, %parallel_loop3A_269 : vector<16xi32>
      %parallel_loop3A_271 = arith.select %parallel_loop3A_270, %broadcast_in_dim3A_35, %broadcast_in_dim3A_37 : vector<16xi1>, vector<16xf32>
      %parallel_loop3A_272 = arith.constant 16 : i32
      %parallel_loop3A_273 = arith.muli %parallel_loop3A_171, %parallel_loop3A_272 : i32
      %parallel_loop3A_274 = arith.constant 0 : i32
      %parallel_loop3A_275 = arith.constant 6 : i32
      %parallel_loop3A_276 = arith.index_cast %parallel_loop3A_274 : i32 to index
      %parallel_loop3A_277 = arith.index_cast %parallel_loop3A_275 : i32 to index
      %parallel_loop3A_278 = arith.index_cast %parallel_loop3A_273 : i32 to index
      %parallel_loop3A_279 = tpu.vector_load %arg5[%parallel_loop3A_276, %parallel_loop3A_277, %parallel_loop3A_278] {strides = array<i32>} : memref<1x8x6192xf32, #tpu.memory_space<vmem>>, vector<1x1x16xf32>,
      %parallel_loop3A_280 = vector.shape_cast %parallel_loop3A_279 : vector<1x1x16xf32> to vector<16xf32>
      %parallel_loop3A_281 = vector.shape_cast %parallel_loop3A_271 : vector<16xf32> to vector<1x1x16xf32>
      tpu.vector_store %arg5[%parallel_loop3A_276, %parallel_loop3A_277, %parallel_loop3A_278], %parallel_loop3A_281 {strides = array<i32>} : memref<1x8x6192xf32, #tpu.memory_space<vmem>>, vector<1x1x16xf32>,
      %parallel_loop3A_282 = arith.constant 7 : i32
      %parallel_loop3A_283 = arith.addi %add3A_71, %parallel_loop3A_282 : i32
      %parallel_loop3A_284 = vector.broadcast %parallel_loop3A_283 : i32 to vector<16xi32>
      %parallel_loop3A_285 = arith.cmpi eq, %parallel_loop3A_176, %parallel_loop3A_284 : vector<16xi32>
      %parallel_loop3A_286 = arith.select %parallel_loop3A_285, %broadcast_in_dim3A_35, %broadcast_in_dim3A_37 : vector<16xi1>, vector<16xf32>
      %parallel_loop3A_287 = arith.constant 16 : i32
      %parallel_loop3A_288 = arith.muli %parallel_loop3A_171, %parallel_loop3A_287 : i32
      %parallel_loop3A_289 = arith.constant 0 : i32
      %parallel_loop3A_290 = arith.constant 7 : i32
      %parallel_loop3A_291 = arith.index_cast %parallel_loop3A_289 : i32 to index
      %parallel_loop3A_292 = arith.index_cast %parallel_loop3A_290 : i32 to index
      %parallel_loop3A_293 = arith.index_cast %parallel_loop3A_288 : i32 to index
      %parallel_loop3A_294 = tpu.vector_load %arg5[%parallel_loop3A_291, %parallel_loop3A_292, %parallel_loop3A_293] {strides = array<i32>} : memref<1x8x6192xf32, #tpu.memory_space<vmem>>, vector<1x1x16xf32>,
      %parallel_loop3A_295 = vector.shape_cast %parallel_loop3A_294 : vector<1x1x16xf32> to vector<16xf32>
      %parallel_loop3A_296 = vector.shape_cast %parallel_loop3A_286 : vector<16xf32> to vector<1x1x16xf32>
      tpu.vector_store %arg5[%parallel_loop3A_291, %parallel_loop3A_292, %parallel_loop3A_293], %parallel_loop3A_296 {strides = array<i32>} : memref<1x8x6192xf32, #tpu.memory_space<vmem>>, vector<1x1x16xf32>,
    } {sc.loop_unroll_factor = 3 : i64, sc.parallel_access}
    %dma_start3A_83 = arith.constant 0 : i32
    %dma_start3A_84 = tpu.memref_slice %arg3[%select_n3A, %add3A_71, %dma_start3A_83] : memref<8x256x6192xf32, #tpu.memory_space<hbm>> -> memref<1x8x6192xf32, #tpu.memory_space<hbm>>
    %dma_start3A_85 = arith.constant 0 : i32
    %dma_start3A_86 = tpu.memref_slice %arg3[%select_n3A, %add3A_71, %dma_start3A_85] : memref<8x256x6192xf32, #tpu.memory_space<hbm>> -> memref<1x8x6192xf32, #tpu.memory_space<hbm>>
    tpu.enqueue_dma source(%arg5 : memref<1x8x6192xf32, #tpu.memory_space<vmem>>) target(%dma_start3A_86 : memref<1x8x6192xf32, #tpu.memory_space<hbm>>) target_semaphore(%arg8 : memref<!tpu.dma_semaphore, #tpu.memory_space<semaphore_mem>>)
    %add3A_87 = arith.constant 32 : i32
    %add3A_88 = arith.addi %mul3A_32, %add3A_87 : i32
    %dma_wait3A_89 = arith.constant 0 : i32
    %dma_wait3A_90 = arith.constant 0 : i32
    %dma_wait3A_91 = arith.constant 0 : i32
    %dma_wait3A_92 = tpu.memref_slice %arg3[%dma_wait3A_89, %dma_wait3A_90, %dma_wait3A_91] : memref<8x256x6192xf32, #tpu.memory_space<hbm>> -> memref<1x8x6192xf32, #tpu.memory_space<hbm>>
    %dma_wait3A_93 = arith.constant 0 : i32
    %dma_wait3A_94 = arith.constant 0 : i32
    %dma_wait3A_95 = arith.constant 0 : i32
    %dma_wait3A_96 = tpu.memref_slice %arg3[%dma_wait3A_93, %dma_wait3A_94, %dma_wait3A_95] : memref<8x256x6192xf32, #tpu.memory_space<hbm>> -> memref<1x8x6192xf32, #tpu.memory_space<hbm>>
    tpu.wait_dma2 semaphore(%arg7 : memref<!tpu.dma_semaphore, #tpu.memory_space<semaphore_mem>>) src(%arg4 : memref<1x8x6192xf32, #tpu.memory_space<vmem>>) dst(%dma_wait3A_96 : memref<1x8x6192xf32, #tpu.memory_space<hbm>>)
    %parallel_loop3A_97 = arith.constant 0 : i32
    %parallel_loop3A_98 = arith.constant 387 : i32
    %parallel_loop3A_99 = arith.constant 1 : i32
    scf.for %parallel_loop3A_171 = %parallel_loop3A_97 to %parallel_loop3A_98 step %parallel_loop3A_99  : i32 {
      %parallel_loop3A_172 = arith.constant 16 : i32
      %parallel_loop3A_173 = arith.muli %parallel_loop3A_171, %parallel_loop3A_172 : i32
      %parallel_loop3A_174 = arith.index_cast %parallel_loop3A_173 : i32 to index
      %parallel_loop3A_175 = tpu.vector_load %arg6[%parallel_loop3A_174] {strides = array<i32>} : memref<6192xi32, #tpu.memory_space<vmem>>, vector<16xi32>,
      %parallel_loop3A_176 = vector.shape_cast %parallel_loop3A_175 : vector<16xi32> to vector<16xi32>
      %parallel_loop3A_177 = arith.constant 0 : i32
      %parallel_loop3A_178 = arith.addi %add3A_88, %parallel_loop3A_177 : i32
      %parallel_loop3A_179 = vector.broadcast %parallel_loop3A_178 : i32 to vector<16xi32>
      %parallel_loop3A_180 = arith.cmpi eq, %parallel_loop3A_176, %parallel_loop3A_179 : vector<16xi32>
      %parallel_loop3A_181 = arith.select %parallel_loop3A_180, %broadcast_in_dim3A_35, %broadcast_in_dim3A_37 : vector<16xi1>, vector<16xf32>
      %parallel_loop3A_182 = arith.constant 16 : i32
      %parallel_loop3A_183 = arith.muli %parallel_loop3A_171, %parallel_loop3A_182 : i32
      %parallel_loop3A_184 = arith.constant 0 : i32
      %parallel_loop3A_185 = arith.constant 0 : i32
      %parallel_loop3A_186 = arith.index_cast %parallel_loop3A_184 : i32 to index
      %parallel_loop3A_187 = arith.index_cast %parallel_loop3A_185 : i32 to index
      %parallel_loop3A_188 = arith.index_cast %parallel_loop3A_183 : i32 to index
      %parallel_loop3A_189 = tpu.vector_load %arg4[%parallel_loop3A_186, %parallel_loop3A_187, %parallel_loop3A_188] {strides = array<i32>} : memref<1x8x6192xf32, #tpu.memory_space<vmem>>, vector<1x1x16xf32>,
      %parallel_loop3A_190 = vector.shape_cast %parallel_loop3A_189 : vector<1x1x16xf32> to vector<16xf32>
      %parallel_loop3A_191 = vector.shape_cast %parallel_loop3A_181 : vector<16xf32> to vector<1x1x16xf32>
      tpu.vector_store %arg4[%parallel_loop3A_186, %parallel_loop3A_187, %parallel_loop3A_188], %parallel_loop3A_191 {strides = array<i32>} : memref<1x8x6192xf32, #tpu.memory_space<vmem>>, vector<1x1x16xf32>,
      %parallel_loop3A_192 = arith.constant 1 : i32
      %parallel_loop3A_193 = arith.addi %add3A_88, %parallel_loop3A_192 : i32
      %parallel_loop3A_194 = vector.broadcast %parallel_loop3A_193 : i32 to vector<16xi32>
      %parallel_loop3A_195 = arith.cmpi eq, %parallel_loop3A_176, %parallel_loop3A_194 : vector<16xi32>
      %parallel_loop3A_196 = arith.select %parallel_loop3A_195, %broadcast_in_dim3A_35, %broadcast_in_dim3A_37 : vector<16xi1>, vector<16xf32>
      %parallel_loop3A_197 = arith.constant 16 : i32
      %parallel_loop3A_198 = arith.muli %parallel_loop3A_171, %parallel_loop3A_197 : i32
      %parallel_loop3A_199 = arith.constant 0 : i32
      %parallel_loop3A_200 = arith.constant 1 : i32
      %parallel_loop3A_201 = arith.index_cast %parallel_loop3A_199 : i32 to index
      %parallel_loop3A_202 = arith.index_cast %parallel_loop3A_200 : i32 to index
      %parallel_loop3A_203 = arith.index_cast %parallel_loop3A_198 : i32 to index
      %parallel_loop3A_204 = tpu.vector_load %arg4[%parallel_loop3A_201, %parallel_loop3A_202, %parallel_loop3A_203] {strides = array<i32>} : memref<1x8x6192xf32, #tpu.memory_space<vmem>>, vector<1x1x16xf32>,
      %parallel_loop3A_205 = vector.shape_cast %parallel_loop3A_204 : vector<1x1x16xf32> to vector<16xf32>
      %parallel_loop3A_206 = vector.shape_cast %parallel_loop3A_196 : vector<16xf32> to vector<1x1x16xf32>
      tpu.vector_store %arg4[%parallel_loop3A_201, %parallel_loop3A_202, %parallel_loop3A_203], %parallel_loop3A_206 {strides = array<i32>} : memref<1x8x6192xf32, #tpu.memory_space<vmem>>, vector<1x1x16xf32>,
      %parallel_loop3A_207 = arith.constant 2 : i32
      %parallel_loop3A_208 = arith.addi %add3A_88, %parallel_loop3A_207 : i32
      %parallel_loop3A_209 = vector.broadcast %parallel_loop3A_208 : i32 to vector<16xi32>
      %parallel_loop3A_210 = arith.cmpi eq, %parallel_loop3A_176, %parallel_loop3A_209 : vector<16xi32>
      %parallel_loop3A_211 = arith.select %parallel_loop3A_210, %broadcast_in_dim3A_35, %broadcast_in_dim3A_37 : vector<16xi1>, vector<16xf32>
      %parallel_loop3A_212 = arith.constant 16 : i32
      %parallel_loop3A_213 = arith.muli %parallel_loop3A_171, %parallel_loop3A_212 : i32
      %parallel_loop3A_214 = arith.constant 0 : i32
      %parallel_loop3A_215 = arith.constant 2 : i32
      %parallel_loop3A_216 = arith.index_cast %parallel_loop3A_214 : i32 to index
      %parallel_loop3A_217 = arith.index_cast %parallel_loop3A_215 : i32 to index
      %parallel_loop3A_218 = arith.index_cast %parallel_loop3A_213 : i32 to index
      %parallel_loop3A_219 = tpu.vector_load %arg4[%parallel_loop3A_216, %parallel_loop3A_217, %parallel_loop3A_218] {strides = array<i32>} : memref<1x8x6192xf32, #tpu.memory_space<vmem>>, vector<1x1x16xf32>,
      %parallel_loop3A_220 = vector.shape_cast %parallel_loop3A_219 : vector<1x1x16xf32> to vector<16xf32>
      %parallel_loop3A_221 = vector.shape_cast %parallel_loop3A_211 : vector<16xf32> to vector<1x1x16xf32>
      tpu.vector_store %arg4[%parallel_loop3A_216, %parallel_loop3A_217, %parallel_loop3A_218], %parallel_loop3A_221 {strides = array<i32>} : memref<1x8x6192xf32, #tpu.memory_space<vmem>>, vector<1x1x16xf32>,
      %parallel_loop3A_222 = arith.constant 3 : i32
      %parallel_loop3A_223 = arith.addi %add3A_88, %parallel_loop3A_222 : i32
      %parallel_loop3A_224 = vector.broadcast %parallel_loop3A_223 : i32 to vector<16xi32>
      %parallel_loop3A_225 = arith.cmpi eq, %parallel_loop3A_176, %parallel_loop3A_224 : vector<16xi32>
      %parallel_loop3A_226 = arith.select %parallel_loop3A_225, %broadcast_in_dim3A_35, %broadcast_in_dim3A_37 : vector<16xi1>, vector<16xf32>
      %parallel_loop3A_227 = arith.constant 16 : i32
      %parallel_loop3A_228 = arith.muli %parallel_loop3A_171, %parallel_loop3A_227 : i32
      %parallel_loop3A_229 = arith.constant 0 : i32
      %parallel_loop3A_230 = arith.constant 3 : i32
      %parallel_loop3A_231 = arith.index_cast %parallel_loop3A_229 : i32 to index
      %parallel_loop3A_232 = arith.index_cast %parallel_loop3A_230 : i32 to index
      %parallel_loop3A_233 = arith.index_cast %parallel_loop3A_228 : i32 to index
      %parallel_loop3A_234 = tpu.vector_load %arg4[%parallel_loop3A_231, %parallel_loop3A_232, %parallel_loop3A_233] {strides = array<i32>} : memref<1x8x6192xf32, #tpu.memory_space<vmem>>, vector<1x1x16xf32>,
      %parallel_loop3A_235 = vector.shape_cast %parallel_loop3A_234 : vector<1x1x16xf32> to vector<16xf32>
      %parallel_loop3A_236 = vector.shape_cast %parallel_loop3A_226 : vector<16xf32> to vector<1x1x16xf32>
      tpu.vector_store %arg4[%parallel_loop3A_231, %parallel_loop3A_232, %parallel_loop3A_233], %parallel_loop3A_236 {strides = array<i32>} : memref<1x8x6192xf32, #tpu.memory_space<vmem>>, vector<1x1x16xf32>,
      %parallel_loop3A_237 = arith.constant 4 : i32
      %parallel_loop3A_238 = arith.addi %add3A_88, %parallel_loop3A_237 : i32
      %parallel_loop3A_239 = vector.broadcast %parallel_loop3A_238 : i32 to vector<16xi32>
      %parallel_loop3A_240 = arith.cmpi eq, %parallel_loop3A_176, %parallel_loop3A_239 : vector<16xi32>
      %parallel_loop3A_241 = arith.select %parallel_loop3A_240, %broadcast_in_dim3A_35, %broadcast_in_dim3A_37 : vector<16xi1>, vector<16xf32>
      %parallel_loop3A_242 = arith.constant 16 : i32
      %parallel_loop3A_243 = arith.muli %parallel_loop3A_171, %parallel_loop3A_242 : i32
      %parallel_loop3A_244 = arith.constant 0 : i32
      %parallel_loop3A_245 = arith.constant 4 : i32
      %parallel_loop3A_246 = arith.index_cast %parallel_loop3A_244 : i32 to index
      %parallel_loop3A_247 = arith.index_cast %parallel_loop3A_245 : i32 to index
      %parallel_loop3A_248 = arith.index_cast %parallel_loop3A_243 : i32 to index
      %parallel_loop3A_249 = tpu.vector_load %arg4[%parallel_loop3A_246, %parallel_loop3A_247, %parallel_loop3A_248] {strides = array<i32>} : memref<1x8x6192xf32, #tpu.memory_space<vmem>>, vector<1x1x16xf32>,
      %parallel_loop3A_250 = vector.shape_cast %parallel_loop3A_249 : vector<1x1x16xf32> to vector<16xf32>
      %parallel_loop3A_251 = vector.shape_cast %parallel_loop3A_241 : vector<16xf32> to vector<1x1x16xf32>
      tpu.vector_store %arg4[%parallel_loop3A_246, %parallel_loop3A_247, %parallel_loop3A_248], %parallel_loop3A_251 {strides = array<i32>} : memref<1x8x6192xf32, #tpu.memory_space<vmem>>, vector<1x1x16xf32>,
      %parallel_loop3A_252 = arith.constant 5 : i32
      %parallel_loop3A_253 = arith.addi %add3A_88, %parallel_loop3A_252 : i32
      %parallel_loop3A_254 = vector.broadcast %parallel_loop3A_253 : i32 to vector<16xi32>
      %parallel_loop3A_255 = arith.cmpi eq, %parallel_loop3A_176, %parallel_loop3A_254 : vector<16xi32>
      %parallel_loop3A_256 = arith.select %parallel_loop3A_255, %broadcast_in_dim3A_35, %broadcast_in_dim3A_37 : vector<16xi1>, vector<16xf32>
      %parallel_loop3A_257 = arith.constant 16 : i32
      %parallel_loop3A_258 = arith.muli %parallel_loop3A_171, %parallel_loop3A_257 : i32
      %parallel_loop3A_259 = arith.constant 0 : i32
      %parallel_loop3A_260 = arith.constant 5 : i32
      %parallel_loop3A_261 = arith.index_cast %parallel_loop3A_259 : i32 to index
      %parallel_loop3A_262 = arith.index_cast %parallel_loop3A_260 : i32 to index
      %parallel_loop3A_263 = arith.index_cast %parallel_loop3A_258 : i32 to index
      %parallel_loop3A_264 = tpu.vector_load %arg4[%parallel_loop3A_261, %parallel_loop3A_262, %parallel_loop3A_263] {strides = array<i32>} : memref<1x8x6192xf32, #tpu.memory_space<vmem>>, vector<1x1x16xf32>,
      %parallel_loop3A_265 = vector.shape_cast %parallel_loop3A_264 : vector<1x1x16xf32> to vector<16xf32>
      %parallel_loop3A_266 = vector.shape_cast %parallel_loop3A_256 : vector<16xf32> to vector<1x1x16xf32>
      tpu.vector_store %arg4[%parallel_loop3A_261, %parallel_loop3A_262, %parallel_loop3A_263], %parallel_loop3A_266 {strides = array<i32>} : memref<1x8x6192xf32, #tpu.memory_space<vmem>>, vector<1x1x16xf32>,
      %parallel_loop3A_267 = arith.constant 6 : i32
      %parallel_loop3A_268 = arith.addi %add3A_88, %parallel_loop3A_267 : i32
      %parallel_loop3A_269 = vector.broadcast %parallel_loop3A_268 : i32 to vector<16xi32>
      %parallel_loop3A_270 = arith.cmpi eq, %parallel_loop3A_176, %parallel_loop3A_269 : vector<16xi32>
      %parallel_loop3A_271 = arith.select %parallel_loop3A_270, %broadcast_in_dim3A_35, %broadcast_in_dim3A_37 : vector<16xi1>, vector<16xf32>
      %parallel_loop3A_272 = arith.constant 16 : i32
      %parallel_loop3A_273 = arith.muli %parallel_loop3A_171, %parallel_loop3A_272 : i32
      %parallel_loop3A_274 = arith.constant 0 : i32
      %parallel_loop3A_275 = arith.constant 6 : i32
      %parallel_loop3A_276 = arith.index_cast %parallel_loop3A_274 : i32 to index
      %parallel_loop3A_277 = arith.index_cast %parallel_loop3A_275 : i32 to index
      %parallel_loop3A_278 = arith.index_cast %parallel_loop3A_273 : i32 to index
      %parallel_loop3A_279 = tpu.vector_load %arg4[%parallel_loop3A_276, %parallel_loop3A_277, %parallel_loop3A_278] {strides = array<i32>} : memref<1x8x6192xf32, #tpu.memory_space<vmem>>, vector<1x1x16xf32>,
      %parallel_loop3A_280 = vector.shape_cast %parallel_loop3A_279 : vector<1x1x16xf32> to vector<16xf32>
      %parallel_loop3A_281 = vector.shape_cast %parallel_loop3A_271 : vector<16xf32> to vector<1x1x16xf32>
      tpu.vector_store %arg4[%parallel_loop3A_276, %parallel_loop3A_277, %parallel_loop3A_278], %parallel_loop3A_281 {strides = array<i32>} : memref<1x8x6192xf32, #tpu.memory_space<vmem>>, vector<1x1x16xf32>,
      %parallel_loop3A_282 = arith.constant 7 : i32
      %parallel_loop3A_283 = arith.addi %add3A_88, %parallel_loop3A_282 : i32
      %parallel_loop3A_284 = vector.broadcast %parallel_loop3A_283 : i32 to vector<16xi32>
      %parallel_loop3A_285 = arith.cmpi eq, %parallel_loop3A_176, %parallel_loop3A_284 : vector<16xi32>
      %parallel_loop3A_286 = arith.select %parallel_loop3A_285, %broadcast_in_dim3A_35, %broadcast_in_dim3A_37 : vector<16xi1>, vector<16xf32>
      %parallel_loop3A_287 = arith.constant 16 : i32
      %parallel_loop3A_288 = arith.muli %parallel_loop3A_171, %parallel_loop3A_287 : i32
      %parallel_loop3A_289 = arith.constant 0 : i32
      %parallel_loop3A_290 = arith.constant 7 : i32
      %parallel_loop3A_291 = arith.index_cast %parallel_loop3A_289 : i32 to index
      %parallel_loop3A_292 = arith.index_cast %parallel_loop3A_290 : i32 to index
      %parallel_loop3A_293 = arith.index_cast %parallel_loop3A_288 : i32 to index
      %parallel_loop3A_294 = tpu.vector_load %arg4[%parallel_loop3A_291, %parallel_loop3A_292, %parallel_loop3A_293] {strides = array<i32>} : memref<1x8x6192xf32, #tpu.memory_space<vmem>>, vector<1x1x16xf32>,
      %parallel_loop3A_295 = vector.shape_cast %parallel_loop3A_294 : vector<1x1x16xf32> to vector<16xf32>
      %parallel_loop3A_296 = vector.shape_cast %parallel_loop3A_286 : vector<16xf32> to vector<1x1x16xf32>
      tpu.vector_store %arg4[%parallel_loop3A_291, %parallel_loop3A_292, %parallel_loop3A_293], %parallel_loop3A_296 {strides = array<i32>} : memref<1x8x6192xf32, #tpu.memory_space<vmem>>, vector<1x1x16xf32>,
    } {sc.loop_unroll_factor = 3 : i64, sc.parallel_access}
    %dma_start3A_100 = arith.constant 0 : i32
    %dma_start3A_101 = tpu.memref_slice %arg3[%select_n3A, %add3A_88, %dma_start3A_100] : memref<8x256x6192xf32, #tpu.memory_space<hbm>> -> memref<1x8x6192xf32, #tpu.memory_space<hbm>>
    %dma_start3A_102 = arith.constant 0 : i32
    %dma_start3A_103 = tpu.memref_slice %arg3[%select_n3A, %add3A_88, %dma_start3A_102] : memref<8x256x6192xf32, #tpu.memory_space<hbm>> -> memref<1x8x6192xf32, #tpu.memory_space<hbm>>
    tpu.enqueue_dma source(%arg4 : memref<1x8x6192xf32, #tpu.memory_space<vmem>>) target(%dma_start3A_103 : memref<1x8x6192xf32, #tpu.memory_space<hbm>>) target_semaphore(%arg7 : memref<!tpu.dma_semaphore, #tpu.memory_space<semaphore_mem>>)
    %add3A_104 = arith.constant 40 : i32
    %add3A_105 = arith.addi %mul3A_32, %add3A_104 : i32
    %dma_wait3A_106 = arith.constant 0 : i32
    %dma_wait3A_107 = arith.constant 0 : i32
    %dma_wait3A_108 = arith.constant 0 : i32
    %dma_wait3A_109 = tpu.memref_slice %arg3[%dma_wait3A_106, %dma_wait3A_107, %dma_wait3A_108] : memref<8x256x6192xf32, #tpu.memory_space<hbm>> -> memref<1x8x6192xf32, #tpu.memory_space<hbm>>
    %dma_wait3A_110 = arith.constant 0 : i32
    %dma_wait3A_111 = arith.constant 0 : i32
    %dma_wait3A_112 = arith.constant 0 : i32
    %dma_wait3A_113 = tpu.memref_slice %arg3[%dma_wait3A_110, %dma_wait3A_111, %dma_wait3A_112] : memref<8x256x6192xf32, #tpu.memory_space<hbm>> -> memref<1x8x6192xf32, #tpu.memory_space<hbm>>
    tpu.wait_dma2 semaphore(%arg8 : memref<!tpu.dma_semaphore, #tpu.memory_space<semaphore_mem>>) src(%arg5 : memref<1x8x6192xf32, #tpu.memory_space<vmem>>) dst(%dma_wait3A_113 : memref<1x8x6192xf32, #tpu.memory_space<hbm>>)
    %parallel_loop3A_114 = arith.constant 0 : i32
    %parallel_loop3A_115 = arith.constant 387 : i32
    %parallel_loop3A_116 = arith.constant 1 : i32
    scf.for %parallel_loop3A_171 = %parallel_loop3A_114 to %parallel_loop3A_115 step %parallel_loop3A_116  : i32 {
      %parallel_loop3A_172 = arith.constant 16 : i32
      %parallel_loop3A_173 = arith.muli %parallel_loop3A_171, %parallel_loop3A_172 : i32
      %parallel_loop3A_174 = arith.index_cast %parallel_loop3A_173 : i32 to index
      %parallel_loop3A_175 = tpu.vector_load %arg6[%parallel_loop3A_174] {strides = array<i32>} : memref<6192xi32, #tpu.memory_space<vmem>>, vector<16xi32>,
      %parallel_loop3A_176 = vector.shape_cast %parallel_loop3A_175 : vector<16xi32> to vector<16xi32>
      %parallel_loop3A_177 = arith.constant 0 : i32
      %parallel_loop3A_178 = arith.addi %add3A_105, %parallel_loop3A_177 : i32
      %parallel_loop3A_179 = vector.broadcast %parallel_loop3A_178 : i32 to vector<16xi32>
      %parallel_loop3A_180 = arith.cmpi eq, %parallel_loop3A_176, %parallel_loop3A_179 : vector<16xi32>
      %parallel_loop3A_181 = arith.select %parallel_loop3A_180, %broadcast_in_dim3A_35, %broadcast_in_dim3A_37 : vector<16xi1>, vector<16xf32>
      %parallel_loop3A_182 = arith.constant 16 : i32
      %parallel_loop3A_183 = arith.muli %parallel_loop3A_171, %parallel_loop3A_182 : i32
      %parallel_loop3A_184 = arith.constant 0 : i32
      %parallel_loop3A_185 = arith.constant 0 : i32
      %parallel_loop3A_186 = arith.index_cast %parallel_loop3A_184 : i32 to index
      %parallel_loop3A_187 = arith.index_cast %parallel_loop3A_185 : i32 to index
      %parallel_loop3A_188 = arith.index_cast %parallel_loop3A_183 : i32 to index
      %parallel_loop3A_189 = tpu.vector_load %arg5[%parallel_loop3A_186, %parallel_loop3A_187, %parallel_loop3A_188] {strides = array<i32>} : memref<1x8x6192xf32, #tpu.memory_space<vmem>>, vector<1x1x16xf32>,
      %parallel_loop3A_190 = vector.shape_cast %parallel_loop3A_189 : vector<1x1x16xf32> to vector<16xf32>
      %parallel_loop3A_191 = vector.shape_cast %parallel_loop3A_181 : vector<16xf32> to vector<1x1x16xf32>
      tpu.vector_store %arg5[%parallel_loop3A_186, %parallel_loop3A_187, %parallel_loop3A_188], %parallel_loop3A_191 {strides = array<i32>} : memref<1x8x6192xf32, #tpu.memory_space<vmem>>, vector<1x1x16xf32>,
      %parallel_loop3A_192 = arith.constant 1 : i32
      %parallel_loop3A_193 = arith.addi %add3A_105, %parallel_loop3A_192 : i32
      %parallel_loop3A_194 = vector.broadcast %parallel_loop3A_193 : i32 to vector<16xi32>
      %parallel_loop3A_195 = arith.cmpi eq, %parallel_loop3A_176, %parallel_loop3A_194 : vector<16xi32>
      %parallel_loop3A_196 = arith.select %parallel_loop3A_195, %broadcast_in_dim3A_35, %broadcast_in_dim3A_37 : vector<16xi1>, vector<16xf32>
      %parallel_loop3A_197 = arith.constant 16 : i32
      %parallel_loop3A_198 = arith.muli %parallel_loop3A_171, %parallel_loop3A_197 : i32
      %parallel_loop3A_199 = arith.constant 0 : i32
      %parallel_loop3A_200 = arith.constant 1 : i32
      %parallel_loop3A_201 = arith.index_cast %parallel_loop3A_199 : i32 to index
      %parallel_loop3A_202 = arith.index_cast %parallel_loop3A_200 : i32 to index
      %parallel_loop3A_203 = arith.index_cast %parallel_loop3A_198 : i32 to index
      %parallel_loop3A_204 = tpu.vector_load %arg5[%parallel_loop3A_201, %parallel_loop3A_202, %parallel_loop3A_203] {strides = array<i32>} : memref<1x8x6192xf32, #tpu.memory_space<vmem>>, vector<1x1x16xf32>,
      %parallel_loop3A_205 = vector.shape_cast %parallel_loop3A_204 : vector<1x1x16xf32> to vector<16xf32>
      %parallel_loop3A_206 = vector.shape_cast %parallel_loop3A_196 : vector<16xf32> to vector<1x1x16xf32>
      tpu.vector_store %arg5[%parallel_loop3A_201, %parallel_loop3A_202, %parallel_loop3A_203], %parallel_loop3A_206 {strides = array<i32>} : memref<1x8x6192xf32, #tpu.memory_space<vmem>>, vector<1x1x16xf32>,
      %parallel_loop3A_207 = arith.constant 2 : i32
      %parallel_loop3A_208 = arith.addi %add3A_105, %parallel_loop3A_207 : i32
      %parallel_loop3A_209 = vector.broadcast %parallel_loop3A_208 : i32 to vector<16xi32>
      %parallel_loop3A_210 = arith.cmpi eq, %parallel_loop3A_176, %parallel_loop3A_209 : vector<16xi32>
      %parallel_loop3A_211 = arith.select %parallel_loop3A_210, %broadcast_in_dim3A_35, %broadcast_in_dim3A_37 : vector<16xi1>, vector<16xf32>
      %parallel_loop3A_212 = arith.constant 16 : i32
      %parallel_loop3A_213 = arith.muli %parallel_loop3A_171, %parallel_loop3A_212 : i32
      %parallel_loop3A_214 = arith.constant 0 : i32
      %parallel_loop3A_215 = arith.constant 2 : i32
      %parallel_loop3A_216 = arith.index_cast %parallel_loop3A_214 : i32 to index
      %parallel_loop3A_217 = arith.index_cast %parallel_loop3A_215 : i32 to index
      %parallel_loop3A_218 = arith.index_cast %parallel_loop3A_213 : i32 to index
      %parallel_loop3A_219 = tpu.vector_load %arg5[%parallel_loop3A_216, %parallel_loop3A_217, %parallel_loop3A_218] {strides = array<i32>} : memref<1x8x6192xf32, #tpu.memory_space<vmem>>, vector<1x1x16xf32>,
      %parallel_loop3A_220 = vector.shape_cast %parallel_loop3A_219 : vector<1x1x16xf32> to vector<16xf32>
      %parallel_loop3A_221 = vector.shape_cast %parallel_loop3A_211 : vector<16xf32> to vector<1x1x16xf32>
      tpu.vector_store %arg5[%parallel_loop3A_216, %parallel_loop3A_217, %parallel_loop3A_218], %parallel_loop3A_221 {strides = array<i32>} : memref<1x8x6192xf32, #tpu.memory_space<vmem>>, vector<1x1x16xf32>,
      %parallel_loop3A_222 = arith.constant 3 : i32
      %parallel_loop3A_223 = arith.addi %add3A_105, %parallel_loop3A_222 : i32
      %parallel_loop3A_224 = vector.broadcast %parallel_loop3A_223 : i32 to vector<16xi32>
      %parallel_loop3A_225 = arith.cmpi eq, %parallel_loop3A_176, %parallel_loop3A_224 : vector<16xi32>
      %parallel_loop3A_226 = arith.select %parallel_loop3A_225, %broadcast_in_dim3A_35, %broadcast_in_dim3A_37 : vector<16xi1>, vector<16xf32>
      %parallel_loop3A_227 = arith.constant 16 : i32
      %parallel_loop3A_228 = arith.muli %parallel_loop3A_171, %parallel_loop3A_227 : i32
      %parallel_loop3A_229 = arith.constant 0 : i32
      %parallel_loop3A_230 = arith.constant 3 : i32
      %parallel_loop3A_231 = arith.index_cast %parallel_loop3A_229 : i32 to index
      %parallel_loop3A_232 = arith.index_cast %parallel_loop3A_230 : i32 to index
      %parallel_loop3A_233 = arith.index_cast %parallel_loop3A_228 : i32 to index
      %parallel_loop3A_234 = tpu.vector_load %arg5[%parallel_loop3A_231, %parallel_loop3A_232, %parallel_loop3A_233] {strides = array<i32>} : memref<1x8x6192xf32, #tpu.memory_space<vmem>>, vector<1x1x16xf32>,
      %parallel_loop3A_235 = vector.shape_cast %parallel_loop3A_234 : vector<1x1x16xf32> to vector<16xf32>
      %parallel_loop3A_236 = vector.shape_cast %parallel_loop3A_226 : vector<16xf32> to vector<1x1x16xf32>
      tpu.vector_store %arg5[%parallel_loop3A_231, %parallel_loop3A_232, %parallel_loop3A_233], %parallel_loop3A_236 {strides = array<i32>} : memref<1x8x6192xf32, #tpu.memory_space<vmem>>, vector<1x1x16xf32>,
      %parallel_loop3A_237 = arith.constant 4 : i32
      %parallel_loop3A_238 = arith.addi %add3A_105, %parallel_loop3A_237 : i32
      %parallel_loop3A_239 = vector.broadcast %parallel_loop3A_238 : i32 to vector<16xi32>
      %parallel_loop3A_240 = arith.cmpi eq, %parallel_loop3A_176, %parallel_loop3A_239 : vector<16xi32>
      %parallel_loop3A_241 = arith.select %parallel_loop3A_240, %broadcast_in_dim3A_35, %broadcast_in_dim3A_37 : vector<16xi1>, vector<16xf32>
      %parallel_loop3A_242 = arith.constant 16 : i32
      %parallel_loop3A_243 = arith.muli %parallel_loop3A_171, %parallel_loop3A_242 : i32
      %parallel_loop3A_244 = arith.constant 0 : i32
      %parallel_loop3A_245 = arith.constant 4 : i32
      %parallel_loop3A_246 = arith.index_cast %parallel_loop3A_244 : i32 to index
      %parallel_loop3A_247 = arith.index_cast %parallel_loop3A_245 : i32 to index
      %parallel_loop3A_248 = arith.index_cast %parallel_loop3A_243 : i32 to index
      %parallel_loop3A_249 = tpu.vector_load %arg5[%parallel_loop3A_246, %parallel_loop3A_247, %parallel_loop3A_248] {strides = array<i32>} : memref<1x8x6192xf32, #tpu.memory_space<vmem>>, vector<1x1x16xf32>,
      %parallel_loop3A_250 = vector.shape_cast %parallel_loop3A_249 : vector<1x1x16xf32> to vector<16xf32>
      %parallel_loop3A_251 = vector.shape_cast %parallel_loop3A_241 : vector<16xf32> to vector<1x1x16xf32>
      tpu.vector_store %arg5[%parallel_loop3A_246, %parallel_loop3A_247, %parallel_loop3A_248], %parallel_loop3A_251 {strides = array<i32>} : memref<1x8x6192xf32, #tpu.memory_space<vmem>>, vector<1x1x16xf32>,
      %parallel_loop3A_252 = arith.constant 5 : i32
      %parallel_loop3A_253 = arith.addi %add3A_105, %parallel_loop3A_252 : i32
      %parallel_loop3A_254 = vector.broadcast %parallel_loop3A_253 : i32 to vector<16xi32>
      %parallel_loop3A_255 = arith.cmpi eq, %parallel_loop3A_176, %parallel_loop3A_254 : vector<16xi32>
      %parallel_loop3A_256 = arith.select %parallel_loop3A_255, %broadcast_in_dim3A_35, %broadcast_in_dim3A_37 : vector<16xi1>, vector<16xf32>
      %parallel_loop3A_257 = arith.constant 16 : i32
      %parallel_loop3A_258 = arith.muli %parallel_loop3A_171, %parallel_loop3A_257 : i32
      %parallel_loop3A_259 = arith.constant 0 : i32
      %parallel_loop3A_260 = arith.constant 5 : i32
      %parallel_loop3A_261 = arith.index_cast %parallel_loop3A_259 : i32 to index
      %parallel_loop3A_262 = arith.index_cast %parallel_loop3A_260 : i32 to index
      %parallel_loop3A_263 = arith.index_cast %parallel_loop3A_258 : i32 to index
      %parallel_loop3A_264 = tpu.vector_load %arg5[%parallel_loop3A_261, %parallel_loop3A_262, %parallel_loop3A_263] {strides = array<i32>} : memref<1x8x6192xf32, #tpu.memory_space<vmem>>, vector<1x1x16xf32>,
      %parallel_loop3A_265 = vector.shape_cast %parallel_loop3A_264 : vector<1x1x16xf32> to vector<16xf32>
      %parallel_loop3A_266 = vector.shape_cast %parallel_loop3A_256 : vector<16xf32> to vector<1x1x16xf32>
      tpu.vector_store %arg5[%parallel_loop3A_261, %parallel_loop3A_262, %parallel_loop3A_263], %parallel_loop3A_266 {strides = array<i32>} : memref<1x8x6192xf32, #tpu.memory_space<vmem>>, vector<1x1x16xf32>,
      %parallel_loop3A_267 = arith.constant 6 : i32
      %parallel_loop3A_268 = arith.addi %add3A_105, %parallel_loop3A_267 : i32
      %parallel_loop3A_269 = vector.broadcast %parallel_loop3A_268 : i32 to vector<16xi32>
      %parallel_loop3A_270 = arith.cmpi eq, %parallel_loop3A_176, %parallel_loop3A_269 : vector<16xi32>
      %parallel_loop3A_271 = arith.select %parallel_loop3A_270, %broadcast_in_dim3A_35, %broadcast_in_dim3A_37 : vector<16xi1>, vector<16xf32>
      %parallel_loop3A_272 = arith.constant 16 : i32
      %parallel_loop3A_273 = arith.muli %parallel_loop3A_171, %parallel_loop3A_272 : i32
      %parallel_loop3A_274 = arith.constant 0 : i32
      %parallel_loop3A_275 = arith.constant 6 : i32
      %parallel_loop3A_276 = arith.index_cast %parallel_loop3A_274 : i32 to index
      %parallel_loop3A_277 = arith.index_cast %parallel_loop3A_275 : i32 to index
      %parallel_loop3A_278 = arith.index_cast %parallel_loop3A_273 : i32 to index
      %parallel_loop3A_279 = tpu.vector_load %arg5[%parallel_loop3A_276, %parallel_loop3A_277, %parallel_loop3A_278] {strides = array<i32>} : memref<1x8x6192xf32, #tpu.memory_space<vmem>>, vector<1x1x16xf32>,
      %parallel_loop3A_280 = vector.shape_cast %parallel_loop3A_279 : vector<1x1x16xf32> to vector<16xf32>
      %parallel_loop3A_281 = vector.shape_cast %parallel_loop3A_271 : vector<16xf32> to vector<1x1x16xf32>
      tpu.vector_store %arg5[%parallel_loop3A_276, %parallel_loop3A_277, %parallel_loop3A_278], %parallel_loop3A_281 {strides = array<i32>} : memref<1x8x6192xf32, #tpu.memory_space<vmem>>, vector<1x1x16xf32>,
      %parallel_loop3A_282 = arith.constant 7 : i32
      %parallel_loop3A_283 = arith.addi %add3A_105, %parallel_loop3A_282 : i32
      %parallel_loop3A_284 = vector.broadcast %parallel_loop3A_283 : i32 to vector<16xi32>
      %parallel_loop3A_285 = arith.cmpi eq, %parallel_loop3A_176, %parallel_loop3A_284 : vector<16xi32>
      %parallel_loop3A_286 = arith.select %parallel_loop3A_285, %broadcast_in_dim3A_35, %broadcast_in_dim3A_37 : vector<16xi1>, vector<16xf32>
      %parallel_loop3A_287 = arith.constant 16 : i32
      %parallel_loop3A_288 = arith.muli %parallel_loop3A_171, %parallel_loop3A_287 : i32
      %parallel_loop3A_289 = arith.constant 0 : i32
      %parallel_loop3A_290 = arith.constant 7 : i32
      %parallel_loop3A_291 = arith.index_cast %parallel_loop3A_289 : i32 to index
      %parallel_loop3A_292 = arith.index_cast %parallel_loop3A_290 : i32 to index
      %parallel_loop3A_293 = arith.index_cast %parallel_loop3A_288 : i32 to index
      %parallel_loop3A_294 = tpu.vector_load %arg5[%parallel_loop3A_291, %parallel_loop3A_292, %parallel_loop3A_293] {strides = array<i32>} : memref<1x8x6192xf32, #tpu.memory_space<vmem>>, vector<1x1x16xf32>,
      %parallel_loop3A_295 = vector.shape_cast %parallel_loop3A_294 : vector<1x1x16xf32> to vector<16xf32>
      %parallel_loop3A_296 = vector.shape_cast %parallel_loop3A_286 : vector<16xf32> to vector<1x1x16xf32>
      tpu.vector_store %arg5[%parallel_loop3A_291, %parallel_loop3A_292, %parallel_loop3A_293], %parallel_loop3A_296 {strides = array<i32>} : memref<1x8x6192xf32, #tpu.memory_space<vmem>>, vector<1x1x16xf32>,
    } {sc.loop_unroll_factor = 3 : i64, sc.parallel_access}
    %dma_start3A_117 = arith.constant 0 : i32
    %dma_start3A_118 = tpu.memref_slice %arg3[%select_n3A, %add3A_105, %dma_start3A_117] : memref<8x256x6192xf32, #tpu.memory_space<hbm>> -> memref<1x8x6192xf32, #tpu.memory_space<hbm>>
    %dma_start3A_119 = arith.constant 0 : i32
    %dma_start3A_120 = tpu.memref_slice %arg3[%select_n3A, %add3A_105, %dma_start3A_119] : memref<8x256x6192xf32, #tpu.memory_space<hbm>> -> memref<1x8x6192xf32, #tpu.memory_space<hbm>>
    tpu.enqueue_dma source(%arg5 : memref<1x8x6192xf32, #tpu.memory_space<vmem>>) target(%dma_start3A_120 : memref<1x8x6192xf32, #tpu.memory_space<hbm>>) target_semaphore(%arg8 : memref<!tpu.dma_semaphore, #tpu.memory_space<semaphore_mem>>)
    %add3A_121 = arith.constant 48 : i32
    %add3A_122 = arith.addi %mul3A_32, %add3A_121 : i32
    %dma_wait3A_123 = arith.constant 0 : i32
    %dma_wait3A_124 = arith.constant 0 : i32
    %dma_wait3A_125 = arith.constant 0 : i32
    %dma_wait3A_126 = tpu.memref_slice %arg3[%dma_wait3A_123, %dma_wait3A_124, %dma_wait3A_125] : memref<8x256x6192xf32, #tpu.memory_space<hbm>> -> memref<1x8x6192xf32, #tpu.memory_space<hbm>>
    %dma_wait3A_127 = arith.constant 0 : i32
    %dma_wait3A_128 = arith.constant 0 : i32
    %dma_wait3A_129 = arith.constant 0 : i32
    %dma_wait3A_130 = tpu.memref_slice %arg3[%dma_wait3A_127, %dma_wait3A_128, %dma_wait3A_129] : memref<8x256x6192xf32, #tpu.memory_space<hbm>> -> memref<1x8x6192xf32, #tpu.memory_space<hbm>>
    tpu.wait_dma2 semaphore(%arg7 : memref<!tpu.dma_semaphore, #tpu.memory_space<semaphore_mem>>) src(%arg4 : memref<1x8x6192xf32, #tpu.memory_space<vmem>>) dst(%dma_wait3A_130 : memref<1x8x6192xf32, #tpu.memory_space<hbm>>)
    %parallel_loop3A_131 = arith.constant 0 : i32
    %parallel_loop3A_132 = arith.constant 387 : i32
    %parallel_loop3A_133 = arith.constant 1 : i32
    scf.for %parallel_loop3A_171 = %parallel_loop3A_131 to %parallel_loop3A_132 step %parallel_loop3A_133  : i32 {
      %parallel_loop3A_172 = arith.constant 16 : i32
      %parallel_loop3A_173 = arith.muli %parallel_loop3A_171, %parallel_loop3A_172 : i32
      %parallel_loop3A_174 = arith.index_cast %parallel_loop3A_173 : i32 to index
      %parallel_loop3A_175 = tpu.vector_load %arg6[%parallel_loop3A_174] {strides = array<i32>} : memref<6192xi32, #tpu.memory_space<vmem>>, vector<16xi32>,
      %parallel_loop3A_176 = vector.shape_cast %parallel_loop3A_175 : vector<16xi32> to vector<16xi32>
      %parallel_loop3A_177 = arith.constant 0 : i32
      %parallel_loop3A_178 = arith.addi %add3A_122, %parallel_loop3A_177 : i32
      %parallel_loop3A_179 = vector.broadcast %parallel_loop3A_178 : i32 to vector<16xi32>
      %parallel_loop3A_180 = arith.cmpi eq, %parallel_loop3A_176, %parallel_loop3A_179 : vector<16xi32>
      %parallel_loop3A_181 = arith.select %parallel_loop3A_180, %broadcast_in_dim3A_35, %broadcast_in_dim3A_37 : vector<16xi1>, vector<16xf32>
      %parallel_loop3A_182 = arith.constant 16 : i32
      %parallel_loop3A_183 = arith.muli %parallel_loop3A_171, %parallel_loop3A_182 : i32
      %parallel_loop3A_184 = arith.constant 0 : i32
      %parallel_loop3A_185 = arith.constant 0 : i32
      %parallel_loop3A_186 = arith.index_cast %parallel_loop3A_184 : i32 to index
      %parallel_loop3A_187 = arith.index_cast %parallel_loop3A_185 : i32 to index
      %parallel_loop3A_188 = arith.index_cast %parallel_loop3A_183 : i32 to index
      %parallel_loop3A_189 = tpu.vector_load %arg4[%parallel_loop3A_186, %parallel_loop3A_187, %parallel_loop3A_188] {strides = array<i32>} : memref<1x8x6192xf32, #tpu.memory_space<vmem>>, vector<1x1x16xf32>,
      %parallel_loop3A_190 = vector.shape_cast %parallel_loop3A_189 : vector<1x1x16xf32> to vector<16xf32>
      %parallel_loop3A_191 = vector.shape_cast %parallel_loop3A_181 : vector<16xf32> to vector<1x1x16xf32>
      tpu.vector_store %arg4[%parallel_loop3A_186, %parallel_loop3A_187, %parallel_loop3A_188], %parallel_loop3A_191 {strides = array<i32>} : memref<1x8x6192xf32, #tpu.memory_space<vmem>>, vector<1x1x16xf32>,
      %parallel_loop3A_192 = arith.constant 1 : i32
      %parallel_loop3A_193 = arith.addi %add3A_122, %parallel_loop3A_192 : i32
      %parallel_loop3A_194 = vector.broadcast %parallel_loop3A_193 : i32 to vector<16xi32>
      %parallel_loop3A_195 = arith.cmpi eq, %parallel_loop3A_176, %parallel_loop3A_194 : vector<16xi32>
      %parallel_loop3A_196 = arith.select %parallel_loop3A_195, %broadcast_in_dim3A_35, %broadcast_in_dim3A_37 : vector<16xi1>, vector<16xf32>
      %parallel_loop3A_197 = arith.constant 16 : i32
      %parallel_loop3A_198 = arith.muli %parallel_loop3A_171, %parallel_loop3A_197 : i32
      %parallel_loop3A_199 = arith.constant 0 : i32
      %parallel_loop3A_200 = arith.constant 1 : i32
      %parallel_loop3A_201 = arith.index_cast %parallel_loop3A_199 : i32 to index
      %parallel_loop3A_202 = arith.index_cast %parallel_loop3A_200 : i32 to index
      %parallel_loop3A_203 = arith.index_cast %parallel_loop3A_198 : i32 to index
      %parallel_loop3A_204 = tpu.vector_load %arg4[%parallel_loop3A_201, %parallel_loop3A_202, %parallel_loop3A_203] {strides = array<i32>} : memref<1x8x6192xf32, #tpu.memory_space<vmem>>, vector<1x1x16xf32>,
      %parallel_loop3A_205 = vector.shape_cast %parallel_loop3A_204 : vector<1x1x16xf32> to vector<16xf32>
      %parallel_loop3A_206 = vector.shape_cast %parallel_loop3A_196 : vector<16xf32> to vector<1x1x16xf32>
      tpu.vector_store %arg4[%parallel_loop3A_201, %parallel_loop3A_202, %parallel_loop3A_203], %parallel_loop3A_206 {strides = array<i32>} : memref<1x8x6192xf32, #tpu.memory_space<vmem>>, vector<1x1x16xf32>,
      %parallel_loop3A_207 = arith.constant 2 : i32
      %parallel_loop3A_208 = arith.addi %add3A_122, %parallel_loop3A_207 : i32
      %parallel_loop3A_209 = vector.broadcast %parallel_loop3A_208 : i32 to vector<16xi32>
      %parallel_loop3A_210 = arith.cmpi eq, %parallel_loop3A_176, %parallel_loop3A_209 : vector<16xi32>
      %parallel_loop3A_211 = arith.select %parallel_loop3A_210, %broadcast_in_dim3A_35, %broadcast_in_dim3A_37 : vector<16xi1>, vector<16xf32>
      %parallel_loop3A_212 = arith.constant 16 : i32
      %parallel_loop3A_213 = arith.muli %parallel_loop3A_171, %parallel_loop3A_212 : i32
      %parallel_loop3A_214 = arith.constant 0 : i32
      %parallel_loop3A_215 = arith.constant 2 : i32
      %parallel_loop3A_216 = arith.index_cast %parallel_loop3A_214 : i32 to index
      %parallel_loop3A_217 = arith.index_cast %parallel_loop3A_215 : i32 to index
      %parallel_loop3A_218 = arith.index_cast %parallel_loop3A_213 : i32 to index
      %parallel_loop3A_219 = tpu.vector_load %arg4[%parallel_loop3A_216, %parallel_loop3A_217, %parallel_loop3A_218] {strides = array<i32>} : memref<1x8x6192xf32, #tpu.memory_space<vmem>>, vector<1x1x16xf32>,
      %parallel_loop3A_220 = vector.shape_cast %parallel_loop3A_219 : vector<1x1x16xf32> to vector<16xf32>
      %parallel_loop3A_221 = vector.shape_cast %parallel_loop3A_211 : vector<16xf32> to vector<1x1x16xf32>
      tpu.vector_store %arg4[%parallel_loop3A_216, %parallel_loop3A_217, %parallel_loop3A_218], %parallel_loop3A_221 {strides = array<i32>} : memref<1x8x6192xf32, #tpu.memory_space<vmem>>, vector<1x1x16xf32>,
      %parallel_loop3A_222 = arith.constant 3 : i32
      %parallel_loop3A_223 = arith.addi %add3A_122, %parallel_loop3A_222 : i32
      %parallel_loop3A_224 = vector.broadcast %parallel_loop3A_223 : i32 to vector<16xi32>
      %parallel_loop3A_225 = arith.cmpi eq, %parallel_loop3A_176, %parallel_loop3A_224 : vector<16xi32>
      %parallel_loop3A_226 = arith.select %parallel_loop3A_225, %broadcast_in_dim3A_35, %broadcast_in_dim3A_37 : vector<16xi1>, vector<16xf32>
      %parallel_loop3A_227 = arith.constant 16 : i32
      %parallel_loop3A_228 = arith.muli %parallel_loop3A_171, %parallel_loop3A_227 : i32
      %parallel_loop3A_229 = arith.constant 0 : i32
      %parallel_loop3A_230 = arith.constant 3 : i32
      %parallel_loop3A_231 = arith.index_cast %parallel_loop3A_229 : i32 to index
      %parallel_loop3A_232 = arith.index_cast %parallel_loop3A_230 : i32 to index
      %parallel_loop3A_233 = arith.index_cast %parallel_loop3A_228 : i32 to index
      %parallel_loop3A_234 = tpu.vector_load %arg4[%parallel_loop3A_231, %parallel_loop3A_232, %parallel_loop3A_233] {strides = array<i32>} : memref<1x8x6192xf32, #tpu.memory_space<vmem>>, vector<1x1x16xf32>,
      %parallel_loop3A_235 = vector.shape_cast %parallel_loop3A_234 : vector<1x1x16xf32> to vector<16xf32>
      %parallel_loop3A_236 = vector.shape_cast %parallel_loop3A_226 : vector<16xf32> to vector<1x1x16xf32>
      tpu.vector_store %arg4[%parallel_loop3A_231, %parallel_loop3A_232, %parallel_loop3A_233], %parallel_loop3A_236 {strides = array<i32>} : memref<1x8x6192xf32, #tpu.memory_space<vmem>>, vector<1x1x16xf32>,
      %parallel_loop3A_237 = arith.constant 4 : i32
      %parallel_loop3A_238 = arith.addi %add3A_122, %parallel_loop3A_237 : i32
      %parallel_loop3A_239 = vector.broadcast %parallel_loop3A_238 : i32 to vector<16xi32>
      %parallel_loop3A_240 = arith.cmpi eq, %parallel_loop3A_176, %parallel_loop3A_239 : vector<16xi32>
      %parallel_loop3A_241 = arith.select %parallel_loop3A_240, %broadcast_in_dim3A_35, %broadcast_in_dim3A_37 : vector<16xi1>, vector<16xf32>
      %parallel_loop3A_242 = arith.constant 16 : i32
      %parallel_loop3A_243 = arith.muli %parallel_loop3A_171, %parallel_loop3A_242 : i32
      %parallel_loop3A_244 = arith.constant 0 : i32
      %parallel_loop3A_245 = arith.constant 4 : i32
      %parallel_loop3A_246 = arith.index_cast %parallel_loop3A_244 : i32 to index
      %parallel_loop3A_247 = arith.index_cast %parallel_loop3A_245 : i32 to index
      %parallel_loop3A_248 = arith.index_cast %parallel_loop3A_243 : i32 to index
      %parallel_loop3A_249 = tpu.vector_load %arg4[%parallel_loop3A_246, %parallel_loop3A_247, %parallel_loop3A_248] {strides = array<i32>} : memref<1x8x6192xf32, #tpu.memory_space<vmem>>, vector<1x1x16xf32>,
      %parallel_loop3A_250 = vector.shape_cast %parallel_loop3A_249 : vector<1x1x16xf32> to vector<16xf32>
      %parallel_loop3A_251 = vector.shape_cast %parallel_loop3A_241 : vector<16xf32> to vector<1x1x16xf32>
      tpu.vector_store %arg4[%parallel_loop3A_246, %parallel_loop3A_247, %parallel_loop3A_248], %parallel_loop3A_251 {strides = array<i32>} : memref<1x8x6192xf32, #tpu.memory_space<vmem>>, vector<1x1x16xf32>,
      %parallel_loop3A_252 = arith.constant 5 : i32
      %parallel_loop3A_253 = arith.addi %add3A_122, %parallel_loop3A_252 : i32
      %parallel_loop3A_254 = vector.broadcast %parallel_loop3A_253 : i32 to vector<16xi32>
      %parallel_loop3A_255 = arith.cmpi eq, %parallel_loop3A_176, %parallel_loop3A_254 : vector<16xi32>
      %parallel_loop3A_256 = arith.select %parallel_loop3A_255, %broadcast_in_dim3A_35, %broadcast_in_dim3A_37 : vector<16xi1>, vector<16xf32>
      %parallel_loop3A_257 = arith.constant 16 : i32
      %parallel_loop3A_258 = arith.muli %parallel_loop3A_171, %parallel_loop3A_257 : i32
      %parallel_loop3A_259 = arith.constant 0 : i32
      %parallel_loop3A_260 = arith.constant 5 : i32
      %parallel_loop3A_261 = arith.index_cast %parallel_loop3A_259 : i32 to index
      %parallel_loop3A_262 = arith.index_cast %parallel_loop3A_260 : i32 to index
      %parallel_loop3A_263 = arith.index_cast %parallel_loop3A_258 : i32 to index
      %parallel_loop3A_264 = tpu.vector_load %arg4[%parallel_loop3A_261, %parallel_loop3A_262, %parallel_loop3A_263] {strides = array<i32>} : memref<1x8x6192xf32, #tpu.memory_space<vmem>>, vector<1x1x16xf32>,
      %parallel_loop3A_265 = vector.shape_cast %parallel_loop3A_264 : vector<1x1x16xf32> to vector<16xf32>
      %parallel_loop3A_266 = vector.shape_cast %parallel_loop3A_256 : vector<16xf32> to vector<1x1x16xf32>
      tpu.vector_store %arg4[%parallel_loop3A_261, %parallel_loop3A_262, %parallel_loop3A_263], %parallel_loop3A_266 {strides = array<i32>} : memref<1x8x6192xf32, #tpu.memory_space<vmem>>, vector<1x1x16xf32>,
      %parallel_loop3A_267 = arith.constant 6 : i32
      %parallel_loop3A_268 = arith.addi %add3A_122, %parallel_loop3A_267 : i32
      %parallel_loop3A_269 = vector.broadcast %parallel_loop3A_268 : i32 to vector<16xi32>
      %parallel_loop3A_270 = arith.cmpi eq, %parallel_loop3A_176, %parallel_loop3A_269 : vector<16xi32>
      %parallel_loop3A_271 = arith.select %parallel_loop3A_270, %broadcast_in_dim3A_35, %broadcast_in_dim3A_37 : vector<16xi1>, vector<16xf32>
      %parallel_loop3A_272 = arith.constant 16 : i32
      %parallel_loop3A_273 = arith.muli %parallel_loop3A_171, %parallel_loop3A_272 : i32
      %parallel_loop3A_274 = arith.constant 0 : i32
      %parallel_loop3A_275 = arith.constant 6 : i32
      %parallel_loop3A_276 = arith.index_cast %parallel_loop3A_274 : i32 to index
      %parallel_loop3A_277 = arith.index_cast %parallel_loop3A_275 : i32 to index
      %parallel_loop3A_278 = arith.index_cast %parallel_loop3A_273 : i32 to index
      %parallel_loop3A_279 = tpu.vector_load %arg4[%parallel_loop3A_276, %parallel_loop3A_277, %parallel_loop3A_278] {strides = array<i32>} : memref<1x8x6192xf32, #tpu.memory_space<vmem>>, vector<1x1x16xf32>,
      %parallel_loop3A_280 = vector.shape_cast %parallel_loop3A_279 : vector<1x1x16xf32> to vector<16xf32>
      %parallel_loop3A_281 = vector.shape_cast %parallel_loop3A_271 : vector<16xf32> to vector<1x1x16xf32>
      tpu.vector_store %arg4[%parallel_loop3A_276, %parallel_loop3A_277, %parallel_loop3A_278], %parallel_loop3A_281 {strides = array<i32>} : memref<1x8x6192xf32, #tpu.memory_space<vmem>>, vector<1x1x16xf32>,
      %parallel_loop3A_282 = arith.constant 7 : i32
      %parallel_loop3A_283 = arith.addi %add3A_122, %parallel_loop3A_282 : i32
      %parallel_loop3A_284 = vector.broadcast %parallel_loop3A_283 : i32 to vector<16xi32>
      %parallel_loop3A_285 = arith.cmpi eq, %parallel_loop3A_176, %parallel_loop3A_284 : vector<16xi32>
      %parallel_loop3A_286 = arith.select %parallel_loop3A_285, %broadcast_in_dim3A_35, %broadcast_in_dim3A_37 : vector<16xi1>, vector<16xf32>
      %parallel_loop3A_287 = arith.constant 16 : i32
      %parallel_loop3A_288 = arith.muli %parallel_loop3A_171, %parallel_loop3A_287 : i32
      %parallel_loop3A_289 = arith.constant 0 : i32
      %parallel_loop3A_290 = arith.constant 7 : i32
      %parallel_loop3A_291 = arith.index_cast %parallel_loop3A_289 : i32 to index
      %parallel_loop3A_292 = arith.index_cast %parallel_loop3A_290 : i32 to index
      %parallel_loop3A_293 = arith.index_cast %parallel_loop3A_288 : i32 to index
      %parallel_loop3A_294 = tpu.vector_load %arg4[%parallel_loop3A_291, %parallel_loop3A_292, %parallel_loop3A_293] {strides = array<i32>} : memref<1x8x6192xf32, #tpu.memory_space<vmem>>, vector<1x1x16xf32>,
      %parallel_loop3A_295 = vector.shape_cast %parallel_loop3A_294 : vector<1x1x16xf32> to vector<16xf32>
      %parallel_loop3A_296 = vector.shape_cast %parallel_loop3A_286 : vector<16xf32> to vector<1x1x16xf32>
      tpu.vector_store %arg4[%parallel_loop3A_291, %parallel_loop3A_292, %parallel_loop3A_293], %parallel_loop3A_296 {strides = array<i32>} : memref<1x8x6192xf32, #tpu.memory_space<vmem>>, vector<1x1x16xf32>,
    } {sc.loop_unroll_factor = 3 : i64, sc.parallel_access}
    %dma_start3A_134 = arith.constant 0 : i32
    %dma_start3A_135 = tpu.memref_slice %arg3[%select_n3A, %add3A_122, %dma_start3A_134] : memref<8x256x6192xf32, #tpu.memory_space<hbm>> -> memref<1x8x6192xf32, #tpu.memory_space<hbm>>
    %dma_start3A_136 = arith.constant 0 : i32
    %dma_start3A_137 = tpu.memref_slice %arg3[%select_n3A, %add3A_122, %dma_start3A_136] : memref<8x256x6192xf32, #tpu.memory_space<hbm>> -> memref<1x8x6192xf32, #tpu.memory_space<hbm>>
    tpu.enqueue_dma source(%arg4 : memref<1x8x6192xf32, #tpu.memory_space<vmem>>) target(%dma_start3A_137 : memref<1x8x6192xf32, #tpu.memory_space<hbm>>) target_semaphore(%arg7 : memref<!tpu.dma_semaphore, #tpu.memory_space<semaphore_mem>>)
    %add3A_138 = arith.constant 56 : i32
    %add3A_139 = arith.addi %mul3A_32, %add3A_138 : i32
    %dma_wait3A_140 = arith.constant 0 : i32
    %dma_wait3A_141 = arith.constant 0 : i32
    %dma_wait3A_142 = arith.constant 0 : i32
    %dma_wait3A_143 = tpu.memref_slice %arg3[%dma_wait3A_140, %dma_wait3A_141, %dma_wait3A_142] : memref<8x256x6192xf32, #tpu.memory_space<hbm>> -> memref<1x8x6192xf32, #tpu.memory_space<hbm>>
    %dma_wait3A_144 = arith.constant 0 : i32
    %dma_wait3A_145 = arith.constant 0 : i32
    %dma_wait3A_146 = arith.constant 0 : i32
    %dma_wait3A_147 = tpu.memref_slice %arg3[%dma_wait3A_144, %dma_wait3A_145, %dma_wait3A_146] : memref<8x256x6192xf32, #tpu.memory_space<hbm>> -> memref<1x8x6192xf32, #tpu.memory_space<hbm>>
    tpu.wait_dma2 semaphore(%arg8 : memref<!tpu.dma_semaphore, #tpu.memory_space<semaphore_mem>>) src(%arg5 : memref<1x8x6192xf32, #tpu.memory_space<vmem>>) dst(%dma_wait3A_147 : memref<1x8x6192xf32, #tpu.memory_space<hbm>>)
    %parallel_loop3A_148 = arith.constant 0 : i32
    %parallel_loop3A_149 = arith.constant 387 : i32
    %parallel_loop3A_150 = arith.constant 1 : i32
    scf.for %parallel_loop3A_171 = %parallel_loop3A_148 to %parallel_loop3A_149 step %parallel_loop3A_150  : i32 {
      %parallel_loop3A_172 = arith.constant 16 : i32
      %parallel_loop3A_173 = arith.muli %parallel_loop3A_171, %parallel_loop3A_172 : i32
      %parallel_loop3A_174 = arith.index_cast %parallel_loop3A_173 : i32 to index
      %parallel_loop3A_175 = tpu.vector_load %arg6[%parallel_loop3A_174] {strides = array<i32>} : memref<6192xi32, #tpu.memory_space<vmem>>, vector<16xi32>,
      %parallel_loop3A_176 = vector.shape_cast %parallel_loop3A_175 : vector<16xi32> to vector<16xi32>
      %parallel_loop3A_177 = arith.constant 0 : i32
      %parallel_loop3A_178 = arith.addi %add3A_139, %parallel_loop3A_177 : i32
      %parallel_loop3A_179 = vector.broadcast %parallel_loop3A_178 : i32 to vector<16xi32>
      %parallel_loop3A_180 = arith.cmpi eq, %parallel_loop3A_176, %parallel_loop3A_179 : vector<16xi32>
      %parallel_loop3A_181 = arith.select %parallel_loop3A_180, %broadcast_in_dim3A_35, %broadcast_in_dim3A_37 : vector<16xi1>, vector<16xf32>
      %parallel_loop3A_182 = arith.constant 16 : i32
      %parallel_loop3A_183 = arith.muli %parallel_loop3A_171, %parallel_loop3A_182 : i32
      %parallel_loop3A_184 = arith.constant 0 : i32
      %parallel_loop3A_185 = arith.constant 0 : i32
      %parallel_loop3A_186 = arith.index_cast %parallel_loop3A_184 : i32 to index
      %parallel_loop3A_187 = arith.index_cast %parallel_loop3A_185 : i32 to index
      %parallel_loop3A_188 = arith.index_cast %parallel_loop3A_183 : i32 to index
      %parallel_loop3A_189 = tpu.vector_load %arg5[%parallel_loop3A_186, %parallel_loop3A_187, %parallel_loop3A_188] {strides = array<i32>} : memref<1x8x6192xf32, #tpu.memory_space<vmem>>, vector<1x1x16xf32>,
      %parallel_loop3A_190 = vector.shape_cast %parallel_loop3A_189 : vector<1x1x16xf32> to vector<16xf32>
      %parallel_loop3A_191 = vector.shape_cast %parallel_loop3A_181 : vector<16xf32> to vector<1x1x16xf32>
      tpu.vector_store %arg5[%parallel_loop3A_186, %parallel_loop3A_187, %parallel_loop3A_188], %parallel_loop3A_191 {strides = array<i32>} : memref<1x8x6192xf32, #tpu.memory_space<vmem>>, vector<1x1x16xf32>,
      %parallel_loop3A_192 = arith.constant 1 : i32
      %parallel_loop3A_193 = arith.addi %add3A_139, %parallel_loop3A_192 : i32
      %parallel_loop3A_194 = vector.broadcast %parallel_loop3A_193 : i32 to vector<16xi32>
      %parallel_loop3A_195 = arith.cmpi eq, %parallel_loop3A_176, %parallel_loop3A_194 : vector<16xi32>
      %parallel_loop3A_196 = arith.select %parallel_loop3A_195, %broadcast_in_dim3A_35, %broadcast_in_dim3A_37 : vector<16xi1>, vector<16xf32>
      %parallel_loop3A_197 = arith.constant 16 : i32
      %parallel_loop3A_198 = arith.muli %parallel_loop3A_171, %parallel_loop3A_197 : i32
      %parallel_loop3A_199 = arith.constant 0 : i32
      %parallel_loop3A_200 = arith.constant 1 : i32
      %parallel_loop3A_201 = arith.index_cast %parallel_loop3A_199 : i32 to index
      %parallel_loop3A_202 = arith.index_cast %parallel_loop3A_200 : i32 to index
      %parallel_loop3A_203 = arith.index_cast %parallel_loop3A_198 : i32 to index
      %parallel_loop3A_204 = tpu.vector_load %arg5[%parallel_loop3A_201, %parallel_loop3A_202, %parallel_loop3A_203] {strides = array<i32>} : memref<1x8x6192xf32, #tpu.memory_space<vmem>>, vector<1x1x16xf32>,
      %parallel_loop3A_205 = vector.shape_cast %parallel_loop3A_204 : vector<1x1x16xf32> to vector<16xf32>
      %parallel_loop3A_206 = vector.shape_cast %parallel_loop3A_196 : vector<16xf32> to vector<1x1x16xf32>
      tpu.vector_store %arg5[%parallel_loop3A_201, %parallel_loop3A_202, %parallel_loop3A_203], %parallel_loop3A_206 {strides = array<i32>} : memref<1x8x6192xf32, #tpu.memory_space<vmem>>, vector<1x1x16xf32>,
      %parallel_loop3A_207 = arith.constant 2 : i32
      %parallel_loop3A_208 = arith.addi %add3A_139, %parallel_loop3A_207 : i32
      %parallel_loop3A_209 = vector.broadcast %parallel_loop3A_208 : i32 to vector<16xi32>
      %parallel_loop3A_210 = arith.cmpi eq, %parallel_loop3A_176, %parallel_loop3A_209 : vector<16xi32>
      %parallel_loop3A_211 = arith.select %parallel_loop3A_210, %broadcast_in_dim3A_35, %broadcast_in_dim3A_37 : vector<16xi1>, vector<16xf32>
      %parallel_loop3A_212 = arith.constant 16 : i32
      %parallel_loop3A_213 = arith.muli %parallel_loop3A_171, %parallel_loop3A_212 : i32
      %parallel_loop3A_214 = arith.constant 0 : i32
      %parallel_loop3A_215 = arith.constant 2 : i32
      %parallel_loop3A_216 = arith.index_cast %parallel_loop3A_214 : i32 to index
      %parallel_loop3A_217 = arith.index_cast %parallel_loop3A_215 : i32 to index
      %parallel_loop3A_218 = arith.index_cast %parallel_loop3A_213 : i32 to index
      %parallel_loop3A_219 = tpu.vector_load %arg5[%parallel_loop3A_216, %parallel_loop3A_217, %parallel_loop3A_218] {strides = array<i32>} : memref<1x8x6192xf32, #tpu.memory_space<vmem>>, vector<1x1x16xf32>,
      %parallel_loop3A_220 = vector.shape_cast %parallel_loop3A_219 : vector<1x1x16xf32> to vector<16xf32>
      %parallel_loop3A_221 = vector.shape_cast %parallel_loop3A_211 : vector<16xf32> to vector<1x1x16xf32>
      tpu.vector_store %arg5[%parallel_loop3A_216, %parallel_loop3A_217, %parallel_loop3A_218], %parallel_loop3A_221 {strides = array<i32>} : memref<1x8x6192xf32, #tpu.memory_space<vmem>>, vector<1x1x16xf32>,
      %parallel_loop3A_222 = arith.constant 3 : i32
      %parallel_loop3A_223 = arith.addi %add3A_139, %parallel_loop3A_222 : i32
      %parallel_loop3A_224 = vector.broadcast %parallel_loop3A_223 : i32 to vector<16xi32>
      %parallel_loop3A_225 = arith.cmpi eq, %parallel_loop3A_176, %parallel_loop3A_224 : vector<16xi32>
      %parallel_loop3A_226 = arith.select %parallel_loop3A_225, %broadcast_in_dim3A_35, %broadcast_in_dim3A_37 : vector<16xi1>, vector<16xf32>
      %parallel_loop3A_227 = arith.constant 16 : i32
      %parallel_loop3A_228 = arith.muli %parallel_loop3A_171, %parallel_loop3A_227 : i32
      %parallel_loop3A_229 = arith.constant 0 : i32
      %parallel_loop3A_230 = arith.constant 3 : i32
      %parallel_loop3A_231 = arith.index_cast %parallel_loop3A_229 : i32 to index
      %parallel_loop3A_232 = arith.index_cast %parallel_loop3A_230 : i32 to index
      %parallel_loop3A_233 = arith.index_cast %parallel_loop3A_228 : i32 to index
      %parallel_loop3A_234 = tpu.vector_load %arg5[%parallel_loop3A_231, %parallel_loop3A_232, %parallel_loop3A_233] {strides = array<i32>} : memref<1x8x6192xf32, #tpu.memory_space<vmem>>, vector<1x1x16xf32>,
      %parallel_loop3A_235 = vector.shape_cast %parallel_loop3A_234 : vector<1x1x16xf32> to vector<16xf32>
      %parallel_loop3A_236 = vector.shape_cast %parallel_loop3A_226 : vector<16xf32> to vector<1x1x16xf32>
      tpu.vector_store %arg5[%parallel_loop3A_231, %parallel_loop3A_232, %parallel_loop3A_233], %parallel_loop3A_236 {strides = array<i32>} : memref<1x8x6192xf32, #tpu.memory_space<vmem>>, vector<1x1x16xf32>,
      %parallel_loop3A_237 = arith.constant 4 : i32
      %parallel_loop3A_238 = arith.addi %add3A_139, %parallel_loop3A_237 : i32
      %parallel_loop3A_239 = vector.broadcast %parallel_loop3A_238 : i32 to vector<16xi32>
      %parallel_loop3A_240 = arith.cmpi eq, %parallel_loop3A_176, %parallel_loop3A_239 : vector<16xi32>
      %parallel_loop3A_241 = arith.select %parallel_loop3A_240, %broadcast_in_dim3A_35, %broadcast_in_dim3A_37 : vector<16xi1>, vector<16xf32>
      %parallel_loop3A_242 = arith.constant 16 : i32
      %parallel_loop3A_243 = arith.muli %parallel_loop3A_171, %parallel_loop3A_242 : i32
      %parallel_loop3A_244 = arith.constant 0 : i32
      %parallel_loop3A_245 = arith.constant 4 : i32
      %parallel_loop3A_246 = arith.index_cast %parallel_loop3A_244 : i32 to index
      %parallel_loop3A_247 = arith.index_cast %parallel_loop3A_245 : i32 to index
      %parallel_loop3A_248 = arith.index_cast %parallel_loop3A_243 : i32 to index
      %parallel_loop3A_249 = tpu.vector_load %arg5[%parallel_loop3A_246, %parallel_loop3A_247, %parallel_loop3A_248] {strides = array<i32>} : memref<1x8x6192xf32, #tpu.memory_space<vmem>>, vector<1x1x16xf32>,
      %parallel_loop3A_250 = vector.shape_cast %parallel_loop3A_249 : vector<1x1x16xf32> to vector<16xf32>
      %parallel_loop3A_251 = vector.shape_cast %parallel_loop3A_241 : vector<16xf32> to vector<1x1x16xf32>
      tpu.vector_store %arg5[%parallel_loop3A_246, %parallel_loop3A_247, %parallel_loop3A_248], %parallel_loop3A_251 {strides = array<i32>} : memref<1x8x6192xf32, #tpu.memory_space<vmem>>, vector<1x1x16xf32>,
      %parallel_loop3A_252 = arith.constant 5 : i32
      %parallel_loop3A_253 = arith.addi %add3A_139, %parallel_loop3A_252 : i32
      %parallel_loop3A_254 = vector.broadcast %parallel_loop3A_253 : i32 to vector<16xi32>
      %parallel_loop3A_255 = arith.cmpi eq, %parallel_loop3A_176, %parallel_loop3A_254 : vector<16xi32>
      %parallel_loop3A_256 = arith.select %parallel_loop3A_255, %broadcast_in_dim3A_35, %broadcast_in_dim3A_37 : vector<16xi1>, vector<16xf32>
      %parallel_loop3A_257 = arith.constant 16 : i32
      %parallel_loop3A_258 = arith.muli %parallel_loop3A_171, %parallel_loop3A_257 : i32
      %parallel_loop3A_259 = arith.constant 0 : i32
      %parallel_loop3A_260 = arith.constant 5 : i32
      %parallel_loop3A_261 = arith.index_cast %parallel_loop3A_259 : i32 to index
      %parallel_loop3A_262 = arith.index_cast %parallel_loop3A_260 : i32 to index
      %parallel_loop3A_263 = arith.index_cast %parallel_loop3A_258 : i32 to index
      %parallel_loop3A_264 = tpu.vector_load %arg5[%parallel_loop3A_261, %parallel_loop3A_262, %parallel_loop3A_263] {strides = array<i32>} : memref<1x8x6192xf32, #tpu.memory_space<vmem>>, vector<1x1x16xf32>,
      %parallel_loop3A_265 = vector.shape_cast %parallel_loop3A_264 : vector<1x1x16xf32> to vector<16xf32>
      %parallel_loop3A_266 = vector.shape_cast %parallel_loop3A_256 : vector<16xf32> to vector<1x1x16xf32>
      tpu.vector_store %arg5[%parallel_loop3A_261, %parallel_loop3A_262, %parallel_loop3A_263], %parallel_loop3A_266 {strides = array<i32>} : memref<1x8x6192xf32, #tpu.memory_space<vmem>>, vector<1x1x16xf32>,
      %parallel_loop3A_267 = arith.constant 6 : i32
      %parallel_loop3A_268 = arith.addi %add3A_139, %parallel_loop3A_267 : i32
      %parallel_loop3A_269 = vector.broadcast %parallel_loop3A_268 : i32 to vector<16xi32>
      %parallel_loop3A_270 = arith.cmpi eq, %parallel_loop3A_176, %parallel_loop3A_269 : vector<16xi32>
      %parallel_loop3A_271 = arith.select %parallel_loop3A_270, %broadcast_in_dim3A_35, %broadcast_in_dim3A_37 : vector<16xi1>, vector<16xf32>
      %parallel_loop3A_272 = arith.constant 16 : i32
      %parallel_loop3A_273 = arith.muli %parallel_loop3A_171, %parallel_loop3A_272 : i32
      %parallel_loop3A_274 = arith.constant 0 : i32
      %parallel_loop3A_275 = arith.constant 6 : i32
      %parallel_loop3A_276 = arith.index_cast %parallel_loop3A_274 : i32 to index
      %parallel_loop3A_277 = arith.index_cast %parallel_loop3A_275 : i32 to index
      %parallel_loop3A_278 = arith.index_cast %parallel_loop3A_273 : i32 to index
      %parallel_loop3A_279 = tpu.vector_load %arg5[%parallel_loop3A_276, %parallel_loop3A_277, %parallel_loop3A_278] {strides = array<i32>} : memref<1x8x6192xf32, #tpu.memory_space<vmem>>, vector<1x1x16xf32>,
      %parallel_loop3A_280 = vector.shape_cast %parallel_loop3A_279 : vector<1x1x16xf32> to vector<16xf32>
      %parallel_loop3A_281 = vector.shape_cast %parallel_loop3A_271 : vector<16xf32> to vector<1x1x16xf32>
      tpu.vector_store %arg5[%parallel_loop3A_276, %parallel_loop3A_277, %parallel_loop3A_278], %parallel_loop3A_281 {strides = array<i32>} : memref<1x8x6192xf32, #tpu.memory_space<vmem>>, vector<1x1x16xf32>,
      %parallel_loop3A_282 = arith.constant 7 : i32
      %parallel_loop3A_283 = arith.addi %add3A_139, %parallel_loop3A_282 : i32
      %parallel_loop3A_284 = vector.broadcast %parallel_loop3A_283 : i32 to vector<16xi32>
      %parallel_loop3A_285 = arith.cmpi eq, %parallel_loop3A_176, %parallel_loop3A_284 : vector<16xi32>
      %parallel_loop3A_286 = arith.select %parallel_loop3A_285, %broadcast_in_dim3A_35, %broadcast_in_dim3A_37 : vector<16xi1>, vector<16xf32>
      %parallel_loop3A_287 = arith.constant 16 : i32
      %parallel_loop3A_288 = arith.muli %parallel_loop3A_171, %parallel_loop3A_287 : i32
      %parallel_loop3A_289 = arith.constant 0 : i32
      %parallel_loop3A_290 = arith.constant 7 : i32
      %parallel_loop3A_291 = arith.index_cast %parallel_loop3A_289 : i32 to index
      %parallel_loop3A_292 = arith.index_cast %parallel_loop3A_290 : i32 to index
      %parallel_loop3A_293 = arith.index_cast %parallel_loop3A_288 : i32 to index
      %parallel_loop3A_294 = tpu.vector_load %arg5[%parallel_loop3A_291, %parallel_loop3A_292, %parallel_loop3A_293] {strides = array<i32>} : memref<1x8x6192xf32, #tpu.memory_space<vmem>>, vector<1x1x16xf32>,
      %parallel_loop3A_295 = vector.shape_cast %parallel_loop3A_294 : vector<1x1x16xf32> to vector<16xf32>
      %parallel_loop3A_296 = vector.shape_cast %parallel_loop3A_286 : vector<16xf32> to vector<1x1x16xf32>
      tpu.vector_store %arg5[%parallel_loop3A_291, %parallel_loop3A_292, %parallel_loop3A_293], %parallel_loop3A_296 {strides = array<i32>} : memref<1x8x6192xf32, #tpu.memory_space<vmem>>, vector<1x1x16xf32>,
    } {sc.loop_unroll_factor = 3 : i64, sc.parallel_access}
    %dma_start3A_151 = arith.constant 0 : i32
    %dma_start3A_152 = tpu.memref_slice %arg3[%select_n3A, %add3A_139, %dma_start3A_151] : memref<8x256x6192xf32, #tpu.memory_space<hbm>> -> memref<1x8x6192xf32, #tpu.memory_space<hbm>>
    %dma_start3A_153 = arith.constant 0 : i32
    %dma_start3A_154 = tpu.memref_slice %arg3[%select_n3A, %add3A_139, %dma_start3A_153] : memref<8x256x6192xf32, #tpu.memory_space<hbm>> -> memref<1x8x6192xf32, #tpu.memory_space<hbm>>
    tpu.enqueue_dma source(%arg5 : memref<1x8x6192xf32, #tpu.memory_space<vmem>>) target(%dma_start3A_154 : memref<1x8x6192xf32, #tpu.memory_space<hbm>>) target_semaphore(%arg8 : memref<!tpu.dma_semaphore, #tpu.memory_space<semaphore_mem>>)
    %dma_wait3A_155 = arith.constant 0 : i32
    %dma_wait3A_156 = arith.constant 0 : i32
    %dma_wait3A_157 = arith.constant 0 : i32
    %dma_wait3A_158 = tpu.memref_slice %arg3[%dma_wait3A_155, %dma_wait3A_156, %dma_wait3A_157] : memref<8x256x6192xf32, #tpu.memory_space<hbm>> -> memref<1x8x6192xf32, #tpu.memory_space<hbm>>
    %dma_wait3A_159 = arith.constant 0 : i32
    %dma_wait3A_160 = arith.constant 0 : i32
    %dma_wait3A_161 = arith.constant 0 : i32
    %dma_wait3A_162 = tpu.memref_slice %arg3[%dma_wait3A_159, %dma_wait3A_160, %dma_wait3A_161] : memref<8x256x6192xf32, #tpu.memory_space<hbm>> -> memref<1x8x6192xf32, #tpu.memory_space<hbm>>
    tpu.wait_dma2 semaphore(%arg7 : memref<!tpu.dma_semaphore, #tpu.memory_space<semaphore_mem>>) src(%arg4 : memref<1x8x6192xf32, #tpu.memory_space<vmem>>) dst(%dma_wait3A_162 : memref<1x8x6192xf32, #tpu.memory_space<hbm>>)
    %dma_wait3A_163 = arith.constant 0 : i32
    %dma_wait3A_164 = arith.constant 0 : i32
    %dma_wait3A_165 = arith.constant 0 : i32
    %dma_wait3A_166 = tpu.memref_slice %arg3[%dma_wait3A_163, %dma_wait3A_164, %dma_wait3A_165] : memref<8x256x6192xf32, #tpu.memory_space<hbm>> -> memref<1x8x6192xf32, #tpu.memory_space<hbm>>
    %dma_wait3A_167 = arith.constant 0 : i32
    %dma_wait3A_168 = arith.constant 0 : i32
    %dma_wait3A_169 = arith.constant 0 : i32
    %dma_wait3A_170 = tpu.memref_slice %arg3[%dma_wait3A_167, %dma_wait3A_168, %dma_wait3A_169] : memref<8x256x6192xf32, #tpu.memory_space<hbm>> -> memref<1x8x6192xf32, #tpu.memory_space<hbm>>
    tpu.wait_dma2 semaphore(%arg8 : memref<!tpu.dma_semaphore, #tpu.memory_space<semaphore_mem>>) src(%arg5 : memref<1x8x6192xf32, #tpu.memory_space<vmem>>) dst(%dma_wait3A_170 : memref<1x8x6192xf32, #tpu.memory_space<hbm>>)
    return
  }
}

module attributes {stable_mosaic.version = 14 : i64} {
  func.func @_prep_kernel(%arg0: i32, %arg1: memref<1x1x8192xf32, #tpu.memory_space<vmem>>, %arg2: memref<1x160x52xf32, #tpu.memory_space<vmem>>, %arg3: memref<768x160xf32, #tpu.memory_space<vmem>>, %arg4: memref<768x160xf32, #tpu.memory_space<vmem>>, %arg5: memref<768x160xf32, #tpu.memory_space<vmem>>, %arg6: memref<80x384xf32, #tpu.memory_space<vmem>>, %arg7: memref<1x80x49xf32, #tpu.memory_space<vmem>>, %arg8: memref<1x1x6192xi32, #tpu.memory_space<vmem>>, %arg9: memref<1x1x6032xi32, #tpu.memory_space<vmem>>) attributes {dimension_semantics = [#tpu.dimension_semantics<arbitrary>], iteration_bounds = array<i64: 8>, scalar_prefetch = 0 : i64, scratch_operands = 0 : i64, tpu.core_type = #tpu.core_type<tc>, window_params = [{transform_indices = @transform_0, window_bounds = array<i64: 1, 1, 8192>}, {transform_indices = @transform_1, window_bounds = array<i64: 1, 160, 52>}, {pipeline_mode = #tpu.pipeline_mode<synchronous>, transform_indices = @transform_2, window_bounds = array<i64: 768, 160>}, {pipeline_mode = #tpu.pipeline_mode<synchronous>, transform_indices = @transform_3, window_bounds = array<i64: 768, 160>}, {pipeline_mode = #tpu.pipeline_mode<synchronous>, transform_indices = @transform_4, window_bounds = array<i64: 768, 160>}, {pipeline_mode = #tpu.pipeline_mode<synchronous>, transform_indices = @transform_5, window_bounds = array<i64: 80, 384>}, {transform_indices = @transform_6, window_bounds = array<i64: 1, 80, 49>}, {transform_indices = @transform_7, window_bounds = array<i64: 1, 1, 6192>}, {transform_indices = @transform_8, window_bounds = array<i64: 1, 1, 6032>}]} {
    %get3A = arith.constant 0 : index
    %get3A_0 = arith.constant 0 : index
    %get3A_1 = arith.constant 0 : index
    %get3A_2 = vector.load %arg1[%get3A, %get3A_0, %get3A_1] : memref<1x1x8192xf32, #tpu.memory_space<vmem>>, vector<1x1x8192xf32>
    %get3A_3 = vector.shape_cast %get3A_2 : vector<1x1x8192xf32> to vector<1x8192xf32>
    %slice3A = vector.extract_strided_slice %get3A_3 {offsets = [0, 1000], sizes = [1, 6192], strides = [1, 1]} : vector<1x8192xf32> to vector<1x6192xf32>
    %sign3A = tpu.bitcast %slice3A : vector<1x6192xf32> -> vector<1x6192xi32>
    %sign3A_4 = arith.constant -2147483648 : i32
    %sign3A_5 = vector.broadcast %sign3A_4 : i32 to vector<1x6192xi32>
    %sign3A_6 = arith.andi %sign3A, %sign3A_5 : vector<1x6192xi32>
    %sign3A_7 = arith.constant 1065353216 : i32
    %sign3A_8 = vector.broadcast %sign3A_7 : i32 to vector<1x6192xi32>
    %sign3A_9 = arith.ori %sign3A_8, %sign3A_6 : vector<1x6192xi32>
    %sign3A_10 = tpu.bitcast %sign3A_9 : vector<1x6192xi32> -> vector<1x6192xf32>
    %sign3A_11 = math.absf %slice3A : vector<1x6192xf32>
    %sign3A_12 = arith.constant 0.000000e+00 : f32
    %sign3A_13 = vector.broadcast %sign3A_12 : f32 to vector<1x6192xf32>
    %sign3A_14 = arith.cmpf ogt, %sign3A_11, %sign3A_13 : vector<1x6192xf32>
    %sign3A_15 = arith.select %sign3A_14, %sign3A_10, %slice3A : vector<1x6192xi1>, vector<1x6192xf32>
    %abs3A = math.absf %slice3A : vector<1x6192xf32>
    %mul3A = arith.constant 2.550000e+02 : f32
    %mul3A_16 = vector.broadcast %mul3A : f32 to vector<1x6192xf32>
    %mul3A_17 = arith.mulf %mul3A_16, %abs3A : vector<1x6192xf32>
    %log1p3A = math.log1p %mul3A_17 : vector<1x6192xf32>
    %mul3A_18 = arith.mulf %sign3A_15, %log1p3A : vector<1x6192xf32>
    %mul3A_19 = arith.constant 0.180336878 : f32
    %mul3A_20 = vector.broadcast %mul3A_19 : f32 to vector<1x6192xf32>
    %mul3A_21 = arith.mulf %mul3A_18, %mul3A_20 : vector<1x6192xf32>
    %add3A = arith.constant 1.000000e+00 : f32
    %add3A_22 = vector.broadcast %add3A : f32 to vector<1x6192xf32>
    %add3A_23 = arith.addf %mul3A_21, %add3A_22 : vector<1x6192xf32>
    %mul3A_24 = arith.constant 5.000000e-01 : f32
    %mul3A_25 = vector.broadcast %mul3A_24 : f32 to vector<1x6192xf32>
    %mul3A_26 = arith.mulf %add3A_23, %mul3A_25 : vector<1x6192xf32>
    %mul3A_27 = arith.constant 2.550000e+02 : f32
    %mul3A_28 = vector.broadcast %mul3A_27 : f32 to vector<1x6192xf32>
    %mul3A_29 = arith.mulf %mul3A_26, %mul3A_28 : vector<1x6192xf32>
    %add3A_30 = arith.constant 5.000000e-01 : f32
    %add3A_31 = vector.broadcast %add3A_30 : f32 to vector<1x6192xf32>
    %add3A_32 = arith.addf %mul3A_29, %add3A_31 : vector<1x6192xf32>
    %round3A = math.roundeven %add3A_32 : vector<1x6192xf32>
    %convert_element_type3A = arith.fptosi %round3A : vector<1x6192xf32> to vector<1x6192xi32>
    %slice3A_33 = vector.extract_strided_slice %convert_element_type3A {offsets = [0, 160], sizes = [1, 6032], strides = [1, 1]} : vector<1x6192xi32> to vector<1x6032xi32>
    %swap3A = arith.constant 0 : index
    %swap3A_34 = arith.constant 0 : index
    %swap3A_35 = arith.constant 0 : index
    %swap3A_36 = vector.load %arg9[%swap3A, %swap3A_34, %swap3A_35] : memref<1x1x6032xi32, #tpu.memory_space<vmem>>, vector<1x1x6032xi32>
    %swap3A_37 = vector.shape_cast %swap3A_36 : vector<1x1x6032xi32> to vector<1x6032xi32>
    %swap3A_38 = vector.shape_cast %slice3A_33 : vector<1x6032xi32> to vector<1x1x6032xi32>
    tpu.vector_store %arg9[%swap3A, %swap3A_34, %swap3A_35], %swap3A_38 {strides = array<i32>} : memref<1x1x6032xi32, #tpu.memory_space<vmem>>, vector<1x1x6032xi32>,
    %jit3A = arith.constant 0 : i32
    %jit3A_39 = arith.constant 255 : i32
    %max3A = vector.broadcast %jit3A : i32 to vector<1x6192xi32>
    %max3A_40 = arith.maxsi %max3A, %convert_element_type3A : vector<1x6192xi32>
    %min3A = vector.broadcast %jit3A_39 : i32 to vector<1x6192xi32>
    %min3A_41 = arith.minsi %min3A, %max3A_40 : vector<1x6192xi32>
    %swap3A_42 = arith.constant 0 : index
    %swap3A_43 = arith.constant 0 : index
    %swap3A_44 = arith.constant 0 : index
    %swap3A_45 = vector.load %arg8[%swap3A_42, %swap3A_43, %swap3A_44] : memref<1x1x6192xi32, #tpu.memory_space<vmem>>, vector<1x1x6192xi32>
    %swap3A_46 = vector.shape_cast %swap3A_45 : vector<1x1x6192xi32> to vector<1x6192xi32>
    %swap3A_47 = vector.shape_cast %min3A_41 : vector<1x6192xi32> to vector<1x1x6192xi32>
    tpu.vector_store %arg8[%swap3A_42, %swap3A_43, %swap3A_44], %swap3A_47 {strides = array<i32>} : memref<1x1x6192xi32, #tpu.memory_space<vmem>>, vector<1x1x6192xi32>,
    %get3A_48 = arith.constant 0 : index
    %get3A_49 = arith.constant 0 : index
    %get3A_50 = arith.constant 0 : index
    %get3A_51 = vector.load %arg2[%get3A_48, %get3A_49, %get3A_50] : memref<1x160x52xf32, #tpu.memory_space<vmem>>, vector<1x160x52xf32>
    %get3A_52 = vector.shape_cast %get3A_51 : vector<1x160x52xf32> to vector<160x52xf32>
    %slice3A_53 = vector.extract_strided_slice %get3A_52 {offsets = [0, 0], sizes = [160, 49], strides = [1, 1]} : vector<160x52xf32> to vector<160x49xf32>
    %slice3A_54 = vector.extract_strided_slice %get3A_52 {offsets = [0, 1], sizes = [160, 49], strides = [1, 1]} : vector<160x52xf32> to vector<160x49xf32>
    %slice3A_55 = vector.extract_strided_slice %get3A_52 {offsets = [0, 2], sizes = [160, 49], strides = [1, 1]} : vector<160x52xf32> to vector<160x49xf32>
    %get3A_56 = arith.constant 0 : index
    %get3A_57 = arith.constant 0 : index
    %get3A_58 = vector.load %arg3[%get3A_56, %get3A_57] : memref<768x160xf32, #tpu.memory_space<vmem>>, vector<768x160xf32>
    %dot_general3A = arith.constant dense<0.000000e+00> : vector<768x49xf32>
    %dot_general3A_59 = tpu.matmul %get3A_58, %slice3A_53, %dot_general3A {dimension_numbers = #tpu.dot_dimension_numbers<[1], [0], [0], [1], [0, 0, 1, 1], [], []>, transpose_lhs_hint = false} : vector<768x160xf32>, vector<160x49xf32>, vector<768x49xf32> -> vector<768x49xf32>
    %get3A_60 = arith.constant 0 : index
    %get3A_61 = arith.constant 0 : index
    %get3A_62 = vector.load %arg4[%get3A_60, %get3A_61] : memref<768x160xf32, #tpu.memory_space<vmem>>, vector<768x160xf32>
    %dot_general3A_63 = arith.constant dense<0.000000e+00> : vector<768x49xf32>
    %dot_general3A_64 = tpu.matmul %get3A_62, %slice3A_54, %dot_general3A_63 {dimension_numbers = #tpu.dot_dimension_numbers<[1], [0], [0], [1], [0, 0, 1, 1], [], []>, transpose_lhs_hint = false} : vector<768x160xf32>, vector<160x49xf32>, vector<768x49xf32> -> vector<768x49xf32>
    %add3A_65 = arith.addf %dot_general3A_59, %dot_general3A_64 : vector<768x49xf32>
    %get3A_66 = arith.constant 0 : index
    %get3A_67 = arith.constant 0 : index
    %get3A_68 = vector.load %arg5[%get3A_66, %get3A_67] : memref<768x160xf32, #tpu.memory_space<vmem>>, vector<768x160xf32>
    %dot_general3A_69 = arith.constant dense<0.000000e+00> : vector<768x49xf32>
    %dot_general3A_70 = tpu.matmul %get3A_68, %slice3A_55, %dot_general3A_69 {dimension_numbers = #tpu.dot_dimension_numbers<[1], [0], [0], [1], [0, 0, 1, 1], [], []>, transpose_lhs_hint = false} : vector<768x160xf32>, vector<160x49xf32>, vector<768x49xf32> -> vector<768x49xf32>
    %add3A_71 = arith.addf %add3A_65, %dot_general3A_70 : vector<768x49xf32>
    %slice3A_72 = vector.extract_strided_slice %add3A_71 {offsets = [0, 0], sizes = [384, 49], strides = [1, 1]} : vector<768x49xf32> to vector<384x49xf32>
    %integer_pow3A = arith.mulf %slice3A_72, %slice3A_72 : vector<384x49xf32>
    %slice3A_73 = vector.extract_strided_slice %add3A_71 {offsets = [384, 0], sizes = [384, 49], strides = [1, 1]} : vector<768x49xf32> to vector<384x49xf32>
    %integer_pow3A_74 = arith.mulf %slice3A_73, %slice3A_73 : vector<384x49xf32>
    %add3A_75 = arith.addf %integer_pow3A, %integer_pow3A_74 : vector<384x49xf32>
    %get3A_76 = arith.constant 0 : index
    %get3A_77 = arith.constant 0 : index
    %get3A_78 = vector.load %arg6[%get3A_76, %get3A_77] : memref<80x384xf32, #tpu.memory_space<vmem>>, vector<80x384xf32>
    %dot_general3A_79 = arith.constant dense<0.000000e+00> : vector<80x49xf32>
    %dot_general3A_80 = tpu.matmul %get3A_78, %add3A_75, %dot_general3A_79 {dimension_numbers = #tpu.dot_dimension_numbers<[1], [0], [0], [1], [0, 0, 1, 1], [], []>, transpose_lhs_hint = false} : vector<80x384xf32>, vector<384x49xf32>, vector<80x49xf32> -> vector<80x49xf32>
    %add3A_81 = arith.constant 9.99999997E-7 : f32
    %add3A_82 = vector.broadcast %add3A_81 : f32 to vector<80x49xf32>
    %add3A_83 = arith.addf %dot_general3A_80, %add3A_82 : vector<80x49xf32>
    %log3A = math.log %add3A_83 : vector<80x49xf32>
    %swap3A_84 = arith.constant 0 : index
    %swap3A_85 = arith.constant 0 : index
    %swap3A_86 = arith.constant 0 : index
    %swap3A_87 = vector.load %arg7[%swap3A_84, %swap3A_85, %swap3A_86] : memref<1x80x49xf32, #tpu.memory_space<vmem>>, vector<1x80x49xf32>
    %swap3A_88 = vector.shape_cast %swap3A_87 : vector<1x80x49xf32> to vector<80x49xf32>
    %swap3A_89 = vector.shape_cast %log3A : vector<80x49xf32> to vector<1x80x49xf32>
    tpu.vector_store %arg7[%swap3A_84, %swap3A_85, %swap3A_86], %swap3A_89 {strides = array<i32>} : memref<1x80x49xf32, #tpu.memory_space<vmem>>, vector<1x80x49xf32>,
    return
  }
  func.func @transform_0(%arg0: i32) -> (i32, i32, i32) {
    %c0_i32 = arith.constant 0 : i32
    %c0_i32_0 = arith.constant 0 : i32
    %c0_i32_1 = arith.constant 0 : i32
    return %arg0, %c0_i32, %c0_i32_0 : i32, i32, i32
  }
  func.func @transform_1(%arg0: i32) -> (i32, i32, i32) {
    %c0_i32 = arith.constant 0 : i32
    %c0_i32_0 = arith.constant 0 : i32
    %c0_i32_1 = arith.constant 0 : i32
    return %arg0, %c0_i32, %c0_i32_0 : i32, i32, i32
  }
  func.func @transform_2(%arg0: i32) -> (i32, i32) {
    %c0_i32 = arith.constant 0 : i32
    %c0_i32_0 = arith.constant 0 : i32
    %c0_i32_1 = arith.constant 0 : i32
    return %c0_i32, %c0_i32_0 : i32, i32
  }
  func.func @transform_3(%arg0: i32) -> (i32, i32) {
    %c0_i32 = arith.constant 0 : i32
    %c0_i32_0 = arith.constant 0 : i32
    %c0_i32_1 = arith.constant 0 : i32
    return %c0_i32, %c0_i32_0 : i32, i32
  }
  func.func @transform_4(%arg0: i32) -> (i32, i32) {
    %c0_i32 = arith.constant 0 : i32
    %c0_i32_0 = arith.constant 0 : i32
    %c0_i32_1 = arith.constant 0 : i32
    return %c0_i32, %c0_i32_0 : i32, i32
  }
  func.func @transform_5(%arg0: i32) -> (i32, i32) {
    %c0_i32 = arith.constant 0 : i32
    %c0_i32_0 = arith.constant 0 : i32
    %c0_i32_1 = arith.constant 0 : i32
    return %c0_i32, %c0_i32_0 : i32, i32
  }
  func.func @transform_6(%arg0: i32) -> (i32, i32, i32) {
    %c0_i32 = arith.constant 0 : i32
    %c0_i32_0 = arith.constant 0 : i32
    %c0_i32_1 = arith.constant 0 : i32
    return %arg0, %c0_i32, %c0_i32_0 : i32, i32, i32
  }
  func.func @transform_7(%arg0: i32) -> (i32, i32, i32) {
    %c0_i32 = arith.constant 0 : i32
    %c0_i32_0 = arith.constant 0 : i32
    %c0_i32_1 = arith.constant 0 : i32
    return %arg0, %c0_i32, %c0_i32_0 : i32, i32, i32
  }
  func.func @transform_8(%arg0: i32) -> (i32, i32, i32) {
    %c0_i32 = arith.constant 0 : i32
    %c0_i32_0 = arith.constant 0 : i32
    %c0_i32_1 = arith.constant 0 : i32
    return %arg0, %c0_i32, %c0_i32_0 : i32, i32, i32
  }
}

</mosaic_0001>

<sc_bundles>
// kernel: kernel.4.cloned.1.call-start
scs
__scs_entry_jumppad:
0x0: {  	(pc) =	sbr.rel $0x88, $3  }
0x1: {  	(tag) =	ssettag $0x0;
	lr =	simm.s32 $0x1  }
0x2: {  	[smem:$0x3F9F] =	sst lr;
	_ =	strace $0xD0000000  }
0x3: {  	_ = 	snop  }
0x4: {  	_ = 	snop  }
0x5: {  	_ = 	snop  }
0x6: {  	_ = 	snop  }
0x7: {  	_ = 	snop  }
__scs_overlays_trampoline_lowered:
0x8: {  	[smem:$0x3FAE] =	sst s0  }
0x9: {  	[smem:$0x3FAF] =	sst s1  }
0xa: {  	[smem:$0x3FB0] =	sst s2  }
0xb: {  	[smem:$0x3FB1] =	sst s3  }
0xc: {  	[smem:$0x3FB2] =	sst s4  }
0xd: {  	[smem:$0x3FB3] =	sst s5  }
0xe: {  	[smem:$0x3FB4] =	sst s6  }
0xf: {  	[smem:$0x3FB5] =	sst s7  }
0x10: {  	[smem:$0x3FB6] =	sst s8  }
0x11: {  	[smem:$0x3FB7] =	sst s9;
	s0 =	simm.s32 @!p0 $0x0  }
0x12: {  	s1 =	sld [smem:$0x3F9D];
	s0 =	simm.s32 @p0 $0x1  }
0x13: {  	[smem:$0x3FB8] =	sst s0;
	s0 =	simm.s32 @!p1 $0x0  }
0x14: {  	s2 =	sld [smem:$0x3F9C];
	s0 =	simm.s32 @p1 $0x1  }
0x15: {  	[smem:$0x3FB9] =	sst s0;
	s0 =	simm.s32 @!p2 $0x0  }
0x16: {  	s3 =	sld [smem:$0x3FDB];
	s0 =	simm.s32 @p2 $0x1  }
0x17: {  	s4 =	simm.s32 $0x1BF5;
	[smem:$0x3FBB] =	sst s0  }
0x18: {  	s0 =	sld [smem:$0x3F9E];
	_ =	swait.ge [sflag:s4], $0x0  }
0x19: {  	s7 =	sld [smem:$0x3F9F]  }
0x1a: {  	s8 =	sadd.s32 $0xFFFFE003, lr  }
0x1b: {  	s9 =	sadd.s32 $0xFFFFFEF7, lr;
	s5 =	simm.s32 $0xFFFFFFFF;
	p2 =	slt.u32 s8, $0xFFFFF086  }
0x1c: {  	p1 =	slt.u32 s9, $0xF7A;
	s5 =	simm.s32 @!p2 $0x0  }
0x1d: {  	s5 =	simm.s32 @p1 $0x1;
	p0 =	seq.s32 s7, s2  }
0x1e: {  	s7 =	smul.u32 @!p0 $0xF7A, s2;
	p2 =	seq.s32 @!p0 s5, $0x0  }
0x1f: {  	s9 =	smul.u32 $0xF7A, s1;
	s8 =	simm.s32 @!p0 $0x1BF5;
	p2 =	por !p2, p0  }
0x20: {  	[sflag:s8] =	ssyncset.s32 @!p0 $0xFFFFF086;
	s6 =	sadd.s32 @!p0 s3, s7;
	s7 =	simm.s32 @!p0 $0x108  }
0x21: {  	s3 =	sadd.s32 s3, s9;
	s6 =	sadd.s32 @!p0 $0x88, s6;
	s7 =	simm.s32 @p2 $0x1082  }
0x22: {  	[simem:s7], [sflag:s8] =	dma.local @!p0 [hbm:s6], $0xF7A  }
0x23: {  	s9 =	sor.u32 $0xD0000000, s2;
	s6 =	simm.s32 $0x108;
	_ =	swait.ge @!p0 [sflag:s8], $0x0  }
0x24: {  	s3 =	sadd.s32 $0x88, s3;
	s6 =	simm.s32 @!p1 $0x1082;
	[sflag:s4] =	ssyncset.s32 $0xFFFFF086  }
0x25: {  	[simem:s6], [sflag:s4] =	dma.local [hbm:s3], $0xF7A  }
0x26: {  	[smem:$0x3F9F] =	sst s1;
	(tag) =	ssettag s2;
	_ =	strace s9  }
0x27: {  	s1 =	sld [smem:$0x3FAF]  }
0x28: {  	s2 =	sld [smem:$0x3FB0]  }
0x29: {  	s4 =	sld [smem:$0x3FB2]  }
0x2a: {  	p0 =	seq.s32 s5, $0x0;
	s5 =	sld [smem:$0x3FB3]  }
0x2b: {  	s6 =	sld [smem:$0x3FB4]  }
0x2c: {  	s7 =	sld [smem:$0x3FB5]  }
0x2d: {  	s3 =	simm.s32 $0x108;
	s8 =	sld [smem:$0x3FB6]  }
0x2e: {  	s3 =	simm.s32 @!p0 $0x1082;
	s9 =	sld [smem:$0x3FB7]  }
0x2f: {  	lr =	sadd.s32 s0, s3;
	s0 =	sld [smem:$0x3FAE]  }
0x30: {  	s3 =	sld [smem:$0x3FB1]  }
0x31: {  	[smem:$0x3FBA] =	sst s10  }
0x32: {  	s10 =	sld [smem:$0x3FB8];
	_ =	sdelay $0x3  }
0x33: {  	p0 =	seq.s32 s10, $0x1;
	s10 =	sld [smem:$0x3FBA];
	_ =	sdelay $0x3  }
0x34: {  	[smem:$0x3FBA] =	sst s10  }
0x35: {  	s10 =	sld [smem:$0x3FB9];
	_ =	sdelay $0x3  }
0x36: {  	p1 =	seq.s32 s10, $0x1;
	s10 =	sld [smem:$0x3FBA];
	_ =	sdelay $0x3  }
0x37: {  	[smem:$0x3FBA] =	sst s10  }
0x38: {  	s10 =	sld [smem:$0x3FBB]  }
0x39: {  	_ = 	snop;
	(pc) =	sbr.ind lr, $3  }
0x3a: {  	_ = 	snop  }
0x3b: {  	_ = 	snop  }
0x3c: {  	p2 =	seq.s32 s10, $0x1;
	s10 =	sld [smem:$0x3FBA]  }
0x3d: {  	_ =	shalt  }
0x3e: {  	_ =	shalt  }
0x3f: {  	_ =	shalt  }
0x40: {  	_ =	shalt  }
0x41: {  	_ =	shalt  }
0x42: {  	_ =	shalt  }
0x43: {  	_ =	shalt  }
0x44: {  	_ =	shalt  }
0x45: {  	_ =	shalt  }
0x46: {  	_ =	shalt  }
0x47: {  	_ =	shalt  }
0x48: {  	_ =	shalt  }
0x49: {  	_ =	shalt  }
0x4a: {  	_ =	shalt  }
0x4b: {  	_ =	shalt  }
0x4c: {  	_ =	shalt  }
0x4d: {  	_ =	shalt  }
0x4e: {  	_ =	shalt  }
0x4f: {  	_ =	shalt  }
0x50: {  	_ =	shalt  }
0x51: {  	_ =	shalt  }
0x52: {  	_ =	shalt  }
0x53: {  	_ =	shalt  }
0x54: {  	_ =	shalt  }
0x55: {  	_ =	shalt  }
0x56: {  	_ =	shalt  }
0x57: {  	_ =	shalt  }
0x58: {  	_ =	shalt  }
0x59: {  	_ =	shalt  }
0x5a: {  	_ =	shalt  }
0x5b: {  	_ =	shalt  }
0x5c: {  	_ =	shalt  }
0x5d: {  	_ =	shalt  }
0x5e: {  	_ =	shalt  }
0x5f: {  	_ =	shalt  }
0x60: {  	_ =	shalt  }
0x61: {  	_ =	shalt  }
0x62: {  	_ =	shalt  }
0x63: {  	_ =	shalt  }
0x64: {  	_ =	shalt  }
0x65: {  	_ =	shalt  }
0x66: {  	_ =	shalt  }
0x67: {  	_ =	shalt  }
0x68: {  	_ =	shalt  }
0x69: {  	_ =	shalt  }
0x6a: {  	_ =	shalt  }
0x6b: {  	_ =	shalt  }
0x6c: {  	_ =	shalt  }
0x6d: {  	_ =	shalt  }
0x6e: {  	_ =	shalt  }
0x6f: {  	_ =	shalt  }
0x70: {  	_ =	shalt  }
0x71: {  	_ =	shalt  }
0x72: {  	_ =	shalt  }
0x73: {  	_ =	shalt  }
0x74: {  	_ =	shalt  }
0x75: {  	_ =	shalt  }
0x76: {  	_ =	shalt  }
0x77: {  	_ =	shalt  }
0x78: {  	_ =	shalt  }
0x79: {  	_ =	shalt  }
0x7a: {  	_ =	shalt  }
0x7b: {  	_ =	shalt  }
0x7c: {  	_ =	shalt  }
0x7d: {  	_ =	shalt  }
0x7e: {  	_ =	shalt  }
0x7f: {  	_ =	shalt  }
0x80: {  	_ =	shalt  }
0x81: {  	_ =	shalt  }
0x82: {  	_ =	shalt  }
0x83: {  	_ =	shalt  }
0x84: {  	_ =	shalt  }
0x85: {  	_ =	shalt  }
0x86: {  	_ =	shalt  }
0x87: {  	_ =	shalt  }
.Lfunc_end0:
.L_simem_size_0:
called_computation_lowered:
.L_overlay_start_0:
0x88: {  	s2 =	sld [smem:$0x3FD9]  }
0x89: {  	s3 =	sld [smem:$0x3FFE];
	_ =	sdelay $0x1  }
0x8a: {  	s1 =	srdreg.scid  }
0x8b: {  	s0 =	sand.u32 $0x1, s1  }
0x8c: {  	s14 =	sshll.u32 s0, $0xA;
	s2 =	sadd.s32 s3, s2  }
0x8d: {  	s2 =	sadd.s32 s2, s14  }
0x8e: {  	[smem:$0x3FC6] =	sst s2  }
0x8f: {  	_ = 	snop  }
0x90: {  	s2 =	sld [smem:$0x3FD0];
	_ =	sdelay $0x2  }
0x91: {  	s15 =	simm.s32 $0xA;
	s4 =	simm.s32 $0x10  }
0x92: {  	[smem:s4], [sflag:s15] =	dma.local [hbm:s2], $0x1  }
0x93: {  	_ =	swait.eq [sflag:s15], $0x1  }
0x94: {  	[sflag:s15] =	ssyncset.done $0x0  }
0x95: {  	[sflag:s15] =	ssyncadd.s32 $0xFFFFFFFF  }
0x96: {  	s16 =	sld [smem:$0x12];
	(tm) =	ssettm $0x1  }
0x97: {  	s17 =	sld [smem:$0x3FFB];
	_ =	sdelay $0x3  }
0x98: {  	_ =	strace s17  }
0x99: {  	s3 =	sld [smem:$0x3FFC];
	_ =	sdelay $0x3  }
0x9a: {  	_ =	strace s3  }
0x9b: {  	s3 =	sld [smem:$0x3FFD];
	_ =	sdelay $0x3  }
0x9c: {  	_ =	strace s3  }
0x9d: {  	_ =	strace $0x8FFFFFFF  }
0x9e: {  	s18 =	sld [smem:$0x3FDB];
	_ =	sdelay $0x1  }
0x9f: {  	s19 =	simm.s32 $_scs_section_size  }
0xa0: {  	s5 =	simm.s32 $_size__tile_overlayer_lowered;
	s6 =	simm.s32 $_tile_overlayer_lowered  }
0xa1: {  	s22 =	simm.s32 $0x1BFF;
	s21 =	sshll.u32 s6, $0x1;
	s3 =	sadd.s32 s19, s18  }
0xa2: {  	s7 =	simm.s32 $0x0;
	s20 =	sshll.u32 s5, $0x1;
	s5 =	sadd.s32 s21, s3  }
0xa3: {  	[timem:s7], [sflag:s22] =	dma.local [hbm:s5], s20  }
0xa4: {  	_ =	swait.ge [sflag:s22], s20  }
0xa5: {  	s4 =	ssub.s32 $0x0, s20;
	[sflag:s22] =	ssyncset.done $0x0  }
0xa6: {  	[sflag:s22] =	ssyncadd.s32 s4;
	_ =	sdelay $0x1  }
0xa7: {  	s23 =	simm.s32 $0x1B8B  }
0xa8: {  	_ =	swait.ge [sflag:s23], $0x1  }
0xa9: {  	[sflag:s23] =	ssyncset.done $0x0  }
0xaa: {  	s25 =	simm.s32 $0x1B8E;
	s24 =	sld [smem:$0x3FFE];
	[sflag:s23] =	ssyncadd.s32 $0xFFFFFFFF  }
0xab: {  	s26 =	simm.s32 $execute0_lowered;
	[smem:$0x3FD2] =	sst s25  }
0xac: {  	s5 =	sshll.u32 s26, $0x1;
	_ =	strace $0x80000046;
	[dreg:$0x1] =	wrdreg $0xFFFFFFFF  }
0xad: {  	s28 =	simm.s32 $_size_execute0_lowered;
	s3 =	sadd.s32 s3, s5;
	[dreg:$0x0] =	wrdreg $0x0  }
0xae: {  	s5 =	sshll.u32 s28, $0x1;
	[dreg:$0x2] =	wrdreg s3  }
0xaf: {  	[dreg:$0x3] =	wrdreg s5  }
0xb0: {  	[dreg:$0x4] =	wrdreg $0xC0  }
0xb1: {  	_ =	task [dreg:s7], $0x5FFFF  }
0xb2: {  	[dreg:$0x1] =	wrdreg $0xFFFFFFFF  }
0xb3: {  	[dreg:$0x0] =	wrdreg $0x60  }
0xb4: {  	[dreg:$0x2] =	wrdreg s16  }
0xb5: {  	[dreg:$0x3] =	wrdreg s24  }
0xb6: {  	[dreg:$0x4] =	wrdreg $0x9  }
0xb7: {  	_ =	task.clear_ibuf [dreg:s7], $0x5FFFF;
	_ =	strace $0x90000046  }
0xb8: {  	s29 =	simm.s32 $0x9;
	_ =	strace $0x80000048  }
0xb9: {  	_ =	swait.ge [sflag:s29], $0x1  }
0xba: {  	[sflag:s29] =	ssyncadd.s32 $0xFFFFFFFF  }
0xbb: {  	_ =	strace $0x90000048  }
0xbc: {  	_ =	sfence  }
0xbd: {  	s30 =	sld [smem:$0x0];
	_ =	sdelay $0x2  }
0xbe: {  	s31 =	sshll.u32 s1, $0xD;
	s1 =	sshrl.u32 s1, $0x2  }
0xbf: {  	s3 =	sand.u32 $0x4000, s31;
	s1 =	sadd.s32 s1, s30  }
0xc0: {  	s0 =	sor.u32 s3, s0;
	s1 =	sshll.u32 s1, $0x11  }
0xc1: {  	s0 =	sor.u32 s1, s0  }
0xc2: {  	s0 =	sadd.s32 $0x8F2B, s0  }
0xc3: {  	[sflag:s0] =	ssyncadd.remote.s32 $0x1  }
0xc4: {  	_ =	sfence.sel $0xFFFF  }
0xc5: {  	[dreg:$0x0] =	wrdreg $0xFFFFFFFF;
	(pc) =	sbr.abs _section_cstart, $3  }
0xc6: {  	[dreg:$0x1] =	wrdreg $0xFFFFFFFF  }
0xc7: {  	_ =	task.clear_ibuf [dreg:s7], $0x2FFFF;
	_ =	strace $0x9FFFFFFF  }
0xc8: {  	(tm) =	ssettm $0x7FFFFFFF  }
0xc9: {  	_ =	shalt  }
tec
execute0_lowered:
.L_overlay_start_1:
0x0: {  	(tag) =	ssettag $0x1  }
0x1: {  	s3 =	rddreg [dreg:$0x0]  }
0x2: {  	s4 =	rddreg [dreg:$0x1];
	s2 =	simm.s32 $0x0;
	s0 =	stileid.u32  }
0x3: {  	s21 =	srdreg.scid;
	[smem:$0x7FF] =	sst s2  }
0x4: {  	s11 =	sadd.s32 $0xC00, s4;
	s5 =	sshll.u32 s0, $0x1;
	s4 =	sand.u32 $0x1, s21  }
0x5: {  	s6 =	sshrl.u32 s0, $0x1;
	_ =	strace $0x80000047;
	s5 =	sand.u32 $0x2, s5  }
0x6: {  	s7 =	ssub.s32 $0x2, s4;
	s22 =	smul.u32 $0x306, s6;
	s12 =	sor.u32 s4, s5  }
0x7: {  	s15 =	smul.u32 $0x188000, s6;
	s23 =	sshrl.u32 s7, $0x1;
	s14 =	sshll.u32 s12, $0x6  }
0x8: {  	s13 =	ssub.s32 s7, s23;
	s24 =	smul.u32 $0x62000, s12;
	s25 =	sadd.s32 s3, s22  }
0x9: {  	s20 =	sor.u32 $0x8, s14;
	[dreg:$0x3] =	wrdreg s25;
	s21 =	sor.u32 $0x1, s14  }
0xa: {  	s22 =	sor.u32 $0x2, s14;
	s23 =	sor.u32 $0x3, s14;
	s25 =	sor.u32 $0x10, s14  }
0xb: {  	s19 =	sor.u32 $0x18, s14;
	s18 =	sor.u32 $0x20, s14;
	s16 =	sor.u32 $0x28, s14  }
0xc: {  	s10 =	sor.u32 $0x30, s14;
	s26 =	sshrl.u32 s20, $0x3;
	s5 =	sadd.s32 s15, s24  }
0xd: {  	s24 =	sor.u32 $0x4, s14;
	s0 =	sshrl.u32 s25, $0x3;
	s1 =	sshrl.u32 s19, $0x3  }
0xe: {  	s8 =	sshrl.u32 s18, $0x3;
	s9 =	sshrl.u32 s16, $0x3;
	s28 =	smul.u32 $0xC400, s26  }
0xf: {  	s17 =	sshrl.u32 s10, $0x3;
	v20 =	vmov s25;
	s25 =	sor.u32 $0x23, s14;
	s6 =	smul.u32 $0xC400, s0  }
0x10: {  	v5 =	vmov s21;
	v13 =	vmov s20;
	s20 =	sor.u32 $0x2A, s14;
	s21 =	sor.u32 $0x39, s14;
	s7 =	smul.u32 $0xC400, s1  }
0x11: {  	v6 =	vmov s22;
	v39 =	vmov s16;
	s22 =	sor.u32 $0x3A, s14;
	s16 =	simm.s32 $0x1;
	s8 =	smul.u32 $0xC400, s8  }
0x12: {  	v31 =	vmov s18;
	s18 =	simm.s32 $0x0;
	s29 =	sshrl.u32 s5, $0x3;
	s9 =	smul.u32 $0xC400, s9;
	[tilespmem:$0x1FEA0] =	vst v5  }
0x13: {  	v7 =	vmov s23;
	s17 =	smul.u32 $0xC400, s17;
	s26 =	sor.u32 $0x5, s14;
	s0 =	sor.u32 $0xE, s14;
	[tilespmem:$0x1FEB0] =	vst v6  }
0x14: {  	v8 =	vmov s24;
	s1 =	sor.u32 $0xF, s14;
	s24 =	sor.u32 $0x15, s14;
	v34 =	vmov s25;
	s25 =	sor.u32 $0x31, s14;
	[tilespmem:$0x1FEC0] =	vst v7  }
0x15: {  	v27 =	vmov s19;
	[tilespmem:$0x1FF10] =	vst v13;
	s30 =	sadd.s32 s11, s29;
	s29 =	sor.u32 $0xA, s14;
	v9 =	vmov s26;
	s26 =	sor.u32 $0xB, s14  }
0x16: {  	[tilespmem:$0x1FF80] =	vst v20;
	v19 =	vmov s0;
	v0 =	vmov s1;
	s0 =	sor.u32 $0x1A, s14;
	s1 =	sor.u32 $0x1B, s14;
	v24 =	vmov s24;
	s24 =	sor.u32 $0x1F, s14  }
0x17: {  	[tilespmem:$0x1FFF0] =	vst v27;
	v48 =	vmov s25;
	s25 =	sor.u32 $0x3C, s14;
	[dreg:$0x4] =	wrdreg s30;
	s31 =	sadd.s32 s15, s28  }
0x18: {  	[tilespmem:$0x1FED0] =	vst v8;
	s6 =	sadd.s32 s15, s6;
	s7 =	sadd.s32 s15, s7;
	s8 =	sadd.s32 s15, s8  }
0x19: {  	s9 =	sadd.s32 s15, s9;
	s28 =	sor.u32 $0x6, s14;
	s30 =	sor.u32 $0xC, s14;
	[tilespmem:$0x1FE40] =	vst v0  }
0x1a: {  	v16 =	vmov s26;
	s26 =	sor.u32 $0x16, s14;
	v30 =	vmov s24;
	s24 =	sor.u32 $0x2D, s14;
	s17 =	sadd.s32 s15, s17;
	[tilespmem:$0x1FEE0] =	vst v9  }
0x1b: {  	v15 =	vmov s29;
	s29 =	sor.u32 $0x3E, s14;
	[tilespmem:$0x1FF70] =	vst v19;
	s5 =	sshrl.u32 s31, $0x3;
	s6 =	sshrl.u32 s6, $0x3  }
0x1c: {  	[tilespmem:$0x1FFC0] =	vst v24;
	s7 =	sshrl.u32 s7, $0x3;
	s8 =	sshrl.u32 s8, $0x3;
	s9 =	sshrl.u32 s9, $0x3  }
0x1d: {  	s31 =	sor.u32 $0xD, s14;
	v17 =	vmov s30;
	s30 =	sor.u32 $0x17, s14;
	v25 =	vmov s26;
	s26 =	sor.u32 $0x21, s14;
	[tilespmem:$0x1FF30] =	vst v15  }
0x1e: {  	v10 =	vmov s28;
	v44 =	vmov s24;
	s17 =	sshrl.u32 s17, $0x3;
	s24 =	sor.u32 $0x3B, s14;
	[tilespmem:$0x1FF40] =	vst v16;
	s3 =	sadd.s32 s11, s5  }
0x1f: {  	v54 =	vmov s14;
	s4 =	sadd.s32 s11, s6;
	s7 =	sadd.s32 s11, s7;
	s8 =	sadd.s32 s11, s8;
	[tilespmem:$0x1FEF0] =	vst v10  }
0x20: {  	v47 =	vmov s10;
	v41 =	vmov s20;
	v57 =	vmov s21;
	s9 =	sadd.s32 s11, s9;
	s5 =	sor.u32 $0x7, s14;
	s6 =	sor.u32 $0x9, s14;
	[tilespmem:$0x1FF50] =	vst v17  }
0x21: {  	v58 =	vmov s22;
	v60 =	vmov s25;
	v18 =	vmov s31;
	s31 =	sor.u32 $0x19, s14;
	[tilespmem:$0x1FFD0] =	vst v25;
	[dreg:$0x5] =	wrdreg s3;
	s3 =	sor.u32 $0x11, s14  }
0x22: {  	v26 =	vmov s30;
	s30 =	sor.u32 $0x24, s14;
	v32 =	vmov s26;
	s26 =	sor.u32 $0x2E, s14;
	s10 =	sadd.s32 s11, s17;
	[tilespmem:$0x1FF60] =	vst v18;
	v0 =	vmov s3  }
0x23: {  	v62 =	vmov s29;
	s17 =	simm.s32 $0x2;
	[dreg:$0x6] =	wrdreg s4;
	v11 =	vmov s5;
	s4 =	sor.u32 $0x12, s14;
	[tilespmem:$0x1FE50] =	vst v0;
	v0 =	vmov s31  }
0x24: {  	v14 =	vmov s6;
	s5 =	sor.u32 $0x13, s14;
	s6 =	sor.u32 $0x14, s14;
	v35 =	vmov s30;
	s30 =	sor.u32 $0x32, s14;
	[tilespmem:$0x1FE60] =	vst v0;
	v0 =	vmov s0  }
0x25: {  	v45 =	vmov s26;
	s26 =	sor.u32 $0x3D, s14;
	v21 =	vmov s4;
	s3 =	sor.u32 $0x1C, s14;
	s4 =	sor.u32 $0x1D, s14;
	[tilespmem:$0x1FE70] =	vst v0;
	v0 =	vmov s1  }
0x26: {  	v22 =	vmov s5;
	v23 =	vmov s6;
	s5 =	sor.u32 $0x1E, s14;
	s6 =	sor.u32 $0x22, s14;
	[tilespmem:$0x1FE80] =	vst v0;
	v0 =	vmov s3;
	s3 =	sor.u32 $0x29, s14  }
0x27: {  	v59 =	vmov s24;
	[tilespmem:$0x1FFE0] =	vst v26;
	s31 =	sor.u32 $0x25, s14;
	v29 =	vmov s5;
	s5 =	sor.u32 $0x2C, s14;
	v40 =	vmov s3;
	s3 =	sor.u32 $0x38, s14  }
0x28: {  	[tilespmem:$0x1FF00] =	vst v11;
	v28 =	vmov s4;
	s4 =	sor.u32 $0x2B, s14;
	v33 =	vmov s6;
	s6 =	sor.u32 $0x2F, s14;
	v43 =	vmov s5;
	s5 =	sshrl.u32 s3, $0x3  }
0x29: {  	v49 =	vmov s30;
	v61 =	vmov s26;
	[tilespmem:$0x1FF20] =	vst v14;
	s0 =	sor.u32 $0x26, s14;
	v36 =	vmov s31;
	s31 =	sor.u32 $0x33, s14;
	s20 =	smul.u32 $0xC400, s5  }
0x2a: {  	[tilespmem:$0x1FF90] =	vst v21;
	v42 =	vmov s4;
	s4 =	sor.u32 $0x36, s14;
	v46 =	vmov s6;
	s6 =	sor.u32 $0x37, s14;
	s1 =	sor.u32 $0x27, s14;
	v37 =	vmov s0  }
0x2b: {  	[tilespmem:$0x1FFA0] =	vst v22;
	s0 =	sor.u32 $0x34, s14;
	v50 =	vmov s31;
	v53 =	vmov s4;
	v55 =	vmov s6;
	s31 =	sshllo.u32 s12, $0x6;
	s15 =	sadd.s32 s15, s20  }
0x2c: {  	[tilespmem:$0x1FFB0] =	vst v23;
	s12 =	smax.u32 s13, $0x1;
	v38 =	vmov s1;
	s1 =	sor.u32 $0x35, s14;
	v51 =	vmov s0;
	v63 =	vmov s31;
	s30 =	sshrl.u32 s15, $0x3  }
0x2d: {  	[tilespmem:$0x1FE90] =	vst v0;
	v52 =	vmov s1;
	s14 =	simm.s32 $0x3;
	v0 =	vimm.f32 $0.0e+00;
	v56 =	vmov s3;
	s15 =	simm.s32 $0xC400;
	s11 =	sadd.s32 s11, s30  }
.LBB2_1:
0x2e: {  	s0 =	rddreg [dreg:$0x3];
	s1 =	simm.s32 $0x18800  }
0x2f: {  	[tilespmem:s1], [sflag:$0x3] =	stream.linear.gather [hbm4b:s0+s2], $0x1830, $0x38;
	[tilespmem:$0x1A080] =	vst v63  }
0x30: {  	_ =	swait.ge [sflag:s14], $0x1830  }
0x31: {  	[sflag:s14] =	ssyncset.done $0x0  }
0x32: {  	s19 =	simm.s32 $0x18810;
	[sflag:s14] =	ssyncadd.s32 $0xFFFFE7D0  }
0x33: {  	v1 =	vld [tilespmem:s19+$0x10]  }
0x34: {  	v2 =	vld [tilespmem:s19+$0xFFFFFFF0];
	_ =	sdelay $0x2  }
0x35: {  	s20 =	simm.s32 $0x20;
	s21 =	simm.s32 $0x100;
	s22 =	sand.u32 $0x7, s17  }
0x36: {  	s23 =	sand.u32 $0x70, s2;
	s20 =	sand.u32 $0x70, s20;
	s21 =	sand.u32 $0x1FC00, s21;
	vm0 =	veq.s32 v1, v54  }
0x37: {  	s20 =	sor.u32 s20, s21;
	v4 =	vld [tilespmem:s19+$0x0];
	s19 =	sshll.u32 s22, $0x4;
	s22 =	sand.u32 $0xFC00, s2;
	vm7 =	veq.s32 v2, v10;
	v3 =	vsel vm0, $0x3F800000, v0  }
0x38: {  	s25 =	sor.u32 s23, s22;
	vm13 =	veq.s32 v1, v5;
	vm5 =	veq.s32 v2, v54;
	v12 =	vsel vm7, $0x3F800000, v0;
	[tilespmem:s20+$0x0] =	vst v3  }
0x39: {  	vm14 =	veq.s32 v1, v6;
	vm4 =	veq.s32 v2, v5;
	v3 =	vsel vm13, $0x3F800000, v0;
	[tilespmem:s25+$0x300] =	vst v12  }
0x3a: {  	vm15 =	veq.s32 v1, v7;
	vm2 =	veq.s32 v2, v6;
	[tilespmem:s20+$0x80] =	vst v3;
	v3 =	vsel vm14, $0x3F800000, v0  }
0x3b: {  	vm1 =	veq.s32 v1, v8;
	vm3 =	veq.s32 v1, v9;
	[tilespmem:s20+$0x100] =	vst v3;
	v3 =	vsel vm15, $0x3F800000, v0  }
0x3c: {  	vm6 =	veq.s32 v1, v10;
	vm8 =	veq.s32 v1, v11;
	[tilespmem:s20+$0x180] =	vst v3;
	v3 =	vsel vm1, $0x3F800000, v0  }
0x3d: {  	vm9 =	veq.s32 v4, v5;
	vm10 =	veq.s32 v4, v7;
	[tilespmem:s20+$0x200] =	vst v3;
	v3 =	vsel vm3, $0x3F800000, v0  }
0x3e: {  	vm0 =	veq.s32 v2, v7;
	vm1 =	veq.s32 v2, v8;
	[tilespmem:s20+$0x280] =	vst v3;
	v3 =	vsel vm6, $0x3F800000, v0  }
0x3f: {  	s19 =	sadd.s32 $0x100, s19;
	vm3 =	veq.s32 v2, v9;
	vm6 =	veq.s32 v2, v11;
	v2 =	vsel vm4, $0x3F800000, v0;
	[tilespmem:s20+$0x300] =	vst v3  }
0x40: {  	s24 =	sand.u32 $0x7, s2;
	s26 =	sand.u32 $0x7, s16;
	s19 =	sor.u32 $0x380, s19;
	vm11 =	veq.s32 v4, v9;
	vm12 =	veq.s32 v4, v11;
	v1 =	vsel vm8, $0x3F800000, v0;
	[tilespmem:s25+$0x80] =	vst v2  }
0x41: {  	s30 =	simm.s32 $0x10;
	s31 =	simm.s32 $0x80;
	v15 =	vmovc v7;
	s28 =	simm.s32 $0x2;
	vm8 =	veq.s32 v4, v54;
	v7 =	vsel vm9, $0x3F800000, v0;
	v2 =	vsel vm0, $0x3F800000, v0;
	[tilespmem:s19+$0x0] =	vst v1  }
0x42: {  	v13 =	vmovc v5;
	s21 =	simm.s32 $0x0;
	s23 =	sand.u32 $0x70, s30;
	s22 =	sand.u32 $0x1FC00, s31;
	v5 =	vsel vm10, $0x3F800000, v0;
	vm4 =	veq.s32 v4, v8;
	v3 =	vsel vm3, $0x3F800000, v0;
	[tilespmem:s25+$0x180] =	vst v2  }
0x43: {  	v17 =	vmovc v9;
	v16 =	vmovc v8;
	v8 =	vsel vm8, $0x3F800000, v0;
	s20 =	sshll.u32 s26, $0x4;
	v9 =	vsel vm6, $0x3F800000, v0;
	s26 =	simm.s32 $0x0;
	v1 =	vsel vm5, $0x3F800000, v0;
	s19 =	sshll.u32 s24, $0x4;
	[tilespmem:s25+$0x280] =	vst v3  }
0x44: {  	vm5 =	veq.s32 v4, v6;
	s20 =	sadd.s32 $0x80, s20;
	s24 =	simm.s32 $0x1;
	v3 =	vsel vm11, $0x3F800000, v0;
	[tilespmem:s25+$0x0] =	vst v1;
	v1 =	vsel vm2, $0x3F800000, v0;
	s19 =	sadd.s32 $0x0, s19  }
0x45: {  	v14 =	vmovc v6;
	vm2 =	veq.s32 v4, v10;
	v6 =	vsel vm5, $0x3F800000, v0;
	[tilespmem:s25+$0x100] =	vst v1;
	v1 =	vsel vm1, $0x3F800000, v0;
	s29 =	sor.u32 $0x380, s19;
	s19 =	sor.u32 $0x380, s20;
	s20 =	sor.u32 s23, s22  }
0x46: {  	v18 =	vmovc v10;
	v19 =	vmovc v11;
	v4 =	vsel vm4, $0x3F800000, v0;
	s22 =	simm.s32 $0x18840;
	s23 =	simm.s32 $0x0;
	v2 =	vsel vm2, $0x3F800000, v0;
	[tilespmem:s25+$0x200] =	vst v1;
	v1 =	vsel vm12, $0x3F800000, v0;
	s25 =	simm.s32 $0x0  }
.LBB2_2:
0x47: {  	v10 =	vld [tilespmem:s22+$0x10];
	[tilespmem:s29+$0x0] =	vst v9;
	s23 =	sadd.s32 $0x3, s23  }
0x48: {  	s24 =	sadd.s32 $0x3, s24;
	s29 =	sand.u32 $0x7, s23;
	v9 =	vld [tilespmem:s22+$0xFFFFFFF0];
	[tilespmem:s20+$0x0] =	vst v8  }
0x49: {  	s30 =	sand.u32 $0x7, s24;
	s29 =	sshll.u32 s29, $0x4;
	v8 =	vld [tilespmem:s22+$0x0];
	[tilespmem:s20+$0x80] =	vst v7  }
0x4a: {  	s25 =	sadd.s32 $0x180, s25;
	s26 =	sadd.s32 $0x30, s26;
	s30 =	sshll.u32 s30, $0x4;
	[tilespmem:s20+$0x100] =	vst v6  }
0x4b: {  	s31 =	sadd.s32 $0x10, s26;
	s0 =	sadd.s32 $0x20, s26;
	s1 =	sadd.s32 $0x100, s25;
	[tilespmem:s20+$0x180] =	vst v5  }
0x4c: {  	s13 =	sadd.s32 $0x80, s25;
	s0 =	sand.u32 $0x70, s0;
	s3 =	sand.u32 $0x1FC00, s1;
	vm1 =	veq.s32 v10, v54;
	[tilespmem:s20+$0x200] =	vst v4  }
0x4d: {  	s29 =	sadd.s32 s29, s25;
	s30 =	sadd.s32 s30, s13;
	s0 =	sor.u32 s0, s3;
	vm2 =	veq.s32 v10, v13;
	vm0 =	veq.s32 v9, v54;
	v4 =	vsel vm1, $0x3F800000, v0;
	[tilespmem:s20+$0x280] =	vst v3  }
0x4e: {  	s21 =	sadd.s32 $0x3, s21;
	s3 =	sand.u32 $0x70, s31;
	s13 =	sand.u32 $0x1FC00, s13;
	vm3 =	veq.s32 v10, v14;
	vm1 =	veq.s32 v9, v13;
	v3 =	vsel vm2, $0x3F800000, v0;
	[tilespmem:s0+$0x0] =	vst v4  }
0x4f: {  	s4 =	sand.u32 $0xFC00, s25;
	p0 =	slt.u32 s21, $0x180;
	s31 =	sand.u32 $0x70, s26;
	vm4 =	veq.s32 v10, v15;
	vm2 =	veq.s32 v9, v14;
	[tilespmem:s0+$0x80] =	vst v3;
	v3 =	vsel vm3, $0x3F800000, v0  }
0x50: {  	s28 =	sadd.s32 $0x3, s28;
	s29 =	sor.u32 $0x380, s29;
	s5 =	sor.u32 $0x380, s30;
	vm5 =	veq.s32 v10, v16;
	vm3 =	veq.s32 v9, v15;
	[tilespmem:s0+$0x100] =	vst v3;
	v3 =	vsel vm4, $0x3F800000, v0  }
0x51: {  	s6 =	sand.u32 $0x7, s28;
	s30 =	sor.u32 s31, s4;
	s3 =	sor.u32 s3, s13;
	vm6 =	veq.s32 v10, v17;
	vm4 =	veq.s32 v9, v16;
	[tilespmem:s0+$0x180] =	vst v3;
	v3 =	vsel vm5, $0x3F800000, v0  }
0x52: {  	s4 =	sshll.u32 s6, $0x4;
	vm7 =	veq.s32 v10, v18;
	vm5 =	veq.s32 v9, v17;
	[tilespmem:s0+$0x200] =	vst v3;
	v3 =	vsel vm6, $0x3F800000, v0  }
0x53: {  	vm8 =	veq.s32 v10, v19;
	s1 =	sadd.s32 s4, s1;
	vm6 =	veq.s32 v9, v18;
	[tilespmem:s0+$0x280] =	vst v3;
	v3 =	vsel vm7, $0x3F800000, v0  }
0x54: {  	vm9 =	veq.s32 v9, v19;
	vm7 =	veq.s32 v8, v54;
	[tilespmem:s0+$0x300] =	vst v3;
	v3 =	vsel vm8, $0x3F800000, v0;
	s0 =	sor.u32 $0x380, s1  }
0x55: {  	vm10 =	veq.s32 v8, v14;
	vm11 =	veq.s32 v8, v15;
	vm8 =	veq.s32 v8, v13;
	[tilespmem:s0+$0x0] =	vst v3  }
0x56: {  	vm12 =	veq.s32 v8, v16;
	vm13 =	veq.s32 v8, v17;
	vm14 =	veq.s32 v8, v18;
	[tilespmem:s20+$0x300] =	vst v2;
	s20 =	smov.u32 s3  }
0x57: {  	v3 =	vsel vm1, $0x3F800000, v0;
	v2 =	vsel vm0, $0x3F800000, v0;
	vm0 =	veq.s32 v8, v19;
	[tilespmem:s19+$0x0] =	vst v1;
	s19 =	smov.u32 s5  }
0x58: {  	v10 =	vsel vm4, $0x3F800000, v0;
	v1 =	vsel vm2, $0x3F800000, v0;
	[tilespmem:s30+$0x0] =	vst v2;
	v2 =	vsel vm3, $0x3F800000, v0  }
0x59: {  	v11 =	vsel vm5, $0x3F800000, v0;
	v9 =	vsel vm9, $0x3F800000, v0;
	v12 =	vsel vm6, $0x3F800000, v0;
	[tilespmem:s30+$0x80] =	vst v3  }
.Ltmp0:
0x5a: {  	v6 =	vsel vm10, $0x3F800000, v0;
	v7 =	vsel vm8, $0x3F800000, v0;
	v8 =	vsel vm7, $0x3F800000, v0;
	[tilespmem:s30+$0x100] =	vst v1;
	(pc) =	sbr.rel @p0 .LBB2_2-.Ltmp0, $4  }
0x5b: {  	v5 =	vsel vm11, $0x3F800000, v0;
	v4 =	vsel vm12, $0x3F800000, v0;
	v3 =	vsel vm13, $0x3F800000, v0;
	[tilespmem:s30+$0x180] =	vst v2  }
0x5c: {  	v1 =	vsel vm0, $0x3F800000, v0;
	v2 =	vsel vm14, $0x3F800000, v0;
	[tilespmem:s30+$0x200] =	vst v10  }
0x5d: {  	[tilespmem:s30+$0x280] =	vst v11  }
0x5e: {  	s22 =	sadd.s32 $0x30, s22;
	[tilespmem:s30+$0x300] =	vst v12  }
0x5f: {  	[tilespmem:s29+$0x0] =	vst v9  }
0x60: {  	[tilespmem:s20+$0x0] =	vst v8  }
0x61: {  	[tilespmem:s20+$0x80] =	vst v7  }
0x62: {  	[tilespmem:s20+$0x100] =	vst v6  }
0x63: {  	[tilespmem:s20+$0x180] =	vst v5  }
0x64: {  	[tilespmem:s20+$0x200] =	vst v4  }
0x65: {  	[tilespmem:s20+$0x280] =	vst v3  }
0x66: {  	[tilespmem:s20+$0x300] =	vst v2  }
0x67: {  	[tilespmem:s19+$0x0] =	vst v1  }
0x68: {  	s22 =	simm.s32 $0x18810;
	s19 =	simm.s32 $0x0;
	s0 =	rddreg [dreg:$0x4]  }
0x69: {  	v13 =	vld [tilespmem:$0x1FF10];
	[hbm4b:s0+s19] =	stream.linear.scatter [tilespmem:s19], [sflag:$0x1], $0xC400, $0x38  }
0x6a: {  	v1 =	vld [tilespmem:s22+$0x10];
	_ =	sdelay $0x1  }
0x6b: {  	v14 =	vld [tilespmem:$0x1FF20];
	_ =	sdelay $0x1  }
0x6c: {  	s1 =	simm.s32 $0x20;
	s3 =	simm.s32 $0x100  }
0x6d: {  	s1 =	sand.u32 $0x70, s1;
	s3 =	sand.u32 $0x1FC00, s3;
	vm0 =	veq.s32 v1, v13  }
0x6e: {  	s1 =	sor.u32 s1, s3;
	v3 =	vsel vm0, $0x3F800000, v0  }
0x6f: {  	vm13 =	veq.s32 v1, v14;
	[tilespmem:s1+$0xC400] =	vst v3  }
0x70: {  	v3 =	vsel vm13, $0x3F800000, v0;
	v15 =	vld [tilespmem:$0x1FF30]  }
0x71: {  	[tilespmem:s1+$0xC480] =	vst v3  }
0x72: {  	v16 =	vld [tilespmem:$0x1FF40];
	_ =	sdelay $0x2  }
0x73: {  	vm14 =	veq.s32 v1, v15  }
0x74: {  	v3 =	vsel vm14, $0x3F800000, v0  }
0x75: {  	vm15 =	veq.s32 v1, v16;
	[tilespmem:s1+$0xC500] =	vst v3  }
0x76: {  	v3 =	vsel vm15, $0x3F800000, v0;
	v17 =	vld [tilespmem:$0x1FF50]  }
0x77: {  	[tilespmem:s1+$0xC580] =	vst v3  }
0x78: {  	v18 =	vld [tilespmem:$0x1FF60];
	_ =	sdelay $0x2  }
0x79: {  	vm1 =	veq.s32 v1, v17  }
0x7a: {  	v2 =	vld [tilespmem:s22+$0xFFFFFFF0];
	v3 =	vsel vm1, $0x3F800000, v0  }
0x7b: {  	v4 =	vld [tilespmem:s22+$0x0];
	vm5 =	veq.s32 v1, v18;
	[tilespmem:s1+$0xC600] =	vst v3  }
0x7c: {  	v3 =	vsel vm5, $0x3F800000, v0;
	v19 =	vld [tilespmem:$0x1FF70]  }
0x7d: {  	[tilespmem:s1+$0xC680] =	vst v3  }
0x7e: {  	v20 =	vld [tilespmem:$0x1FE40];
	_ =	sdelay $0x1  }
0x7f: {  	vm2 =	veq.s32 v2, v13;
	vm3 =	veq.s32 v2, v14;
	vm9 =	veq.s32 v4, v13  }
0x80: {  	s20 =	simm.s32 $0x2;
	vm4 =	veq.s32 v2, v15;
	vm0 =	veq.s32 v2, v16;
	vm6 =	veq.s32 v1, v19  }
0x81: {  	s23 =	sand.u32 $0x7, s20;
	s24 =	sand.u32 $0x70, s19;
	s4 =	sand.u32 $0xFC00, s19;
	vm1 =	veq.s32 v2, v17;
	vm5 =	veq.s32 v2, v18;
	v3 =	vsel vm6, $0x3F800000, v0  }
0x82: {  	s0 =	sshll.u32 s23, $0x4;
	s25 =	sor.u32 s24, s4;
	vm8 =	veq.s32 v2, v19;
	vm6 =	veq.s32 v2, v20;
	v2 =	vsel vm3, $0x3F800000, v0;
	[tilespmem:s1+$0xC700] =	vst v3  }
0x83: {  	s0 =	sadd.s32 $0x100, s0;
	vm10 =	veq.s32 v4, v14;
	vm7 =	veq.s32 v1, v20;
	v10 =	vsel vm8, $0x3F800000, v0;
	[tilespmem:s25+$0xC480] =	vst v2  }
0x84: {  	s21 =	simm.s32 $0x1;
	s0 =	sor.u32 $0x380, s0;
	v8 =	vsel vm9, $0x3F800000, v0;
	v6 =	vsel vm10, $0x3F800000, v0;
	v1 =	vsel vm7, $0x3F800000, v0;
	[tilespmem:s25+$0xC700] =	vst v10  }
0x85: {  	s31 =	simm.s32 $0x10;
	s30 =	sand.u32 $0x7, s21;
	vm11 =	veq.s32 v4, v18;
	vm3 =	veq.s32 v4, v17;
	v2 =	vsel vm0, $0x3F800000, v0;
	[tilespmem:s0+$0xC400] =	vst v1  }
0x86: {  	s5 =	simm.s32 $0x80;
	s28 =	simm.s32 $0x0;
	s3 =	sshll.u32 s30, $0x4;
	vm12 =	veq.s32 v4, v20;
	vm7 =	veq.s32 v4, v16;
	v3 =	vsel vm5, $0x3F800000, v0;
	[tilespmem:s25+$0xC580] =	vst v2  }
0x87: {  	s5 =	sand.u32 $0x1FC00, s5;
	s26 =	sand.u32 $0x7, s19;
	s3 =	sadd.s32 $0x80, s3;
	v9 =	vsel vm6, $0x3F800000, v0;
	v1 =	vsel vm2, $0x3F800000, v0;
	vm2 =	veq.s32 v4, v15;
	[tilespmem:s25+$0xC680] =	vst v3  }
0x88: {  	s4 =	sand.u32 $0x70, s31;
	s24 =	simm.s32 $0x0;
	s0 =	sshll.u32 s26, $0x4;
	v5 =	vsel vm7, $0x3F800000, v0;
	v3 =	vsel vm11, $0x3F800000, v0;
	[tilespmem:s25+$0xC400] =	vst v1;
	v1 =	vsel vm4, $0x3F800000, v0  }
0x89: {  	s22 =	sor.u32 $0x380, s3;
	s23 =	sor.u32 s4, s5;
	vm4 =	veq.s32 v4, v19;
	s0 =	sadd.s32 $0x0, s0;
	v7 =	vsel vm2, $0x3F800000, v0;
	[tilespmem:s25+$0xC500] =	vst v1;
	v1 =	vsel vm1, $0x3F800000, v0  }
0x8a: {  	s26 =	simm.s32 $0x0;
	v4 =	vsel vm3, $0x3F800000, v0;
	s29 =	sor.u32 $0x380, s0;
	v2 =	vsel vm4, $0x3F800000, v0;
	[tilespmem:s25+$0xC600] =	vst v1;
	v1 =	vsel vm12, $0x3F800000, v0;
	s25 =	simm.s32 $0x18840  }
.LBB2_4:
0x8b: {  	v10 =	vld [tilespmem:s25+$0x10];
	[tilespmem:s29+$0xC400] =	vst v9;
	s19 =	sadd.s32 $0x3, s19  }
0x8c: {  	s21 =	sadd.s32 $0x3, s21;
	s0 =	sand.u32 $0x7, s19;
	v9 =	vld [tilespmem:s25+$0xFFFFFFF0];
	[tilespmem:s23+$0xC400] =	vst v8  }
0x8d: {  	s1 =	sand.u32 $0x7, s21;
	s0 =	sshll.u32 s0, $0x4;
	v8 =	vld [tilespmem:s25+$0x0];
	[tilespmem:s23+$0xC480] =	vst v6  }
0x8e: {  	s26 =	sadd.s32 $0x180, s26;
	s28 =	sadd.s32 $0x30, s28;
	s1 =	sshll.u32 s1, $0x4;
	[tilespmem:s23+$0xC500] =	vst v7  }
0x8f: {  	s3 =	sadd.s32 $0x10, s28;
	s4 =	sadd.s32 $0x20, s28;
	s5 =	sadd.s32 $0x100, s26;
	[tilespmem:s23+$0xC580] =	vst v5  }
0x90: {  	s6 =	sadd.s32 $0x80, s26;
	s4 =	sand.u32 $0x70, s4;
	s13 =	sand.u32 $0x1FC00, s5;
	vm1 =	veq.s32 v10, v13;
	[tilespmem:s23+$0xC600] =	vst v4  }
0x91: {  	s0 =	sadd.s32 s0, s26;
	s1 =	sadd.s32 s1, s6;
	s4 =	sor.u32 s4, s13;
	vm2 =	veq.s32 v10, v14;
	vm0 =	veq.s32 v9, v13;
	v4 =	vsel vm1, $0x3F800000, v0;
	[tilespmem:s23+$0xC680] =	vst v3  }
0x92: {  	s24 =	sadd.s32 $0x3, s24;
	s3 =	sand.u32 $0x70, s3;
	s6 =	sand.u32 $0x1FC00, s6;
	vm3 =	veq.s32 v10, v15;
	vm1 =	veq.s32 v9, v14;
	v3 =	vsel vm2, $0x3F800000, v0;
	[tilespmem:s4+$0xC400] =	vst v4  }
0x93: {  	s30 =	sand.u32 $0xFC00, s26;
	p0 =	slt.u32 s24, $0x180;
	s13 =	sand.u32 $0x70, s28;
	vm4 =	veq.s32 v10, v16;
	vm2 =	veq.s32 v9, v15;
	[tilespmem:s4+$0xC480] =	vst v3;
	v3 =	vsel vm3, $0x3F800000, v0  }
0x94: {  	s20 =	sadd.s32 $0x3, s20;
	s29 =	sor.u32 $0x380, s0;
	s0 =	sor.u32 $0x380, s1;
	vm5 =	veq.s32 v10, v17;
	vm3 =	veq.s32 v9, v16;
	[tilespmem:s4+$0xC500] =	vst v3;
	v3 =	vsel vm4, $0x3F800000, v0  }
0x95: {  	s1 =	sand.u32 $0x7, s20;
	s30 =	sor.u32 s13, s30;
	s3 =	sor.u32 s3, s6;
	vm6 =	veq.s32 v10, v18;
	vm4 =	veq.s32 v9, v17;
	[tilespmem:s4+$0xC580] =	vst v3;
	v3 =	vsel vm5, $0x3F800000, v0  }
0x96: {  	s1 =	sshll.u32 s1, $0x4;
	vm7 =	veq.s32 v10, v19;
	vm5 =	veq.s32 v9, v18;
	[tilespmem:s4+$0xC600] =	vst v3;
	v3 =	vsel vm6, $0x3F800000, v0  }
0x97: {  	vm8 =	veq.s32 v10, v20;
	s1 =	sadd.s32 s1, s5;
	vm6 =	veq.s32 v9, v19;
	[tilespmem:s4+$0xC680] =	vst v3;
	v3 =	vsel vm7, $0x3F800000, v0  }
0x98: {  	vm9 =	veq.s32 v9, v20;
	s1 =	sor.u32 $0x380, s1;
	vm7 =	veq.s32 v8, v13;
	[tilespmem:s4+$0xC700] =	vst v3;
	v3 =	vsel vm8, $0x3F800000, v0  }
0x99: {  	vm10 =	veq.s32 v8, v15;
	vm11 =	veq.s32 v8, v16;
	vm8 =	veq.s32 v8, v14;
	[tilespmem:s1+$0xC400] =	vst v3  }
0x9a: {  	vm12 =	veq.s32 v8, v17;
	vm13 =	veq.s32 v8, v18;
	vm14 =	veq.s32 v8, v19;
	[tilespmem:s23+$0xC700] =	vst v2;
	s23 =	smov.u32 s3  }
0x9b: {  	v3 =	vsel vm1, $0x3F800000, v0;
	v2 =	vsel vm0, $0x3F800000, v0;
	vm0 =	veq.s32 v8, v20;
	[tilespmem:s22+$0xC400] =	vst v1;
	s22 =	smov.u32 s0  }
0x9c: {  	v10 =	vsel vm4, $0x3F800000, v0;
	v1 =	vsel vm2, $0x3F800000, v0;
	[tilespmem:s30+$0xC400] =	vst v2;
	v2 =	vsel vm3, $0x3F800000, v0  }
0x9d: {  	v11 =	vsel vm5, $0x3F800000, v0;
	v9 =	vsel vm9, $0x3F800000, v0;
	v12 =	vsel vm6, $0x3F800000, v0;
	[tilespmem:s30+$0xC480] =	vst v3  }
.Ltmp1:
0x9e: {  	v7 =	vsel vm10, $0x3F800000, v0;
	v6 =	vsel vm8, $0x3F800000, v0;
	v8 =	vsel vm7, $0x3F800000, v0;
	[tilespmem:s30+$0xC500] =	vst v1;
	(pc) =	sbr.rel @p0 .LBB2_4-.Ltmp1, $4  }
0x9f: {  	v5 =	vsel vm11, $0x3F800000, v0;
	v4 =	vsel vm12, $0x3F800000, v0;
	v3 =	vsel vm13, $0x3F800000, v0;
	[tilespmem:s30+$0xC580] =	vst v2  }
0xa0: {  	v1 =	vsel vm0, $0x3F800000, v0;
	v2 =	vsel vm14, $0x3F800000, v0;
	[tilespmem:s30+$0xC600] =	vst v10  }
0xa1: {  	[tilespmem:s30+$0xC680] =	vst v11  }
0xa2: {  	s25 =	sadd.s32 $0x30, s25;
	[tilespmem:s30+$0xC700] =	vst v12  }
0xa3: {  	[tilespmem:s29+$0xC400] =	vst v9  }
0xa4: {  	[tilespmem:s23+$0xC400] =	vst v8  }
0xa5: {  	[tilespmem:s23+$0xC480] =	vst v6  }
0xa6: {  	[tilespmem:s23+$0xC500] =	vst v7  }
0xa7: {  	[tilespmem:s23+$0xC580] =	vst v5  }
0xa8: {  	[tilespmem:s23+$0xC600] =	vst v4  }
0xa9: {  	[tilespmem:s23+$0xC680] =	vst v3  }
0xaa: {  	[tilespmem:s23+$0xC700] =	vst v2  }
0xab: {  	[tilespmem:s22+$0xC400] =	vst v1  }
0xac: {  	s19 =	simm.s32 $0x0;
	s20 =	simm.s32 $0x1;
	s0 =	rddreg [dreg:$0x5]  }
0xad: {  	[hbm4b:s0+s19] =	stream.linear.scatter [tilespmem:s15], [sflag:$0x2], $0xC400, $0x38;
	[tilespmem:$0x1A080] =	vst v63  }
0xae: {  	_ =	swait.ge [sflag:s20], $0xC400  }
0xaf: {  	[sflag:s20] =	ssyncset.done $0x0  }
0xb0: {  	s22 =	simm.s32 $0x18810;
	v20 =	vld [tilespmem:$0x1FF80];
	[sflag:s20] =	ssyncadd.s32 $0xFFFF3C00  }
0xb1: {  	v1 =	vld [tilespmem:s22+$0x10];
	_ =	sdelay $0x1  }
0xb2: {  	v21 =	vld [tilespmem:$0x1FE50];
	_ =	sdelay $0x1  }
0xb3: {  	s1 =	simm.s32 $0x20;
	s3 =	simm.s32 $0x100  }
0xb4: {  	s1 =	sand.u32 $0x70, s1;
	s3 =	sand.u32 $0x1FC00, s3;
	vm0 =	veq.s32 v1, v20  }
0xb5: {  	s1 =	sor.u32 s1, s3;
	v3 =	vsel vm0, $0x3F800000, v0  }
0xb6: {  	vm13 =	veq.s32 v1, v21;
	[tilespmem:s1+$0x0] =	vst v3  }
0xb7: {  	v3 =	vsel vm13, $0x3F800000, v0;
	v22 =	vld [tilespmem:$0x1FF90]  }
0xb8: {  	[tilespmem:s1+$0x80] =	vst v3  }
0xb9: {  	v23 =	vld [tilespmem:$0x1FFA0];
	_ =	sdelay $0x2  }
0xba: {  	vm14 =	veq.s32 v1, v22  }
0xbb: {  	v3 =	vsel vm14, $0x3F800000, v0  }
0xbc: {  	vm15 =	veq.s32 v1, v23;
	[tilespmem:s1+$0x100] =	vst v3  }
0xbd: {  	v3 =	vsel vm15, $0x3F800000, v0;
	v24 =	vld [tilespmem:$0x1FFB0]  }
0xbe: {  	[tilespmem:s1+$0x180] =	vst v3  }
0xbf: {  	v25 =	vld [tilespmem:$0x1FFC0];
	_ =	sdelay $0x2  }
0xc0: {  	vm1 =	veq.s32 v1, v24  }
0xc1: {  	v2 =	vld [tilespmem:s22+$0xFFFFFFF0];
	v3 =	vsel vm1, $0x3F800000, v0  }
0xc2: {  	v4 =	vld [tilespmem:s22+$0x0];
	vm5 =	veq.s32 v1, v25;
	[tilespmem:s1+$0x200] =	vst v3  }
0xc3: {  	v3 =	vsel vm5, $0x3F800000, v0;
	v26 =	vld [tilespmem:$0x1FFD0]  }
0xc4: {  	[tilespmem:s1+$0x280] =	vst v3  }
0xc5: {  	v27 =	vld [tilespmem:$0x1FFE0];
	_ =	sdelay $0x1  }
0xc6: {  	vm2 =	veq.s32 v2, v20;
	vm3 =	veq.s32 v2, v21;
	vm9 =	veq.s32 v4, v20  }
0xc7: {  	s21 =	simm.s32 $0x2;
	vm4 =	veq.s32 v2, v22;
	vm0 =	veq.s32 v2, v23;
	vm6 =	veq.s32 v1, v26  }
0xc8: {  	s23 =	sand.u32 $0x7, s21;
	s24 =	sand.u32 $0x70, s19;
	s4 =	sand.u32 $0xFC00, s19;
	vm1 =	veq.s32 v2, v24;
	vm5 =	veq.s32 v2, v25;
	v3 =	vsel vm6, $0x3F800000, v0  }
0xc9: {  	s25 =	sor.u32 s24, s4;
	s0 =	sshll.u32 s23, $0x4;
	vm8 =	veq.s32 v2, v26;
	vm6 =	veq.s32 v2, v27;
	v2 =	vsel vm3, $0x3F800000, v0;
	[tilespmem:s1+$0x300] =	vst v3  }
0xca: {  	s0 =	sadd.s32 $0x100, s0;
	vm10 =	veq.s32 v4, v21;
	vm7 =	veq.s32 v1, v27;
	v10 =	vsel vm8, $0x3F800000, v0;
	[tilespmem:s25+$0x80] =	vst v2  }
0xcb: {  	s0 =	sor.u32 $0x380, s0;
	v8 =	vsel vm9, $0x3F800000, v0;
	v6 =	vsel vm10, $0x3F800000, v0;
	v1 =	vsel vm7, $0x3F800000, v0;
	[tilespmem:s25+$0x300] =	vst v10  }
0xcc: {  	s31 =	simm.s32 $0x10;
	s5 =	simm.s32 $0x80;
	vm11 =	veq.s32 v4, v25;
	vm3 =	veq.s32 v4, v24;
	v2 =	vsel vm0, $0x3F800000, v0;
	[tilespmem:s0+$0x0] =	vst v1  }
0xcd: {  	s28 =	simm.s32 $0x0;
	s26 =	sand.u32 $0x7, s19;
	s30 =	sand.u32 $0x7, s20;
	vm12 =	veq.s32 v4, v27;
	vm7 =	veq.s32 v4, v23;
	v3 =	vsel vm5, $0x3F800000, v0;
	[tilespmem:s25+$0x180] =	vst v2  }
0xce: {  	s5 =	sand.u32 $0x1FC00, s5;
	s3 =	sshll.u32 s30, $0x4;
	s4 =	sand.u32 $0x70, s31;
	v9 =	vsel vm6, $0x3F800000, v0;
	v1 =	vsel vm2, $0x3F800000, v0;
	vm2 =	veq.s32 v4, v22;
	[tilespmem:s25+$0x280] =	vst v3  }
0xcf: {  	s24 =	simm.s32 $0x0;
	s3 =	sadd.s32 $0x80, s3;
	s0 =	sshll.u32 s26, $0x4;
	v5 =	vsel vm7, $0x3F800000, v0;
	v3 =	vsel vm11, $0x3F800000, v0;
	[tilespmem:s25+$0x0] =	vst v1;
	v1 =	vsel vm4, $0x3F800000, v0  }
0xd0: {  	s23 =	sor.u32 s4, s5;
	s22 =	sor.u32 $0x380, s3;
	vm4 =	veq.s32 v4, v26;
	s0 =	sadd.s32 $0x0, s0;
	v7 =	vsel vm2, $0x3F800000, v0;
	[tilespmem:s25+$0x100] =	vst v1;
	v1 =	vsel vm1, $0x3F800000, v0  }
0xd1: {  	s26 =	simm.s32 $0x0;
	v4 =	vsel vm3, $0x3F800000, v0;
	s29 =	sor.u32 $0x380, s0;
	v2 =	vsel vm4, $0x3F800000, v0;
	[tilespmem:s25+$0x200] =	vst v1;
	v1 =	vsel vm12, $0x3F800000, v0;
	s25 =	simm.s32 $0x18840  }
.LBB2_6:
0xd2: {  	v10 =	vld [tilespmem:s25+$0x10];
	[tilespmem:s29+$0x0] =	vst v9;
	s19 =	sadd.s32 $0x3, s19  }
0xd3: {  	s20 =	sadd.s32 $0x3, s20;
	s0 =	sand.u32 $0x7, s19;
	v9 =	vld [tilespmem:s25+$0xFFFFFFF0];
	[tilespmem:s23+$0x0] =	vst v8  }
0xd4: {  	s1 =	sand.u32 $0x7, s20;
	s0 =	sshll.u32 s0, $0x4;
	v8 =	vld [tilespmem:s25+$0x0];
	[tilespmem:s23+$0x80] =	vst v6  }
0xd5: {  	s26 =	sadd.s32 $0x180, s26;
	s28 =	sadd.s32 $0x30, s28;
	s1 =	sshll.u32 s1, $0x4;
	[tilespmem:s23+$0x100] =	vst v7  }
0xd6: {  	s3 =	sadd.s32 $0x10, s28;
	s4 =	sadd.s32 $0x20, s28;
	s5 =	sadd.s32 $0x100, s26;
	[tilespmem:s23+$0x180] =	vst v5  }
0xd7: {  	s6 =	sadd.s32 $0x80, s26;
	s4 =	sand.u32 $0x70, s4;
	s13 =	sand.u32 $0x1FC00, s5;
	vm1 =	veq.s32 v10, v20;
	[tilespmem:s23+$0x200] =	vst v4  }
0xd8: {  	s0 =	sadd.s32 s0, s26;
	s1 =	sadd.s32 s1, s6;
	s4 =	sor.u32 s4, s13;
	vm2 =	veq.s32 v10, v21;
	vm0 =	veq.s32 v9, v20;
	v4 =	vsel vm1, $0x3F800000, v0;
	[tilespmem:s23+$0x280] =	vst v3  }
0xd9: {  	s24 =	sadd.s32 $0x3, s24;
	s3 =	sand.u32 $0x70, s3;
	s6 =	sand.u32 $0x1FC00, s6;
	vm3 =	veq.s32 v10, v22;
	vm1 =	veq.s32 v9, v21;
	v3 =	vsel vm2, $0x3F800000, v0;
	[tilespmem:s4+$0x0] =	vst v4  }
0xda: {  	s30 =	sand.u32 $0xFC00, s26;
	p0 =	slt.u32 s24, $0x180;
	s13 =	sand.u32 $0x70, s28;
	vm4 =	veq.s32 v10, v23;
	vm2 =	veq.s32 v9, v22;
	[tilespmem:s4+$0x80] =	vst v3;
	v3 =	vsel vm3, $0x3F800000, v0  }
0xdb: {  	s21 =	sadd.s32 $0x3, s21;
	s29 =	sor.u32 $0x380, s0;
	s0 =	sor.u32 $0x380, s1;
	vm5 =	veq.s32 v10, v24;
	vm3 =	veq.s32 v9, v23;
	[tilespmem:s4+$0x100] =	vst v3;
	v3 =	vsel vm4, $0x3F800000, v0  }
0xdc: {  	s1 =	sand.u32 $0x7, s21;
	s30 =	sor.u32 s13, s30;
	s3 =	sor.u32 s3, s6;
	vm6 =	veq.s32 v10, v25;
	vm4 =	veq.s32 v9, v24;
	[tilespmem:s4+$0x180] =	vst v3;
	v3 =	vsel vm5, $0x3F800000, v0  }
0xdd: {  	s1 =	sshll.u32 s1, $0x4;
	vm7 =	veq.s32 v10, v26;
	vm5 =	veq.s32 v9, v25;
	[tilespmem:s4+$0x200] =	vst v3;
	v3 =	vsel vm6, $0x3F800000, v0  }
0xde: {  	vm8 =	veq.s32 v10, v27;
	s1 =	sadd.s32 s1, s5;
	vm6 =	veq.s32 v9, v26;
	[tilespmem:s4+$0x280] =	vst v3;
	v3 =	vsel vm7, $0x3F800000, v0  }
0xdf: {  	vm9 =	veq.s32 v9, v27;
	s1 =	sor.u32 $0x380, s1;
	vm7 =	veq.s32 v8, v20;
	[tilespmem:s4+$0x300] =	vst v3;
	v3 =	vsel vm8, $0x3F800000, v0  }
0xe0: {  	vm10 =	veq.s32 v8, v22;
	vm11 =	veq.s32 v8, v23;
	vm8 =	veq.s32 v8, v21;
	[tilespmem:s1+$0x0] =	vst v3  }
0xe1: {  	vm12 =	veq.s32 v8, v24;
	vm13 =	veq.s32 v8, v25;
	vm14 =	veq.s32 v8, v26;
	[tilespmem:s23+$0x300] =	vst v2;
	s23 =	smov.u32 s3  }
0xe2: {  	v3 =	vsel vm1, $0x3F800000, v0;
	v2 =	vsel vm0, $0x3F800000, v0;
	vm0 =	veq.s32 v8, v27;
	[tilespmem:s22+$0x0] =	vst v1;
	s22 =	smov.u32 s0  }
0xe3: {  	v10 =	vsel vm4, $0x3F800000, v0;
	v1 =	vsel vm2, $0x3F800000, v0;
	[tilespmem:s30+$0x0] =	vst v2;
	v2 =	vsel vm3, $0x3F800000, v0  }
0xe4: {  	v11 =	vsel vm5, $0x3F800000, v0;
	v9 =	vsel vm9, $0x3F800000, v0;
	v12 =	vsel vm6, $0x3F800000, v0;
	[tilespmem:s30+$0x80] =	vst v3  }
.Ltmp2:
0xe5: {  	v7 =	vsel vm10, $0x3F800000, v0;
	v6 =	vsel vm8, $0x3F800000, v0;
	v8 =	vsel vm7, $0x3F800000, v0;
	[tilespmem:s30+$0x100] =	vst v1;
	(pc) =	sbr.rel @p0 .LBB2_6-.Ltmp2, $4  }
0xe6: {  	v5 =	vsel vm11, $0x3F800000, v0;
	v4 =	vsel vm12, $0x3F800000, v0;
	v3 =	vsel vm13, $0x3F800000, v0;
	[tilespmem:s30+$0x180] =	vst v2  }
0xe7: {  	v1 =	vsel vm0, $0x3F800000, v0;
	v2 =	vsel vm14, $0x3F800000, v0;
	[tilespmem:s30+$0x200] =	vst v10  }
0xe8: {  	[tilespmem:s30+$0x280] =	vst v11  }
0xe9: {  	s25 =	sadd.s32 $0x30, s25;
	[tilespmem:s30+$0x300] =	vst v12  }
0xea: {  	[tilespmem:s29+$0x0] =	vst v9  }
0xeb: {  	[tilespmem:s23+$0x0] =	vst v8  }
0xec: {  	[tilespmem:s23+$0x80] =	vst v6  }
0xed: {  	[tilespmem:s23+$0x100] =	vst v7  }
0xee: {  	[tilespmem:s23+$0x180] =	vst v5  }
0xef: {  	[tilespmem:s23+$0x200] =	vst v4  }
0xf0: {  	[tilespmem:s23+$0x280] =	vst v3  }
0xf1: {  	[tilespmem:s23+$0x300] =	vst v2  }
0xf2: {  	[tilespmem:s22+$0x0] =	vst v1  }
0xf3: {  	s19 =	simm.s32 $0x0;
	s20 =	simm.s32 $0x2;
	s0 =	rddreg [dreg:$0x6]  }
0xf4: {  	[hbm4b:s0+s19] =	stream.linear.scatter [tilespmem:s19], [sflag:$0x1], $0xC400, $0x38;
	[tilespmem:$0x1A080] =	vst v63  }
0xf5: {  	_ =	swait.ge [sflag:s20], $0xC400  }
0xf6: {  	[sflag:s20] =	ssyncset.done $0x0  }
0xf7: {  	s22 =	simm.s32 $0x18810;
	v27 =	vld [tilespmem:$0x1FFF0];
	[sflag:s20] =	ssyncadd.s32 $0xFFFF3C00  }
0xf8: {  	v1 =	vld [tilespmem:s22+$0x10];
	_ =	sdelay $0x3  }
0xf9: {  	s1 =	simm.s32 $0x20;
	s3 =	simm.s32 $0x100  }
0xfa: {  	s1 =	sand.u32 $0x70, s1;
	s3 =	sand.u32 $0x1FC00, s3;
	vm0 =	veq.s32 v1, v27  }
0xfb: {  	s1 =	sor.u32 s1, s3;
	v21 =	vld [tilespmem:$0x1FE60];
	v3 =	vsel vm0, $0x3F800000, v0  }
0xfc: {  	[tilespmem:s1+$0xC400] =	vst v3  }
0xfd: {  	v22 =	vld [tilespmem:$0x1FE70];
	_ =	sdelay $0x2  }
0xfe: {  	vm13 =	veq.s32 v1, v21  }
0xff: {  	v3 =	vsel vm13, $0x3F800000, v0  }
0x100: {  	v2 =	vld [tilespmem:s22+$0xFFFFFFF0];
	[tilespmem:s1+$0xC480] =	vst v3;
	vm14 =	veq.s32 v1, v22  }
0x101: {  	v23 =	vld [tilespmem:$0x1FE80];
	v3 =	vsel vm14, $0x3F800000, v0  }
0x102: {  	[tilespmem:s1+$0xC500] =	vst v3  }
0x103: {  	v24 =	vld [tilespmem:$0x1FE90]  }
0x104: {  	v4 =	vld [tilespmem:s22+$0x0];
	_ =	sdelay $0x1  }
0x105: {  	vm3 =	veq.s32 v2, v27;
	vm4 =	veq.s32 v2, v21;
	vm15 =	veq.s32 v1, v23  }
0x106: {  	s24 =	sand.u32 $0x70, s19;
	s4 =	sand.u32 $0xFC00, s19;
	vm5 =	veq.s32 v1, v28;
	vm8 =	veq.s32 v2, v29;
	v3 =	vsel vm15, $0x3F800000, v0  }
0x107: {  	s25 =	sor.u32 s24, s4;
	vm6 =	veq.s32 v1, v29;
	v10 =	vsel vm8, $0x3F800000, v0;
	[tilespmem:s1+$0xC580] =	vst v3;
	vm1 =	veq.s32 v1, v24  }
0x108: {  	vm7 =	veq.s32 v1, v30;
	vm9 =	veq.s32 v4, v27;
	[tilespmem:s25+$0xC700] =	vst v10;
	v3 =	vsel vm1, $0x3F800000, v0  }
0x109: {  	s23 =	sand.u32 $0x7, s20;
	vm10 =	veq.s32 v4, v21;
	vm2 =	veq.s32 v2, v22;
	[tilespmem:s1+$0xC600] =	vst v3;
	v3 =	vsel vm5, $0x3F800000, v0  }
0x10a: {  	s0 =	sshll.u32 s23, $0x4;
	vm0 =	veq.s32 v2, v23;
	vm1 =	veq.s32 v2, v24;
	[tilespmem:s1+$0xC680] =	vst v3;
	v3 =	vsel vm6, $0x3F800000, v0  }
0x10b: {  	s0 =	sadd.s32 $0x100, s0;
	vm5 =	veq.s32 v2, v28;
	vm6 =	veq.s32 v2, v30;
	v2 =	vsel vm4, $0x3F800000, v0;
	[tilespmem:s1+$0xC700] =	vst v3  }
0x10c: {  	s0 =	sor.u32 $0x380, s0;
	vm11 =	veq.s32 v4, v28;
	vm12 =	veq.s32 v4, v30;
	v1 =	vsel vm7, $0x3F800000, v0;
	[tilespmem:s25+$0xC480] =	vst v2  }
0x10d: {  	s21 =	simm.s32 $0x1;
	s31 =	simm.s32 $0x10;
	s5 =	simm.s32 $0x80;
	v8 =	vsel vm9, $0x3F800000, v0;
	vm7 =	veq.s32 v4, v23;
	v2 =	vsel vm0, $0x3F800000, v0;
	[tilespmem:s0+$0xC400] =	vst v1  }
0x10e: {  	s28 =	simm.s32 $0x0;
	s26 =	sand.u32 $0x7, s19;
	s30 =	sand.u32 $0x7, s21;
	v6 =	vsel vm10, $0x3F800000, v0;
	v5 =	vsel vm7, $0x3F800000, v0;
	v3 =	vsel vm5, $0x3F800000, v0;
	[tilespmem:s25+$0xC580] =	vst v2  }
0x10f: {  	s5 =	sand.u32 $0x1FC00, s5;
	s3 =	sshll.u32 s30, $0x4;
	s4 =	sand.u32 $0x70, s31;
	vm4 =	veq.s32 v4, v24;
	v9 =	vsel vm6, $0x3F800000, v0;
	v1 =	vsel vm3, $0x3F800000, v0;
	[tilespmem:s25+$0xC680] =	vst v3  }
0x110: {  	s24 =	simm.s32 $0x0;
	s3 =	sadd.s32 $0x80, s3;
	vm3 =	veq.s32 v4, v22;
	s0 =	sshll.u32 s26, $0x4;
	v3 =	vsel vm11, $0x3F800000, v0;
	[tilespmem:s25+$0xC400] =	vst v1;
	v1 =	vsel vm2, $0x3F800000, v0  }
0x111: {  	s23 =	sor.u32 s4, s5;
	s22 =	sor.u32 $0x380, s3;
	vm2 =	veq.s32 v4, v29;
	s0 =	sadd.s32 $0x0, s0;
	v7 =	vsel vm3, $0x3F800000, v0;
	[tilespmem:s25+$0xC500] =	vst v1;
	v1 =	vsel vm1, $0x3F800000, v0  }
0x112: {  	s26 =	simm.s32 $0x0;
	v4 =	vsel vm4, $0x3F800000, v0;
	s29 =	sor.u32 $0x380, s0;
	v2 =	vsel vm2, $0x3F800000, v0;
	[tilespmem:s25+$0xC600] =	vst v1;
	v1 =	vsel vm12, $0x3F800000, v0;
	s25 =	simm.s32 $0x18840  }
.LBB2_8:
0x113: {  	v10 =	vld [tilespmem:s25+$0x10];
	[tilespmem:s29+$0xC400] =	vst v9;
	s19 =	sadd.s32 $0x3, s19  }
0x114: {  	s21 =	sadd.s32 $0x3, s21;
	s0 =	sand.u32 $0x7, s19;
	v9 =	vld [tilespmem:s25+$0xFFFFFFF0];
	[tilespmem:s23+$0xC400] =	vst v8  }
0x115: {  	s1 =	sand.u32 $0x7, s21;
	s0 =	sshll.u32 s0, $0x4;
	v8 =	vld [tilespmem:s25+$0x0];
	[tilespmem:s23+$0xC480] =	vst v6  }
0x116: {  	s26 =	sadd.s32 $0x180, s26;
	s28 =	sadd.s32 $0x30, s28;
	s1 =	sshll.u32 s1, $0x4;
	[tilespmem:s23+$0xC500] =	vst v7  }
0x117: {  	s3 =	sadd.s32 $0x10, s28;
	s4 =	sadd.s32 $0x20, s28;
	s5 =	sadd.s32 $0x100, s26;
	[tilespmem:s23+$0xC580] =	vst v5  }
0x118: {  	s6 =	sadd.s32 $0x80, s26;
	s4 =	sand.u32 $0x70, s4;
	s13 =	sand.u32 $0x1FC00, s5;
	vm1 =	veq.s32 v10, v27;
	[tilespmem:s23+$0xC600] =	vst v4  }
0x119: {  	s0 =	sadd.s32 s0, s26;
	s1 =	sadd.s32 s1, s6;
	s4 =	sor.u32 s4, s13;
	vm2 =	veq.s32 v10, v21;
	vm0 =	veq.s32 v9, v27;
	v4 =	vsel vm1, $0x3F800000, v0;
	[tilespmem:s23+$0xC680] =	vst v3  }
0x11a: {  	s24 =	sadd.s32 $0x3, s24;
	s3 =	sand.u32 $0x70, s3;
	s6 =	sand.u32 $0x1FC00, s6;
	vm3 =	veq.s32 v10, v22;
	vm1 =	veq.s32 v9, v21;
	v3 =	vsel vm2, $0x3F800000, v0;
	[tilespmem:s4+$0xC400] =	vst v4  }
0x11b: {  	s30 =	sand.u32 $0xFC00, s26;
	p0 =	slt.u32 s24, $0x180;
	s13 =	sand.u32 $0x70, s28;
	vm4 =	veq.s32 v10, v23;
	vm2 =	veq.s32 v9, v22;
	[tilespmem:s4+$0xC480] =	vst v3;
	v3 =	vsel vm3, $0x3F800000, v0  }
0x11c: {  	s20 =	sadd.s32 $0x3, s20;
	s29 =	sor.u32 $0x380, s0;
	s0 =	sor.u32 $0x380, s1;
	vm5 =	veq.s32 v10, v24;
	vm3 =	veq.s32 v9, v23;
	[tilespmem:s4+$0xC500] =	vst v3;
	v3 =	vsel vm4, $0x3F800000, v0  }
0x11d: {  	s1 =	sand.u32 $0x7, s20;
	s30 =	sor.u32 s13, s30;
	s3 =	sor.u32 s3, s6;
	vm6 =	veq.s32 v10, v28;
	vm4 =	veq.s32 v9, v24;
	[tilespmem:s4+$0xC580] =	vst v3;
	v3 =	vsel vm5, $0x3F800000, v0  }
0x11e: {  	s1 =	sshll.u32 s1, $0x4;
	vm7 =	veq.s32 v10, v29;
	vm5 =	veq.s32 v9, v28;
	[tilespmem:s4+$0xC600] =	vst v3;
	v3 =	vsel vm6, $0x3F800000, v0  }
0x11f: {  	vm8 =	veq.s32 v10, v30;
	s1 =	sadd.s32 s1, s5;
	vm6 =	veq.s32 v9, v29;
	[tilespmem:s4+$0xC680] =	vst v3;
	v3 =	vsel vm7, $0x3F800000, v0  }
0x120: {  	vm9 =	veq.s32 v9, v30;
	s1 =	sor.u32 $0x380, s1;
	vm7 =	veq.s32 v8, v27;
	[tilespmem:s4+$0xC700] =	vst v3;
	v3 =	vsel vm8, $0x3F800000, v0  }
0x121: {  	vm10 =	veq.s32 v8, v22;
	vm11 =	veq.s32 v8, v23;
	vm8 =	veq.s32 v8, v21;
	[tilespmem:s1+$0xC400] =	vst v3  }
0x122: {  	vm12 =	veq.s32 v8, v24;
	vm13 =	veq.s32 v8, v28;
	vm14 =	veq.s32 v8, v29;
	[tilespmem:s23+$0xC700] =	vst v2;
	s23 =	smov.u32 s3  }
0x123: {  	v3 =	vsel vm1, $0x3F800000, v0;
	v2 =	vsel vm0, $0x3F800000, v0;
	vm0 =	veq.s32 v8, v30;
	[tilespmem:s22+$0xC400] =	vst v1;
	s22 =	smov.u32 s0  }
0x124: {  	v10 =	vsel vm4, $0x3F800000, v0;
	v1 =	vsel vm2, $0x3F800000, v0;
	[tilespmem:s30+$0xC400] =	vst v2;
	v2 =	vsel vm3, $0x3F800000, v0  }
0x125: {  	v11 =	vsel vm5, $0x3F800000, v0;
	v9 =	vsel vm9, $0x3F800000, v0;
	v12 =	vsel vm6, $0x3F800000, v0;
	[tilespmem:s30+$0xC480] =	vst v3  }
.Ltmp3:
0x126: {  	v7 =	vsel vm10, $0x3F800000, v0;
	v6 =	vsel vm8, $0x3F800000, v0;
	v8 =	vsel vm7, $0x3F800000, v0;
	[tilespmem:s30+$0xC500] =	vst v1;
	(pc) =	sbr.rel @p0 .LBB2_8-.Ltmp3, $4  }
0x127: {  	v5 =	vsel vm11, $0x3F800000, v0;
	v4 =	vsel vm12, $0x3F800000, v0;
	v3 =	vsel vm13, $0x3F800000, v0;
	[tilespmem:s30+$0xC580] =	vst v2  }
0x128: {  	v1 =	vsel vm0, $0x3F800000, v0;
	v2 =	vsel vm14, $0x3F800000, v0;
	[tilespmem:s30+$0xC600] =	vst v10  }
0x129: {  	[tilespmem:s30+$0xC680] =	vst v11  }
0x12a: {  	s25 =	sadd.s32 $0x30, s25;
	[tilespmem:s30+$0xC700] =	vst v12  }
0x12b: {  	[tilespmem:s29+$0xC400] =	vst v9  }
0x12c: {  	[tilespmem:s23+$0xC400] =	vst v8  }
0x12d: {  	[tilespmem:s23+$0xC480] =	vst v6  }
0x12e: {  	[tilespmem:s23+$0xC500] =	vst v7  }
0x12f: {  	[tilespmem:s23+$0xC580] =	vst v5  }
0x130: {  	[tilespmem:s23+$0xC600] =	vst v4  }
0x131: {  	[tilespmem:s23+$0xC680] =	vst v3  }
0x132: {  	[tilespmem:s23+$0xC700] =	vst v2  }
0x133: {  	s19 =	simm.s32 $0x0;
	s20 =	simm.s32 $0x1;
	[tilespmem:s22+$0xC400] =	vst v1  }
0x134: {  	[hbm4b:s7+s19] =	stream.linear.scatter [tilespmem:s15], [sflag:$0x2], $0xC400, $0x38;
	[tilespmem:$0x1A080] =	vst v63  }
0x135: {  	_ =	swait.ge [sflag:s20], $0xC400  }
0x136: {  	[sflag:s20] =	ssyncset.done $0x0  }
0x137: {  	s0 =	simm.s32 $0x18810;
	[sflag:s20] =	ssyncadd.s32 $0xFFFF3C00  }
0x138: {  	v1 =	vld [tilespmem:s0+$0x10]  }
0x139: {  	v2 =	vld [tilespmem:s0+$0xFFFFFFF0];
	_ =	sdelay $0x2  }
0x13a: {  	s1 =	simm.s32 $0x20;
	s3 =	simm.s32 $0x100  }
0x13b: {  	s1 =	sand.u32 $0x70, s1;
	s3 =	sand.u32 $0x1FC00, s3;
	vm0 =	veq.s32 v1, v31  }
0x13c: {  	s24 =	sand.u32 $0x70, s19;
	s4 =	sand.u32 $0xFC00, s19;
	s1 =	sor.u32 s1, s3;
	vm8 =	veq.s32 v2, v37;
	v3 =	vsel vm0, $0x3F800000, v0  }
0x13d: {  	s25 =	sor.u32 s24, s4;
	v4 =	vld [tilespmem:s0+$0x0];
	vm13 =	veq.s32 v1, v32;
	vm2 =	veq.s32 v2, v31;
	v10 =	vsel vm8, $0x3F800000, v0;
	[tilespmem:s1+$0x0] =	vst v3  }
0x13e: {  	vm14 =	veq.s32 v1, v33;
	vm3 =	veq.s32 v2, v32;
	v3 =	vsel vm13, $0x3F800000, v0;
	[tilespmem:s25+$0x300] =	vst v10  }
0x13f: {  	vm15 =	veq.s32 v1, v34;
	vm4 =	veq.s32 v2, v33;
	[tilespmem:s1+$0x80] =	vst v3;
	v3 =	vsel vm14, $0x3F800000, v0  }
0x140: {  	vm1 =	veq.s32 v1, v35;
	vm5 =	veq.s32 v1, v36;
	[tilespmem:s1+$0x100] =	vst v3;
	v3 =	vsel vm15, $0x3F800000, v0  }
0x141: {  	s21 =	simm.s32 $0x2;
	vm6 =	veq.s32 v1, v37;
	vm7 =	veq.s32 v1, v38;
	[tilespmem:s1+$0x180] =	vst v3;
	v3 =	vsel vm1, $0x3F800000, v0  }
0x142: {  	s23 =	sand.u32 $0x7, s21;
	vm9 =	veq.s32 v4, v31;
	vm10 =	veq.s32 v4, v32;
	[tilespmem:s1+$0x200] =	vst v3;
	v3 =	vsel vm5, $0x3F800000, v0  }
0x143: {  	s0 =	sshll.u32 s23, $0x4;
	vm0 =	veq.s32 v2, v34;
	vm1 =	veq.s32 v2, v35;
	[tilespmem:s1+$0x280] =	vst v3;
	v3 =	vsel vm6, $0x3F800000, v0  }
0x144: {  	s0 =	sadd.s32 $0x100, s0;
	vm5 =	veq.s32 v2, v36;
	vm6 =	veq.s32 v2, v38;
	v2 =	vsel vm3, $0x3F800000, v0;
	[tilespmem:s1+$0x300] =	vst v3  }
0x145: {  	s0 =	sor.u32 $0x380, s0;
	vm11 =	veq.s32 v4, v36;
	vm12 =	veq.s32 v4, v38;
	v1 =	vsel vm7, $0x3F800000, v0;
	[tilespmem:s25+$0x80] =	vst v2  }
0x146: {  	s31 =	simm.s32 $0x10;
	s5 =	simm.s32 $0x80;
	vm7 =	veq.s32 v4, v34;
	v8 =	vsel vm9, $0x3F800000, v0;
	v2 =	vsel vm0, $0x3F800000, v0;
	[tilespmem:s0+$0x0] =	vst v1  }
0x147: {  	s28 =	simm.s32 $0x0;
	s26 =	sand.u32 $0x7, s19;
	s30 =	sand.u32 $0x7, s20;
	v6 =	vsel vm10, $0x3F800000, v0;
	v5 =	vsel vm7, $0x3F800000, v0;
	v3 =	vsel vm5, $0x3F800000, v0;
	[tilespmem:s25+$0x180] =	vst v2  }
0x148: {  	s5 =	sand.u32 $0x1FC00, s5;
	s3 =	sshll.u32 s30, $0x4;
	s4 =	sand.u32 $0x70, s31;
	vm3 =	veq.s32 v4, v35;
	v9 =	vsel vm6, $0x3F800000, v0;
	v1 =	vsel vm2, $0x3F800000, v0;
	[tilespmem:s25+$0x280] =	vst v3  }
0x149: {  	s24 =	simm.s32 $0x0;
	s3 =	sadd.s32 $0x80, s3;
	vm2 =	veq.s32 v4, v33;
	s0 =	sshll.u32 s26, $0x4;
	v3 =	vsel vm11, $0x3F800000, v0;
	[tilespmem:s25+$0x0] =	vst v1;
	v1 =	vsel vm4, $0x3F800000, v0  }
0x14a: {  	s22 =	sor.u32 $0x380, s3;
	s23 =	sor.u32 s4, s5;
	vm4 =	veq.s32 v4, v37;
	s0 =	sadd.s32 $0x0, s0;
	v7 =	vsel vm2, $0x3F800000, v0;
	[tilespmem:s25+$0x100] =	vst v1;
	v1 =	vsel vm1, $0x3F800000, v0  }
0x14b: {  	s26 =	simm.s32 $0x0;
	v4 =	vsel vm3, $0x3F800000, v0;
	s29 =	sor.u32 $0x380, s0;
	v2 =	vsel vm4, $0x3F800000, v0;
	[tilespmem:s25+$0x200] =	vst v1;
	v1 =	vsel vm12, $0x3F800000, v0;
	s25 =	simm.s32 $0x18840  }
.LBB2_10:
0x14c: {  	v10 =	vld [tilespmem:s25+$0x10];
	[tilespmem:s29+$0x0] =	vst v9;
	s19 =	sadd.s32 $0x3, s19  }
0x14d: {  	s20 =	sadd.s32 $0x3, s20;
	s0 =	sand.u32 $0x7, s19;
	v9 =	vld [tilespmem:s25+$0xFFFFFFF0];
	[tilespmem:s23+$0x0] =	vst v8  }
0x14e: {  	s1 =	sand.u32 $0x7, s20;
	s0 =	sshll.u32 s0, $0x4;
	v8 =	vld [tilespmem:s25+$0x0];
	[tilespmem:s23+$0x80] =	vst v6  }
0x14f: {  	s26 =	sadd.s32 $0x180, s26;
	s28 =	sadd.s32 $0x30, s28;
	s1 =	sshll.u32 s1, $0x4;
	[tilespmem:s23+$0x100] =	vst v7  }
0x150: {  	s3 =	sadd.s32 $0x10, s28;
	s4 =	sadd.s32 $0x20, s28;
	s5 =	sadd.s32 $0x100, s26;
	[tilespmem:s23+$0x180] =	vst v5  }
0x151: {  	s6 =	sadd.s32 $0x80, s26;
	s4 =	sand.u32 $0x70, s4;
	s13 =	sand.u32 $0x1FC00, s5;
	vm1 =	veq.s32 v10, v31;
	[tilespmem:s23+$0x200] =	vst v4  }
0x152: {  	s0 =	sadd.s32 s0, s26;
	s1 =	sadd.s32 s1, s6;
	s4 =	sor.u32 s4, s13;
	vm2 =	veq.s32 v10, v32;
	vm0 =	veq.s32 v9, v31;
	v4 =	vsel vm1, $0x3F800000, v0;
	[tilespmem:s23+$0x280] =	vst v3  }
0x153: {  	s24 =	sadd.s32 $0x3, s24;
	s3 =	sand.u32 $0x70, s3;
	s6 =	sand.u32 $0x1FC00, s6;
	vm3 =	veq.s32 v10, v33;
	vm1 =	veq.s32 v9, v32;
	v3 =	vsel vm2, $0x3F800000, v0;
	[tilespmem:s4+$0x0] =	vst v4  }
0x154: {  	s30 =	sand.u32 $0xFC00, s26;
	p0 =	slt.u32 s24, $0x180;
	s13 =	sand.u32 $0x70, s28;
	vm4 =	veq.s32 v10, v34;
	vm2 =	veq.s32 v9, v33;
	[tilespmem:s4+$0x80] =	vst v3;
	v3 =	vsel vm3, $0x3F800000, v0  }
0x155: {  	s21 =	sadd.s32 $0x3, s21;
	s29 =	sor.u32 $0x380, s0;
	s0 =	sor.u32 $0x380, s1;
	vm5 =	veq.s32 v10, v35;
	vm3 =	veq.s32 v9, v34;
	[tilespmem:s4+$0x100] =	vst v3;
	v3 =	vsel vm4, $0x3F800000, v0  }
0x156: {  	s1 =	sand.u32 $0x7, s21;
	s30 =	sor.u32 s13, s30;
	s3 =	sor.u32 s3, s6;
	vm6 =	veq.s32 v10, v36;
	vm4 =	veq.s32 v9, v35;
	[tilespmem:s4+$0x180] =	vst v3;
	v3 =	vsel vm5, $0x3F800000, v0  }
0x157: {  	s1 =	sshll.u32 s1, $0x4;
	vm7 =	veq.s32 v10, v37;
	vm5 =	veq.s32 v9, v36;
	[tilespmem:s4+$0x200] =	vst v3;
	v3 =	vsel vm6, $0x3F800000, v0  }
0x158: {  	vm8 =	veq.s32 v10, v38;
	s1 =	sadd.s32 s1, s5;
	vm6 =	veq.s32 v9, v37;
	[tilespmem:s4+$0x280] =	vst v3;
	v3 =	vsel vm7, $0x3F800000, v0  }
0x159: {  	vm9 =	veq.s32 v9, v38;
	s1 =	sor.u32 $0x380, s1;
	vm7 =	veq.s32 v8, v31;
	[tilespmem:s4+$0x300] =	vst v3;
	v3 =	vsel vm8, $0x3F800000, v0  }
0x15a: {  	vm10 =	veq.s32 v8, v33;
	vm11 =	veq.s32 v8, v34;
	vm8 =	veq.s32 v8, v32;
	[tilespmem:s1+$0x0] =	vst v3  }
0x15b: {  	vm12 =	veq.s32 v8, v35;
	vm13 =	veq.s32 v8, v36;
	vm14 =	veq.s32 v8, v37;
	[tilespmem:s23+$0x300] =	vst v2;
	s23 =	smov.u32 s3  }
0x15c: {  	v3 =	vsel vm1, $0x3F800000, v0;
	v2 =	vsel vm0, $0x3F800000, v0;
	vm0 =	veq.s32 v8, v38;
	[tilespmem:s22+$0x0] =	vst v1;
	s22 =	smov.u32 s0  }
0x15d: {  	v10 =	vsel vm4, $0x3F800000, v0;
	v1 =	vsel vm2, $0x3F800000, v0;
	[tilespmem:s30+$0x0] =	vst v2;
	v2 =	vsel vm3, $0x3F800000, v0  }
0x15e: {  	v11 =	vsel vm5, $0x3F800000, v0;
	v9 =	vsel vm9, $0x3F800000, v0;
	v12 =	vsel vm6, $0x3F800000, v0;
	[tilespmem:s30+$0x80] =	vst v3  }
.Ltmp4:
0x15f: {  	v7 =	vsel vm10, $0x3F800000, v0;
	v6 =	vsel vm8, $0x3F800000, v0;
	v8 =	vsel vm7, $0x3F800000, v0;
	[tilespmem:s30+$0x100] =	vst v1;
	(pc) =	sbr.rel @p0 .LBB2_10-.Ltmp4, $4  }
0x160: {  	v5 =	vsel vm11, $0x3F800000, v0;
	v4 =	vsel vm12, $0x3F800000, v0;
	v3 =	vsel vm13, $0x3F800000, v0;
	[tilespmem:s30+$0x180] =	vst v2  }
0x161: {  	v1 =	vsel vm0, $0x3F800000, v0;
	v2 =	vsel vm14, $0x3F800000, v0;
	[tilespmem:s30+$0x200] =	vst v10  }
0x162: {  	[tilespmem:s30+$0x280] =	vst v11  }
0x163: {  	s25 =	sadd.s32 $0x30, s25;
	[tilespmem:s30+$0x300] =	vst v12  }
0x164: {  	[tilespmem:s29+$0x0] =	vst v9  }
0x165: {  	[tilespmem:s23+$0x0] =	vst v8  }
0x166: {  	[tilespmem:s23+$0x80] =	vst v6  }
0x167: {  	[tilespmem:s23+$0x100] =	vst v7  }
0x168: {  	[tilespmem:s23+$0x180] =	vst v5  }
0x169: {  	[tilespmem:s23+$0x200] =	vst v4  }
0x16a: {  	[tilespmem:s23+$0x280] =	vst v3  }
0x16b: {  	[tilespmem:s23+$0x300] =	vst v2  }
0x16c: {  	s19 =	simm.s32 $0x0;
	s20 =	simm.s32 $0x2;
	[tilespmem:s22+$0x0] =	vst v1  }
0x16d: {  	[hbm4b:s8+s19] =	stream.linear.scatter [tilespmem:s19], [sflag:$0x1], $0xC400, $0x38;
	[tilespmem:$0x1A080] =	vst v63  }
0x16e: {  	_ =	swait.ge [sflag:s20], $0xC400  }
0x16f: {  	[sflag:s20] =	ssyncset.done $0x0  }
0x170: {  	s0 =	simm.s32 $0x18810;
	[sflag:s20] =	ssyncadd.s32 $0xFFFF3C00  }
0x171: {  	v1 =	vld [tilespmem:s0+$0x10]  }
0x172: {  	v2 =	vld [tilespmem:s0+$0xFFFFFFF0];
	_ =	sdelay $0x2  }
0x173: {  	s1 =	simm.s32 $0x20;
	s3 =	simm.s32 $0x100  }
0x174: {  	s1 =	sand.u32 $0x70, s1;
	s3 =	sand.u32 $0x1FC00, s3;
	vm0 =	veq.s32 v1, v39  }
0x175: {  	s24 =	sand.u32 $0x70, s19;
	s4 =	sand.u32 $0xFC00, s19;
	s1 =	sor.u32 s1, s3;
	vm8 =	veq.s32 v2, v45;
	v3 =	vsel vm0, $0x3F800000, v0  }
0x176: {  	s25 =	sor.u32 s24, s4;
	v4 =	vld [tilespmem:s0+$0x0];
	vm13 =	veq.s32 v1, v40;
	vm3 =	veq.s32 v2, v39;
	v10 =	vsel vm8, $0x3F800000, v0;
	[tilespmem:s1+$0xC400] =	vst v3  }
0x177: {  	vm14 =	veq.s32 v1, v41;
	vm4 =	veq.s32 v2, v40;
	v3 =	vsel vm13, $0x3F800000, v0;
	[tilespmem:s25+$0xC700] =	vst v10  }
0x178: {  	vm15 =	veq.s32 v1, v42;
	vm2 =	veq.s32 v2, v41;
	[tilespmem:s1+$0xC480] =	vst v3;
	v3 =	vsel vm14, $0x3F800000, v0  }
0x179: {  	vm1 =	veq.s32 v1, v43;
	vm5 =	veq.s32 v1, v44;
	[tilespmem:s1+$0xC500] =	vst v3;
	v3 =	vsel vm15, $0x3F800000, v0  }
0x17a: {  	vm6 =	veq.s32 v1, v45;
	vm7 =	veq.s32 v1, v46;
	[tilespmem:s1+$0xC580] =	vst v3;
	v3 =	vsel vm1, $0x3F800000, v0  }
0x17b: {  	s23 =	sand.u32 $0x7, s20;
	vm9 =	veq.s32 v4, v39;
	vm10 =	veq.s32 v4, v40;
	[tilespmem:s1+$0xC600] =	vst v3;
	v3 =	vsel vm5, $0x3F800000, v0  }
0x17c: {  	s0 =	sshll.u32 s23, $0x4;
	vm0 =	veq.s32 v2, v42;
	vm1 =	veq.s32 v2, v43;
	[tilespmem:s1+$0xC680] =	vst v3;
	v3 =	vsel vm6, $0x3F800000, v0  }
0x17d: {  	s0 =	sadd.s32 $0x100, s0;
	vm5 =	veq.s32 v2, v44;
	vm6 =	veq.s32 v2, v46;
	v2 =	vsel vm4, $0x3F800000, v0;
	[tilespmem:s1+$0xC700] =	vst v3  }
0x17e: {  	s0 =	sor.u32 $0x380, s0;
	vm11 =	veq.s32 v4, v44;
	vm12 =	veq.s32 v4, v46;
	v1 =	vsel vm7, $0x3F800000, v0;
	[tilespmem:s25+$0xC480] =	vst v2  }
0x17f: {  	s21 =	simm.s32 $0x1;
	s31 =	simm.s32 $0x10;
	s5 =	simm.s32 $0x80;
	vm7 =	veq.s32 v4, v42;
	v8 =	vsel vm9, $0x3F800000, v0;
	v2 =	vsel vm0, $0x3F800000, v0;
	[tilespmem:s0+$0xC400] =	vst v1  }
0x180: {  	s28 =	simm.s32 $0x0;
	s26 =	sand.u32 $0x7, s19;
	s30 =	sand.u32 $0x7, s21;
	v6 =	vsel vm10, $0x3F800000, v0;
	v5 =	vsel vm7, $0x3F800000, v0;
	v3 =	vsel vm5, $0x3F800000, v0;
	[tilespmem:s25+$0xC580] =	vst v2  }
0x181: {  	s5 =	sand.u32 $0x1FC00, s5;
	s3 =	sshll.u32 s30, $0x4;
	s4 =	sand.u32 $0x70, s31;
	vm4 =	veq.s32 v4, v43;
	v9 =	vsel vm6, $0x3F800000, v0;
	v1 =	vsel vm3, $0x3F800000, v0;
	[tilespmem:s25+$0xC680] =	vst v3  }
0x182: {  	s24 =	simm.s32 $0x0;
	s3 =	sadd.s32 $0x80, s3;
	vm3 =	veq.s32 v4, v41;
	s0 =	sshll.u32 s26, $0x4;
	v3 =	vsel vm11, $0x3F800000, v0;
	[tilespmem:s25+$0xC400] =	vst v1;
	v1 =	vsel vm2, $0x3F800000, v0  }
0x183: {  	s22 =	sor.u32 $0x380, s3;
	s23 =	sor.u32 s4, s5;
	vm2 =	veq.s32 v4, v45;
	s0 =	sadd.s32 $0x0, s0;
	v7 =	vsel vm3, $0x3F800000, v0;
	[tilespmem:s25+$0xC500] =	vst v1;
	v1 =	vsel vm1, $0x3F800000, v0  }
0x184: {  	s26 =	simm.s32 $0x0;
	v4 =	vsel vm4, $0x3F800000, v0;
	s29 =	sor.u32 $0x380, s0;
	v2 =	vsel vm2, $0x3F800000, v0;
	[tilespmem:s25+$0xC600] =	vst v1;
	v1 =	vsel vm12, $0x3F800000, v0;
	s25 =	simm.s32 $0x18840  }
.LBB2_12:
0x185: {  	v10 =	vld [tilespmem:s25+$0x10];
	[tilespmem:s29+$0xC400] =	vst v9;
	s19 =	sadd.s32 $0x3, s19  }
0x186: {  	s21 =	sadd.s32 $0x3, s21;
	s0 =	sand.u32 $0x7, s19;
	v9 =	vld [tilespmem:s25+$0xFFFFFFF0];
	[tilespmem:s23+$0xC400] =	vst v8  }
0x187: {  	s1 =	sand.u32 $0x7, s21;
	s0 =	sshll.u32 s0, $0x4;
	v8 =	vld [tilespmem:s25+$0x0];
	[tilespmem:s23+$0xC480] =	vst v6  }
0x188: {  	s26 =	sadd.s32 $0x180, s26;
	s28 =	sadd.s32 $0x30, s28;
	s1 =	sshll.u32 s1, $0x4;
	[tilespmem:s23+$0xC500] =	vst v7  }
0x189: {  	s3 =	sadd.s32 $0x10, s28;
	s4 =	sadd.s32 $0x20, s28;
	s5 =	sadd.s32 $0x100, s26;
	[tilespmem:s23+$0xC580] =	vst v5  }
0x18a: {  	s6 =	sadd.s32 $0x80, s26;
	s4 =	sand.u32 $0x70, s4;
	s13 =	sand.u32 $0x1FC00, s5;
	vm1 =	veq.s32 v10, v39;
	[tilespmem:s23+$0xC600] =	vst v4  }
0x18b: {  	s0 =	sadd.s32 s0, s26;
	s1 =	sadd.s32 s1, s6;
	s4 =	sor.u32 s4, s13;
	vm2 =	veq.s32 v10, v40;
	vm0 =	veq.s32 v9, v39;
	v4 =	vsel vm1, $0x3F800000, v0;
	[tilespmem:s23+$0xC680] =	vst v3  }
0x18c: {  	s24 =	sadd.s32 $0x3, s24;
	s3 =	sand.u32 $0x70, s3;
	s6 =	sand.u32 $0x1FC00, s6;
	vm3 =	veq.s32 v10, v41;
	vm1 =	veq.s32 v9, v40;
	v3 =	vsel vm2, $0x3F800000, v0;
	[tilespmem:s4+$0xC400] =	vst v4  }
0x18d: {  	s30 =	sand.u32 $0xFC00, s26;
	p0 =	slt.u32 s24, $0x180;
	s13 =	sand.u32 $0x70, s28;
	vm4 =	veq.s32 v10, v42;
	vm2 =	veq.s32 v9, v41;
	[tilespmem:s4+$0xC480] =	vst v3;
	v3 =	vsel vm3, $0x3F800000, v0  }
0x18e: {  	s20 =	sadd.s32 $0x3, s20;
	s29 =	sor.u32 $0x380, s0;
	s0 =	sor.u32 $0x380, s1;
	vm5 =	veq.s32 v10, v43;
	vm3 =	veq.s32 v9, v42;
	[tilespmem:s4+$0xC500] =	vst v3;
	v3 =	vsel vm4, $0x3F800000, v0  }
0x18f: {  	s1 =	sand.u32 $0x7, s20;
	s30 =	sor.u32 s13, s30;
	s3 =	sor.u32 s3, s6;
	vm6 =	veq.s32 v10, v44;
	vm4 =	veq.s32 v9, v43;
	[tilespmem:s4+$0xC580] =	vst v3;
	v3 =	vsel vm5, $0x3F800000, v0  }
0x190: {  	s1 =	sshll.u32 s1, $0x4;
	vm7 =	veq.s32 v10, v45;
	vm5 =	veq.s32 v9, v44;
	[tilespmem:s4+$0xC600] =	vst v3;
	v3 =	vsel vm6, $0x3F800000, v0  }
0x191: {  	vm8 =	veq.s32 v10, v46;
	s1 =	sadd.s32 s1, s5;
	vm6 =	veq.s32 v9, v45;
	[tilespmem:s4+$0xC680] =	vst v3;
	v3 =	vsel vm7, $0x3F800000, v0  }
0x192: {  	vm9 =	veq.s32 v9, v46;
	s1 =	sor.u32 $0x380, s1;
	vm7 =	veq.s32 v8, v39;
	[tilespmem:s4+$0xC700] =	vst v3;
	v3 =	vsel vm8, $0x3F800000, v0  }
0x193: {  	vm10 =	veq.s32 v8, v41;
	vm11 =	veq.s32 v8, v42;
	vm8 =	veq.s32 v8, v40;
	[tilespmem:s1+$0xC400] =	vst v3  }
0x194: {  	vm12 =	veq.s32 v8, v43;
	vm13 =	veq.s32 v8, v44;
	vm14 =	veq.s32 v8, v45;
	[tilespmem:s23+$0xC700] =	vst v2;
	s23 =	smov.u32 s3  }
0x195: {  	v3 =	vsel vm1, $0x3F800000, v0;
	v2 =	vsel vm0, $0x3F800000, v0;
	vm0 =	veq.s32 v8, v46;
	[tilespmem:s22+$0xC400] =	vst v1;
	s22 =	smov.u32 s0  }
0x196: {  	v10 =	vsel vm4, $0x3F800000, v0;
	v1 =	vsel vm2, $0x3F800000, v0;
	[tilespmem:s30+$0xC400] =	vst v2;
	v2 =	vsel vm3, $0x3F800000, v0  }
0x197: {  	v11 =	vsel vm5, $0x3F800000, v0;
	v9 =	vsel vm9, $0x3F800000, v0;
	v12 =	vsel vm6, $0x3F800000, v0;
	[tilespmem:s30+$0xC480] =	vst v3  }
.Ltmp5:
0x198: {  	v7 =	vsel vm10, $0x3F800000, v0;
	v6 =	vsel vm8, $0x3F800000, v0;
	v8 =	vsel vm7, $0x3F800000, v0;
	[tilespmem:s30+$0xC500] =	vst v1;
	(pc) =	sbr.rel @p0 .LBB2_12-.Ltmp5, $4  }
0x199: {  	v5 =	vsel vm11, $0x3F800000, v0;
	v4 =	vsel vm12, $0x3F800000, v0;
	v3 =	vsel vm13, $0x3F800000, v0;
	[tilespmem:s30+$0xC580] =	vst v2  }
0x19a: {  	v1 =	vsel vm0, $0x3F800000, v0;
	v2 =	vsel vm14, $0x3F800000, v0;
	[tilespmem:s30+$0xC600] =	vst v10  }
0x19b: {  	[tilespmem:s30+$0xC680] =	vst v11  }
0x19c: {  	s25 =	sadd.s32 $0x30, s25;
	[tilespmem:s30+$0xC700] =	vst v12  }
0x19d: {  	[tilespmem:s29+$0xC400] =	vst v9  }
0x19e: {  	[tilespmem:s23+$0xC400] =	vst v8  }
0x19f: {  	[tilespmem:s23+$0xC480] =	vst v6  }
0x1a0: {  	[tilespmem:s23+$0xC500] =	vst v7  }
0x1a1: {  	[tilespmem:s23+$0xC580] =	vst v5  }
0x1a2: {  	[tilespmem:s23+$0xC600] =	vst v4  }
0x1a3: {  	[tilespmem:s23+$0xC680] =	vst v3  }
0x1a4: {  	[tilespmem:s23+$0xC700] =	vst v2  }
0x1a5: {  	s19 =	simm.s32 $0x0;
	s20 =	simm.s32 $0x1;
	[tilespmem:s22+$0xC400] =	vst v1  }
0x1a6: {  	[hbm4b:s9+s19] =	stream.linear.scatter [tilespmem:s15], [sflag:$0x2], $0xC400, $0x38;
	[tilespmem:$0x1A080] =	vst v63  }
0x1a7: {  	_ =	swait.ge [sflag:s20], $0xC400  }
0x1a8: {  	[sflag:s20] =	ssyncset.done $0x0  }
0x1a9: {  	s0 =	simm.s32 $0x18810;
	[sflag:s20] =	ssyncadd.s32 $0xFFFF3C00  }
0x1aa: {  	v1 =	vld [tilespmem:s0+$0x10]  }
0x1ab: {  	v2 =	vld [tilespmem:s0+$0xFFFFFFF0];
	_ =	sdelay $0x2  }
0x1ac: {  	s1 =	simm.s32 $0x20;
	s3 =	simm.s32 $0x100  }
0x1ad: {  	s1 =	sand.u32 $0x70, s1;
	s3 =	sand.u32 $0x1FC00, s3;
	vm0 =	veq.s32 v1, v47  }
0x1ae: {  	s24 =	sand.u32 $0x70, s19;
	s4 =	sand.u32 $0xFC00, s19;
	s1 =	sor.u32 s1, s3;
	vm8 =	veq.s32 v2, v53;
	v3 =	vsel vm0, $0x3F800000, v0  }
0x1af: {  	s25 =	sor.u32 s24, s4;
	v4 =	vld [tilespmem:s0+$0x0];
	vm13 =	veq.s32 v1, v48;
	vm2 =	veq.s32 v2, v47;
	v10 =	vsel vm8, $0x3F800000, v0;
	[tilespmem:s1+$0x0] =	vst v3  }
0x1b0: {  	vm14 =	veq.s32 v1, v49;
	vm3 =	veq.s32 v2, v48;
	v3 =	vsel vm13, $0x3F800000, v0;
	[tilespmem:s25+$0x300] =	vst v10  }
0x1b1: {  	vm15 =	veq.s32 v1, v50;
	vm4 =	veq.s32 v2, v49;
	[tilespmem:s1+$0x80] =	vst v3;
	v3 =	vsel vm14, $0x3F800000, v0  }
0x1b2: {  	vm1 =	veq.s32 v1, v51;
	vm5 =	veq.s32 v1, v52;
	[tilespmem:s1+$0x100] =	vst v3;
	v3 =	vsel vm15, $0x3F800000, v0  }
0x1b3: {  	s21 =	simm.s32 $0x2;
	vm6 =	veq.s32 v1, v53;
	vm7 =	veq.s32 v1, v55;
	[tilespmem:s1+$0x180] =	vst v3;
	v3 =	vsel vm1, $0x3F800000, v0  }
0x1b4: {  	s23 =	sand.u32 $0x7, s21;
	vm9 =	veq.s32 v4, v47;
	vm10 =	veq.s32 v4, v48;
	[tilespmem:s1+$0x200] =	vst v3;
	v3 =	vsel vm5, $0x3F800000, v0  }
0x1b5: {  	s0 =	sshll.u32 s23, $0x4;
	vm0 =	veq.s32 v2, v50;
	vm1 =	veq.s32 v2, v51;
	[tilespmem:s1+$0x280] =	vst v3;
	v3 =	vsel vm6, $0x3F800000, v0  }
0x1b6: {  	s0 =	sadd.s32 $0x100, s0;
	vm5 =	veq.s32 v2, v52;
	vm6 =	veq.s32 v2, v55;
	v2 =	vsel vm3, $0x3F800000, v0;
	[tilespmem:s1+$0x300] =	vst v3  }
0x1b7: {  	s0 =	sor.u32 $0x380, s0;
	vm11 =	veq.s32 v4, v52;
	vm12 =	veq.s32 v4, v55;
	v1 =	vsel vm7, $0x3F800000, v0;
	[tilespmem:s25+$0x80] =	vst v2  }
0x1b8: {  	s31 =	simm.s32 $0x10;
	s5 =	simm.s32 $0x80;
	vm7 =	veq.s32 v4, v50;
	v8 =	vsel vm9, $0x3F800000, v0;
	v2 =	vsel vm0, $0x3F800000, v0;
	[tilespmem:s0+$0x0] =	vst v1  }
0x1b9: {  	s28 =	simm.s32 $0x0;
	s26 =	sand.u32 $0x7, s19;
	s30 =	sand.u32 $0x7, s20;
	v6 =	vsel vm10, $0x3F800000, v0;
	v5 =	vsel vm7, $0x3F800000, v0;
	v3 =	vsel vm5, $0x3F800000, v0;
	[tilespmem:s25+$0x180] =	vst v2  }
0x1ba: {  	s5 =	sand.u32 $0x1FC00, s5;
	s3 =	sshll.u32 s30, $0x4;
	s4 =	sand.u32 $0x70, s31;
	vm3 =	veq.s32 v4, v51;
	v9 =	vsel vm6, $0x3F800000, v0;
	v1 =	vsel vm2, $0x3F800000, v0;
	[tilespmem:s25+$0x280] =	vst v3  }
0x1bb: {  	s24 =	simm.s32 $0x0;
	s3 =	sadd.s32 $0x80, s3;
	vm2 =	veq.s32 v4, v49;
	s0 =	sshll.u32 s26, $0x4;
	v3 =	vsel vm11, $0x3F800000, v0;
	[tilespmem:s25+$0x0] =	vst v1;
	v1 =	vsel vm4, $0x3F800000, v0  }
0x1bc: {  	s22 =	sor.u32 $0x380, s3;
	s23 =	sor.u32 s4, s5;
	vm4 =	veq.s32 v4, v53;
	s0 =	sadd.s32 $0x0, s0;
	v7 =	vsel vm2, $0x3F800000, v0;
	[tilespmem:s25+$0x100] =	vst v1;
	v1 =	vsel vm1, $0x3F800000, v0  }
0x1bd: {  	s26 =	simm.s32 $0x0;
	v4 =	vsel vm3, $0x3F800000, v0;
	s29 =	sor.u32 $0x380, s0;
	v2 =	vsel vm4, $0x3F800000, v0;
	[tilespmem:s25+$0x200] =	vst v1;
	v1 =	vsel vm12, $0x3F800000, v0;
	s25 =	simm.s32 $0x18840  }
.LBB2_14:
0x1be: {  	v10 =	vld [tilespmem:s25+$0x10];
	[tilespmem:s29+$0x0] =	vst v9;
	s19 =	sadd.s32 $0x3, s19  }
0x1bf: {  	s20 =	sadd.s32 $0x3, s20;
	s0 =	sand.u32 $0x7, s19;
	v9 =	vld [tilespmem:s25+$0xFFFFFFF0];
	[tilespmem:s23+$0x0] =	vst v8  }
0x1c0: {  	s1 =	sand.u32 $0x7, s20;
	s0 =	sshll.u32 s0, $0x4;
	v8 =	vld [tilespmem:s25+$0x0];
	[tilespmem:s23+$0x80] =	vst v6  }
0x1c1: {  	s26 =	sadd.s32 $0x180, s26;
	s28 =	sadd.s32 $0x30, s28;
	s1 =	sshll.u32 s1, $0x4;
	[tilespmem:s23+$0x100] =	vst v7  }
0x1c2: {  	s3 =	sadd.s32 $0x10, s28;
	s4 =	sadd.s32 $0x20, s28;
	s5 =	sadd.s32 $0x100, s26;
	[tilespmem:s23+$0x180] =	vst v5  }
0x1c3: {  	s6 =	sadd.s32 $0x80, s26;
	s4 =	sand.u32 $0x70, s4;
	s13 =	sand.u32 $0x1FC00, s5;
	vm1 =	veq.s32 v10, v47;
	[tilespmem:s23+$0x200] =	vst v4  }
0x1c4: {  	s0 =	sadd.s32 s0, s26;
	s1 =	sadd.s32 s1, s6;
	s4 =	sor.u32 s4, s13;
	vm2 =	veq.s32 v10, v48;
	vm0 =	veq.s32 v9, v47;
	v4 =	vsel vm1, $0x3F800000, v0;
	[tilespmem:s23+$0x280] =	vst v3  }
0x1c5: {  	s24 =	sadd.s32 $0x3, s24;
	s3 =	sand.u32 $0x70, s3;
	s6 =	sand.u32 $0x1FC00, s6;
	vm3 =	veq.s32 v10, v49;
	vm1 =	veq.s32 v9, v48;
	v3 =	vsel vm2, $0x3F800000, v0;
	[tilespmem:s4+$0x0] =	vst v4  }
0x1c6: {  	s30 =	sand.u32 $0xFC00, s26;
	p0 =	slt.u32 s24, $0x180;
	s13 =	sand.u32 $0x70, s28;
	vm4 =	veq.s32 v10, v50;
	vm2 =	veq.s32 v9, v49;
	[tilespmem:s4+$0x80] =	vst v3;
	v3 =	vsel vm3, $0x3F800000, v0  }
0x1c7: {  	s21 =	sadd.s32 $0x3, s21;
	s29 =	sor.u32 $0x380, s0;
	s0 =	sor.u32 $0x380, s1;
	vm5 =	veq.s32 v10, v51;
	vm3 =	veq.s32 v9, v50;
	[tilespmem:s4+$0x100] =	vst v3;
	v3 =	vsel vm4, $0x3F800000, v0  }
0x1c8: {  	s1 =	sand.u32 $0x7, s21;
	s30 =	sor.u32 s13, s30;
	s3 =	sor.u32 s3, s6;
	vm6 =	veq.s32 v10, v52;
	vm4 =	veq.s32 v9, v51;
	[tilespmem:s4+$0x180] =	vst v3;
	v3 =	vsel vm5, $0x3F800000, v0  }
0x1c9: {  	s1 =	sshll.u32 s1, $0x4;
	vm7 =	veq.s32 v10, v53;
	vm5 =	veq.s32 v9, v52;
	[tilespmem:s4+$0x200] =	vst v3;
	v3 =	vsel vm6, $0x3F800000, v0  }
0x1ca: {  	vm8 =	veq.s32 v10, v55;
	s1 =	sadd.s32 s1, s5;
	vm6 =	veq.s32 v9, v53;
	[tilespmem:s4+$0x280] =	vst v3;
	v3 =	vsel vm7, $0x3F800000, v0  }
0x1cb: {  	vm9 =	veq.s32 v9, v55;
	s1 =	sor.u32 $0x380, s1;
	vm7 =	veq.s32 v8, v47;
	[tilespmem:s4+$0x300] =	vst v3;
	v3 =	vsel vm8, $0x3F800000, v0  }
0x1cc: {  	vm10 =	veq.s32 v8, v49;
	vm11 =	veq.s32 v8, v50;
	vm8 =	veq.s32 v8, v48;
	[tilespmem:s1+$0x0] =	vst v3  }
0x1cd: {  	vm12 =	veq.s32 v8, v51;
	vm13 =	veq.s32 v8, v52;
	vm14 =	veq.s32 v8, v53;
	[tilespmem:s23+$0x300] =	vst v2;
	s23 =	smov.u32 s3  }
0x1ce: {  	v3 =	vsel vm1, $0x3F800000, v0;
	v2 =	vsel vm0, $0x3F800000, v0;
	vm0 =	veq.s32 v8, v55;
	[tilespmem:s22+$0x0] =	vst v1;
	s22 =	smov.u32 s0  }
0x1cf: {  	v10 =	vsel vm4, $0x3F800000, v0;
	v1 =	vsel vm2, $0x3F800000, v0;
	[tilespmem:s30+$0x0] =	vst v2;
	v2 =	vsel vm3, $0x3F800000, v0  }
0x1d0: {  	v11 =	vsel vm5, $0x3F800000, v0;
	v9 =	vsel vm9, $0x3F800000, v0;
	v12 =	vsel vm6, $0x3F800000, v0;
	[tilespmem:s30+$0x80] =	vst v3  }
.Ltmp6:
0x1d1: {  	v7 =	vsel vm10, $0x3F800000, v0;
	v6 =	vsel vm8, $0x3F800000, v0;
	v8 =	vsel vm7, $0x3F800000, v0;
	[tilespmem:s30+$0x100] =	vst v1;
	(pc) =	sbr.rel @p0 .LBB2_14-.Ltmp6, $4  }
0x1d2: {  	v5 =	vsel vm11, $0x3F800000, v0;
	v4 =	vsel vm12, $0x3F800000, v0;
	v3 =	vsel vm13, $0x3F800000, v0;
	[tilespmem:s30+$0x180] =	vst v2  }
0x1d3: {  	v1 =	vsel vm0, $0x3F800000, v0;
	v2 =	vsel vm14, $0x3F800000, v0;
	[tilespmem:s30+$0x200] =	vst v10  }
0x1d4: {  	[tilespmem:s30+$0x280] =	vst v11  }
0x1d5: {  	s25 =	sadd.s32 $0x30, s25;
	[tilespmem:s30+$0x300] =	vst v12  }
0x1d6: {  	[tilespmem:s29+$0x0] =	vst v9  }
0x1d7: {  	[tilespmem:s23+$0x0] =	vst v8  }
0x1d8: {  	[tilespmem:s23+$0x80] =	vst v6  }
0x1d9: {  	[tilespmem:s23+$0x100] =	vst v7  }
0x1da: {  	[tilespmem:s23+$0x180] =	vst v5  }
0x1db: {  	[tilespmem:s23+$0x200] =	vst v4  }
0x1dc: {  	[tilespmem:s23+$0x280] =	vst v3  }
0x1dd: {  	[tilespmem:s23+$0x300] =	vst v2  }
0x1de: {  	s19 =	simm.s32 $0x0;
	s20 =	simm.s32 $0x2;
	[tilespmem:s22+$0x0] =	vst v1  }
0x1df: {  	[hbm4b:s10+s19] =	stream.linear.scatter [tilespmem:s19], [sflag:$0x1], $0xC400, $0x38;
	[tilespmem:$0x1A080] =	vst v63  }
0x1e0: {  	_ =	swait.ge [sflag:s20], $0xC400  }
0x1e1: {  	[sflag:s20] =	ssyncset.done $0x0  }
0x1e2: {  	s0 =	simm.s32 $0x18810;
	[sflag:s20] =	ssyncadd.s32 $0xFFFF3C00  }
0x1e3: {  	v1 =	vld [tilespmem:s0+$0x10]  }
0x1e4: {  	v2 =	vld [tilespmem:s0+$0xFFFFFFF0];
	_ =	sdelay $0x2  }
0x1e5: {  	s1 =	simm.s32 $0x20;
	s3 =	simm.s32 $0x100  }
0x1e6: {  	s1 =	sand.u32 $0x70, s1;
	s3 =	sand.u32 $0x1FC00, s3;
	vm0 =	veq.s32 v1, v56  }
0x1e7: {  	s24 =	sand.u32 $0x70, s19;
	s4 =	sand.u32 $0xFC00, s19;
	s1 =	sor.u32 s1, s3;
	vm8 =	veq.s32 v2, v62;
	v3 =	vsel vm0, $0x3F800000, v0  }
0x1e8: {  	s25 =	sor.u32 s24, s4;
	v4 =	vld [tilespmem:s0+$0x0];
	vm13 =	veq.s32 v1, v57;
	vm3 =	veq.s32 v2, v56;
	v10 =	vsel vm8, $0x3F800000, v0;
	[tilespmem:s1+$0xC400] =	vst v3  }
0x1e9: {  	vm14 =	veq.s32 v1, v58;
	vm4 =	veq.s32 v2, v57;
	v3 =	vsel vm13, $0x3F800000, v0;
	[tilespmem:s25+$0xC700] =	vst v10  }
0x1ea: {  	vm15 =	veq.s32 v1, v59;
	vm2 =	veq.s32 v2, v58;
	[tilespmem:s1+$0xC480] =	vst v3;
	v3 =	vsel vm14, $0x3F800000, v0  }
0x1eb: {  	vm1 =	veq.s32 v1, v60;
	vm5 =	veq.s32 v1, v61;
	[tilespmem:s1+$0xC500] =	vst v3;
	v3 =	vsel vm15, $0x3F800000, v0  }
0x1ec: {  	vm6 =	veq.s32 v1, v62;
	vm7 =	veq.s32 v1, v63;
	[tilespmem:s1+$0xC580] =	vst v3;
	v3 =	vsel vm1, $0x3F800000, v0  }
0x1ed: {  	s23 =	sand.u32 $0x7, s20;
	vm9 =	veq.s32 v4, v56;
	vm10 =	veq.s32 v4, v57;
	[tilespmem:s1+$0xC600] =	vst v3;
	v3 =	vsel vm5, $0x3F800000, v0  }
0x1ee: {  	s0 =	sshll.u32 s23, $0x4;
	vm0 =	veq.s32 v2, v59;
	vm1 =	veq.s32 v2, v60;
	[tilespmem:s1+$0xC680] =	vst v3;
	v3 =	vsel vm6, $0x3F800000, v0  }
0x1ef: {  	s0 =	sadd.s32 $0x100, s0;
	vm5 =	veq.s32 v2, v61;
	vm6 =	veq.s32 v2, v63;
	v2 =	vsel vm4, $0x3F800000, v0;
	[tilespmem:s1+$0xC700] =	vst v3  }
0x1f0: {  	s0 =	sor.u32 $0x380, s0;
	vm11 =	veq.s32 v4, v61;
	vm12 =	veq.s32 v4, v63;
	v1 =	vsel vm7, $0x3F800000, v0;
	[tilespmem:s25+$0xC480] =	vst v2  }
0x1f1: {  	s21 =	simm.s32 $0x1;
	s31 =	simm.s32 $0x10;
	s5 =	simm.s32 $0x80;
	vm7 =	veq.s32 v4, v59;
	v8 =	vsel vm9, $0x3F800000, v0;
	v2 =	vsel vm0, $0x3F800000, v0;
	[tilespmem:s0+$0xC400] =	vst v1  }
0x1f2: {  	s28 =	simm.s32 $0x0;
	s26 =	sand.u32 $0x7, s19;
	s30 =	sand.u32 $0x7, s21;
	v6 =	vsel vm10, $0x3F800000, v0;
	v5 =	vsel vm7, $0x3F800000, v0;
	v3 =	vsel vm5, $0x3F800000, v0;
	[tilespmem:s25+$0xC580] =	vst v2  }
0x1f3: {  	s5 =	sand.u32 $0x1FC00, s5;
	s3 =	sshll.u32 s30, $0x4;
	s4 =	sand.u32 $0x70, s31;
	vm4 =	veq.s32 v4, v60;
	v9 =	vsel vm6, $0x3F800000, v0;
	v1 =	vsel vm3, $0x3F800000, v0;
	[tilespmem:s25+$0xC680] =	vst v3  }
0x1f4: {  	s24 =	simm.s32 $0x0;
	s3 =	sadd.s32 $0x80, s3;
	vm3 =	veq.s32 v4, v58;
	s0 =	sshll.u32 s26, $0x4;
	v3 =	vsel vm11, $0x3F800000, v0;
	[tilespmem:s25+$0xC400] =	vst v1;
	v1 =	vsel vm2, $0x3F800000, v0  }
0x1f5: {  	s22 =	sor.u32 $0x380, s3;
	s23 =	sor.u32 s4, s5;
	vm2 =	veq.s32 v4, v62;
	s0 =	sadd.s32 $0x0, s0;
	v7 =	vsel vm3, $0x3F800000, v0;
	[tilespmem:s25+$0xC500] =	vst v1;
	v1 =	vsel vm1, $0x3F800000, v0  }
0x1f6: {  	s26 =	simm.s32 $0x0;
	v4 =	vsel vm4, $0x3F800000, v0;
	s29 =	sor.u32 $0x380, s0;
	v2 =	vsel vm2, $0x3F800000, v0;
	[tilespmem:s25+$0xC600] =	vst v1;
	v1 =	vsel vm12, $0x3F800000, v0;
	s25 =	simm.s32 $0x18840  }
.LBB2_16:
0x1f7: {  	v10 =	vld [tilespmem:s25+$0x10];
	[tilespmem:s29+$0xC400] =	vst v9;
	s19 =	sadd.s32 $0x3, s19  }
0x1f8: {  	s21 =	sadd.s32 $0x3, s21;
	s0 =	sand.u32 $0x7, s19;
	v9 =	vld [tilespmem:s25+$0xFFFFFFF0];
	[tilespmem:s23+$0xC400] =	vst v8  }
0x1f9: {  	s1 =	sand.u32 $0x7, s21;
	s0 =	sshll.u32 s0, $0x4;
	v8 =	vld [tilespmem:s25+$0x0];
	[tilespmem:s23+$0xC480] =	vst v6  }
0x1fa: {  	s26 =	sadd.s32 $0x180, s26;
	s28 =	sadd.s32 $0x30, s28;
	s1 =	sshll.u32 s1, $0x4;
	[tilespmem:s23+$0xC500] =	vst v7  }
0x1fb: {  	s3 =	sadd.s32 $0x10, s28;
	s4 =	sadd.s32 $0x20, s28;
	s5 =	sadd.s32 $0x100, s26;
	[tilespmem:s23+$0xC580] =	vst v5  }
0x1fc: {  	s6 =	sadd.s32 $0x80, s26;
	s4 =	sand.u32 $0x70, s4;
	s13 =	sand.u32 $0x1FC00, s5;
	vm1 =	veq.s32 v10, v56;
	[tilespmem:s23+$0xC600] =	vst v4  }
0x1fd: {  	s0 =	sadd.s32 s0, s26;
	s1 =	sadd.s32 s1, s6;
	s4 =	sor.u32 s4, s13;
	vm2 =	veq.s32 v10, v57;
	vm0 =	veq.s32 v9, v56;
	v4 =	vsel vm1, $0x3F800000, v0;
	[tilespmem:s23+$0xC680] =	vst v3  }
0x1fe: {  	s24 =	sadd.s32 $0x3, s24;
	s3 =	sand.u32 $0x70, s3;
	s6 =	sand.u32 $0x1FC00, s6;
	vm3 =	veq.s32 v10, v58;
	vm1 =	veq.s32 v9, v57;
	v3 =	vsel vm2, $0x3F800000, v0;
	[tilespmem:s4+$0xC400] =	vst v4  }
0x1ff: {  	s30 =	sand.u32 $0xFC00, s26;
	p0 =	slt.u32 s24, $0x180;
	s13 =	sand.u32 $0x70, s28;
	vm4 =	veq.s32 v10, v59;
	vm2 =	veq.s32 v9, v58;
	[tilespmem:s4+$0xC480] =	vst v3;
	v3 =	vsel vm3, $0x3F800000, v0  }
0x200: {  	s20 =	sadd.s32 $0x3, s20;
	s29 =	sor.u32 $0x380, s0;
	s0 =	sor.u32 $0x380, s1;
	vm5 =	veq.s32 v10, v60;
	vm3 =	veq.s32 v9, v59;
	[tilespmem:s4+$0xC500] =	vst v3;
	v3 =	vsel vm4, $0x3F800000, v0  }
0x201: {  	s1 =	sand.u32 $0x7, s20;
	s30 =	sor.u32 s13, s30;
	s3 =	sor.u32 s3, s6;
	vm6 =	veq.s32 v10, v61;
	vm4 =	veq.s32 v9, v60;
	[tilespmem:s4+$0xC580] =	vst v3;
	v3 =	vsel vm5, $0x3F800000, v0  }
0x202: {  	s1 =	sshll.u32 s1, $0x4;
	vm7 =	veq.s32 v10, v62;
	vm5 =	veq.s32 v9, v61;
	[tilespmem:s4+$0xC600] =	vst v3;
	v3 =	vsel vm6, $0x3F800000, v0  }
0x203: {  	vm8 =	veq.s32 v10, v63;
	s1 =	sadd.s32 s1, s5;
	vm6 =	veq.s32 v9, v62;
	[tilespmem:s4+$0xC680] =	vst v3;
	v3 =	vsel vm7, $0x3F800000, v0  }
0x204: {  	vm9 =	veq.s32 v9, v63;
	s1 =	sor.u32 $0x380, s1;
	vm7 =	veq.s32 v8, v56;
	[tilespmem:s4+$0xC700] =	vst v3;
	v3 =	vsel vm8, $0x3F800000, v0  }
0x205: {  	vm10 =	veq.s32 v8, v58;
	vm11 =	veq.s32 v8, v59;
	vm8 =	veq.s32 v8, v57;
	[tilespmem:s1+$0xC400] =	vst v3  }
0x206: {  	vm12 =	veq.s32 v8, v60;
	vm13 =	veq.s32 v8, v61;
	vm14 =	veq.s32 v8, v62;
	[tilespmem:s23+$0xC700] =	vst v2;
	s23 =	smov.u32 s3  }
0x207: {  	v3 =	vsel vm1, $0x3F800000, v0;
	v2 =	vsel vm0, $0x3F800000, v0;
	vm0 =	veq.s32 v8, v63;
	[tilespmem:s22+$0xC400] =	vst v1;
	s22 =	smov.u32 s0  }
0x208: {  	v10 =	vsel vm4, $0x3F800000, v0;
	v1 =	vsel vm2, $0x3F800000, v0;
	[tilespmem:s30+$0xC400] =	vst v2;
	v2 =	vsel vm3, $0x3F800000, v0  }
0x209: {  	v11 =	vsel vm5, $0x3F800000, v0;
	v9 =	vsel vm9, $0x3F800000, v0;
	v12 =	vsel vm6, $0x3F800000, v0;
	[tilespmem:s30+$0xC480] =	vst v3  }
.Ltmp7:
0x20a: {  	v7 =	vsel vm10, $0x3F800000, v0;
	v6 =	vsel vm8, $0x3F800000, v0;
	v8 =	vsel vm7, $0x3F800000, v0;
	[tilespmem:s30+$0xC500] =	vst v1;
	(pc) =	sbr.rel @p0 .LBB2_16-.Ltmp7, $4  }
0x20b: {  	v5 =	vsel vm11, $0x3F800000, v0;
	v4 =	vsel vm12, $0x3F800000, v0;
	v3 =	vsel vm13, $0x3F800000, v0;
	[tilespmem:s30+$0xC580] =	vst v2  }
0x20c: {  	v1 =	vsel vm0, $0x3F800000, v0;
	v2 =	vsel vm14, $0x3F800000, v0;
	[tilespmem:s30+$0xC600] =	vst v10  }
0x20d: {  	[tilespmem:s30+$0xC680] =	vst v11  }
0x20e: {  	s25 =	sadd.s32 $0x30, s25;
	[tilespmem:s30+$0xC700] =	vst v12  }
0x20f: {  	[tilespmem:s29+$0xC400] =	vst v9  }
0x210: {  	[tilespmem:s23+$0xC400] =	vst v8  }
0x211: {  	[tilespmem:s23+$0xC480] =	vst v6  }
0x212: {  	[tilespmem:s23+$0xC500] =	vst v7  }
0x213: {  	[tilespmem:s23+$0xC580] =	vst v5  }
0x214: {  	[tilespmem:s23+$0xC600] =	vst v4  }
0x215: {  	[tilespmem:s23+$0xC680] =	vst v3  }
0x216: {  	[tilespmem:s23+$0xC700] =	vst v2  }
0x217: {  	[tilespmem:s22+$0xC400] =	vst v1  }
0x218: {  	[hbm4b:s11+s2] =	stream.linear.scatter [tilespmem:s15], [sflag:$0x2], $0xC400, $0x38;
	[tilespmem:$0x1A080] =	vst v63  }
0x219: {  	_ =	swait.ge [sflag:s16], $0xC400  }
0x21a: {  	[sflag:s16] =	ssyncset.done $0x0  }
0x21b: {  	[sflag:s16] =	ssyncadd.s32 $0xFFFF3C00  }
0x21c: {  	_ =	swait.ge [sflag:s17], $0xC400  }
0x21d: {  	s18 =	sadd.s32 $0x1, s18;
	v5 =	vld [tilespmem:$0x1FEA0]  }
0x21e: {  	p0 =	sne.s32 s18, s12;
	v6 =	vld [tilespmem:$0x1FEB0]  }
.Ltmp8:
0x21f: {  	v7 =	vld [tilespmem:$0x1FEC0];
	(pc) =	sbr.rel @p0 .LBB2_1-.Ltmp8, $4  }
0x220: {  	v8 =	vld [tilespmem:$0x1FED0]  }
0x221: {  	v9 =	vld [tilespmem:$0x1FEE0]  }
0x222: {  	[sflag:s17] =	ssyncset.done $0x0;
	v10 =	vld [tilespmem:$0x1FEF0]  }
0x223: {  	v11 =	vld [tilespmem:$0x1FF00];
	[sflag:s17] =	ssyncadd.s32 $0xFFFF3C00  }
0x224: {  	_ =	sfence.sel $0x180000  }
0x225: {  	[bflag:$0x0] =	sbarrier.arrive $0xFFFF  }
0x226: {  	_ =	strace $0x90000047  }
0x227: {  	s0 =	stileid.u32;
	[bflag:$0x2] =	sbarrier.arrive $0xFFFF  }
0x228: {  	p0 =	sne.s32 s0, $0x0;
	s0 =	rddreg [dreg:$0x2]  }
0x229: {  	s0 =	sadd.s32 @!p0 $0x100000, s0  }
0x22a: {  	[sflag:s0] =	ssyncadd.tile.s32 @!p0 $0x1;
	_ =	shalt  }
.Lfunc_end2:
_tile_overlayer_lowered:
.L_overlay_start_2:
0x22b: {  	(tag) =	ssettag $0x2  }
0x22c: {  	s0 =	rddreg [dreg:$0x0];
	s2 =	stileid.u32  }
0x22d: {  	s1 =	rddreg [dreg:$0x1];
	p0 =	sne.s32 s2, $0x0  }
0x22e: {  	s3 =	rddreg [dreg:$0x2];
	[bflag:$0x3] =	sbarrier.arrive $0xFFFF;
	s2 =	simm.s32 @!p0 $0x1C03  }
0x22f: {  	[timem:s3], [sflag:s2] =	dma.local @!p0 [hbm:s0], s1  }
0x230: {  	s0 =	simm.s32 @!p0 $0x3  }
0x231: {  	_ =	swait.ge @!p0 [sflag:s0], s1  }
0x232: {  	s1 =	ssub.s32 @!p0 $0x0, s1;
	[sflag:s0] =	ssyncset.done @!p0 $0x0  }
0x233: {  	[sflag:s0] =	ssyncadd.s32 @!p0 s1  }
0x234: {  	[bflag:$0x3] =	sbarrier.arrive $0xFFFF  }
0x235: {  	_ =	shalt  }

</sc_bundles>
